<compile_context>
chip_gen: v7x
topology: tpu7x:2x2x1
jax: 0.10.2.dev20260603
libtpu: 0.0.44.dev20260713+nightly
codegen_flags: <defaults>
</compile_context>

<pallas_src>
import functools
import math

import jax
import jax.numpy as jnp
from jax import lax
from jax.experimental import pallas as pl
from jax.experimental.pallas import tpu as pltpu
from jax.experimental.pallas import tpu_sc as plsc

N_NODES = 100000
NC, NS = 2, 16
NW = NC * NS
K1 = 6
K2 = 8
ZROWS = 112
ROWS_PER_TILE = 56 * ZROWS
N_PAD = NS * ROWS_PER_TILE
FA = 16
F = 8

_mesh = plsc.VectorSubcoreMesh(
    core_axis_name="c", subcore_axis_name="s", num_cores=NC, num_subcores=NS)

_sc_params = pltpu.CompilerParams(use_tc_tiling_on_sc=False)


def _edge_loop(n_chunks, load_idx, fire_gathers, fire_scatters, bufs):
  sidx0, didx0, sidx1, didx1, rows0, rows1 = bufs

  def pair(i, carry):
    load_idx(2 * i, sidx0, didx0)
    ga = fire_gathers(sidx0, rows0)
    load_idx(2 * i + 1, sidx1, didx1)
    for cp in ga:
      cp.wait()
    sa = fire_scatters(didx0, rows0)
    gb = fire_gathers(sidx1, rows1)
    for cp in gb:
      cp.wait()
    sb = fire_scatters(didx1, rows1)
    for cp in sa:
      cp.wait()
    for cp in sb:
      cp.wait()
    return carry

  lax.fori_loop(0, n_chunks // 2, pair, 0)


def _make_pass1(n_chunks, K=K1):

  @functools.partial(
      pl.kernel,
      out_type=jax.ShapeDtypeStruct((NC, N_PAD, FA), jnp.float32),
      mesh=_mesh,
      compiler_params=_sc_params,
      scratch_types=[
          pltpu.VMEM_SHARED((N_PAD, FA), jnp.float32),
          pltpu.VMEM((K, 128), jnp.int32),
          pltpu.VMEM((K, 128), jnp.int32),
          pltpu.VMEM((K, 128), jnp.int32),
          pltpu.VMEM((K, 128), jnp.int32),
          pltpu.VMEM((K * 128, FA), jnp.float32),
          pltpu.VMEM((K * 128, FA), jnp.float32),
          pltpu.VMEM((ZROWS, FA), jnp.float32),
          pltpu.SemaphoreType.DMA,
          pltpu.SemaphoreType.DMA,
      ],
  )
  def sc_pass(src_hbm, dst_hbm, table_hbm, acc_out, acc_sh, sidx0, didx0,
              sidx1, didx1, rows0, rows1, zbuf, sem_g, sem_s):
    c = lax.axis_index("c")
    s = lax.axis_index("s")

    def zb(i, carry):
      zbuf[i, :] = jnp.zeros((16,), jnp.float32)
      return carry

    lax.fori_loop(0, ZROWS, zb, 0)

    base_row = s * ROWS_PER_TILE

    def zc(r, carry):
      pltpu.sync_copy(zbuf, acc_sh.at[pl.ds(base_row + r * ZROWS, ZROWS)])
      return carry

    lax.fori_loop(0, ROWS_PER_TILE // ZROWS, zc, 0)
    plsc.subcore_barrier()

    w = c * NS + s


    def load_idx(g, sidx, didx):
      row0 = (w * n_chunks + g) * K
      pltpu.sync_copy(src_hbm.at[pl.ds(row0, K)], sidx)
      pltpu.sync_copy(dst_hbm.at[pl.ds(row0, K)], didx)

    def fire_gathers(sidx, rows):
      return [
          pltpu.async_copy(table_hbm.at[sidx.at[j]],
                           rows.at[pl.ds(j * 128, 128)], sem_g)
          for j in range(K)
      ]

    def fire_scatters(didx, rows):
      return [
          pltpu.async_copy(rows.at[pl.ds(j * 128, 128)],
                           acc_sh.at[didx.at[j]], sem_s, add=True)
          for j in range(K)
      ]

    _edge_loop(n_chunks, load_idx, fire_gathers, fire_scatters,
               (sidx0, didx0, sidx1, didx1, rows0, rows1))
    plsc.subcore_barrier()

    pltpu.sync_copy(acc_sh.at[pl.ds(base_row, ROWS_PER_TILE)],
                    acc_out.at[c, pl.ds(base_row, ROWS_PER_TILE)])

  return sc_pass


def _make_pass2(n_chunks, K=K2):

  @functools.partial(
      pl.kernel,
      out_type=jax.ShapeDtypeStruct((NC, N_PAD, F), jnp.float32),
      mesh=_mesh,
      compiler_params=_sc_params,
      scratch_types=[
          pltpu.VMEM_SHARED((N_PAD, F), jnp.float32),
          pltpu.VMEM_SHARED((N_PAD, F), jnp.float32),
          pltpu.VMEM((K, 128), jnp.int32),
          pltpu.VMEM((K, 128), jnp.int32),
          pltpu.VMEM((K, 128), jnp.int32),
          pltpu.VMEM((K, 128), jnp.int32),
          pltpu.VMEM((K * 128, F), jnp.float32),
          pltpu.VMEM((K * 128, F), jnp.float32),
          pltpu.VMEM((ZROWS, F), jnp.float32),
          pltpu.SemaphoreType.DMA,
          pltpu.SemaphoreType.DMA,
      ],
  )
  def sc_pass(src_hbm, dst_hbm, table_hbm, acc_out, acc_sh, table_sp,
              sidx0, didx0, sidx1, didx1, rows0, rows1, zbuf, sem_g, sem_s):
    c = lax.axis_index("c")
    s = lax.axis_index("s")

    def zb(i, carry):
      zbuf[i, :] = jnp.zeros((16,), jnp.float32)[:F]
      return carry

    lax.fori_loop(0, ZROWS, zb, 0)

    base_row = s * ROWS_PER_TILE
    def stage(r, carry):
      row = base_row + r * ZROWS
      pltpu.sync_copy(table_hbm.at[pl.ds(row, ZROWS)], rows0.at[pl.ds(0, ZROWS)])
      pltpu.sync_copy(rows0.at[pl.ds(0, ZROWS)], table_sp.at[pl.ds(row, ZROWS)])
      pltpu.sync_copy(zbuf, acc_sh.at[pl.ds(row, ZROWS)])
      return carry

    lax.fori_loop(0, ROWS_PER_TILE // ZROWS, stage, 0)
    plsc.subcore_barrier()

    w = c * NS + s

    def load_idx(g, sidx, didx):
      row0 = (w * n_chunks + g) * K
      pltpu.sync_copy(src_hbm.at[pl.ds(row0, K)], sidx)
      pltpu.sync_copy(dst_hbm.at[pl.ds(row0, K)], didx)

    def fire_gathers(sidx, rows):
      return [
          pltpu.async_copy(table_sp.at[sidx.at[j]],
                           rows.at[pl.ds(j * 128, 128)], sem_g)
          for j in range(K)
      ]

    def fire_scatters(didx, rows):
      return [
          pltpu.async_copy(rows.at[pl.ds(j * 128, 128)],
                           acc_sh.at[didx.at[j]], sem_s, add=True)
          for j in range(K)
      ]

    _edge_loop(n_chunks, load_idx, fire_gathers, fire_scatters,
               (sidx0, didx0, sidx1, didx1, rows0, rows1))
    plsc.subcore_barrier()

    pltpu.sync_copy(acc_sh.at[pl.ds(base_row, ROWS_PER_TILE)],
                    acc_out.at[c, pl.ds(base_row, ROWS_PER_TILE)])

  return sc_pass


_BLK1 = 2048


def _tc_mean(acc):

  def body(acc_ref, out_ref):
    a = acc_ref[0] + acc_ref[1]
    cnt = a[:, 8:9]
    out_ref[...] = a[:, 0:8] / jnp.maximum(cnt, 1.0)

  return pl.pallas_call(
      body,
      grid=(N_PAD // _BLK1,),
      in_specs=[pl.BlockSpec((NC, _BLK1, FA), lambda i: (0, i, 0))],
      out_specs=pl.BlockSpec((_BLK1, F), lambda i: (i, 0)),
      out_shape=jax.ShapeDtypeStruct((N_PAD, F), jnp.float32),
  )(acc)


_BLK2 = 2000


def _tc_final(x, m1, acc1, acc2, w1l, w1r, b1, w2l, w2r, b2):

  def body(x_ref, m1_ref, acc1_ref, acc2_ref, w1l_ref, w1r_ref, b1_ref,
           w2l_ref, w2r_ref, b2_ref, out_ref):
    cnt = (acc1_ref[0] + acc1_ref[1])[:, 8:9]
    m2 = (acc2_ref[0] + acc2_ref[1]) / jnp.maximum(cnt, 1.0)
    mask = (cnt > 0.0).astype(jnp.float32)
    m1b = m1_ref[...]
    dot = functools.partial(jnp.dot, preferred_element_type=jnp.float32)
    h = dot(m1b, w1l_ref[...]) + b1_ref[...] + dot(x_ref[...], w1r_ref[...])
    ah = dot(m2, w1l_ref[...]) + mask * b1_ref[...] + dot(m1b, w1r_ref[...])
    out_ref[...] = dot(ah, w2l_ref[...]) + b2_ref[...] + dot(h, w2r_ref[...])

  return pl.pallas_call(
      body,
      grid=(N_NODES // _BLK2,),
      in_specs=[
          pl.BlockSpec((_BLK2, 8), lambda i: (i, 0)),
          pl.BlockSpec((_BLK2, F), lambda i: (i, 0)),
          pl.BlockSpec((NC, _BLK2, FA), lambda i: (0, i, 0)),
          pl.BlockSpec((NC, _BLK2, F), lambda i: (0, i, 0)),
          pl.BlockSpec((8, 16), lambda i: (0, 0)),
          pl.BlockSpec((8, 16), lambda i: (0, 0)),
          pl.BlockSpec((1, 16), lambda i: (0, 0)),
          pl.BlockSpec((16, 8), lambda i: (0, 0)),
          pl.BlockSpec((16, 8), lambda i: (0, 0)),
          pl.BlockSpec((1, 8), lambda i: (0, 0)),
      ],
      out_specs=pl.BlockSpec((_BLK2, 8), lambda i: (i, 0)),
      out_shape=jax.ShapeDtypeStruct((N_NODES, 8), jnp.float32),
  )(x, m1, acc1, acc2, w1l, w1r, b1, w2l, w2r, b2)


def kernel(x, edge_index, W1_l, W1_r, b1, W2_l, W2_r, b2):
  ei = edge_index.astype(jnp.int32)
  src, dst = ei[0], ei[1]
  e = src.shape[0]
  grain1, grain2 = NW * K1 * 128 * 2, NW * K2 * 128 * 2
  grain = math.lcm(grain1, grain2)
  e_pad = grain * -(-e // grain)
  n1 = e_pad // (NW * K1 * 128)
  n2 = e_pad // (NW * K2 * 128)
  pad = e_pad - e
  ar = jnp.arange(pad, dtype=jnp.int32)
  src_p = jnp.concatenate([src, ar % N_NODES]).reshape(e_pad // 128, 128)
  dst_p = jnp.concatenate(
      [dst, N_NODES + ar % (N_PAD - N_NODES)]).reshape(e_pad // 128, 128)

  n = x.shape[0]
  x_aug = jnp.concatenate(
      [x, jnp.ones((n, 1), x.dtype), jnp.zeros((n, 7), x.dtype)], axis=1)

  acc1 = _make_pass1(n1)(src_p, dst_p, x_aug)
  m1 = _tc_mean(acc1)
  acc2 = _make_pass2(n2)(src_p, dst_p, m1)

  return _tc_final(x, m1, acc1, acc2, W1_l, W1_r, b1.reshape(1, 16), W2_l,
                   W2_r, b2.reshape(1, 8))

# --- scband reference (transcript-rebuilt; emitter-appended) ---
"""Pipeline reference for scband-my-model-11879879543894 (READ-ONLY COPY).

The authoritative reference and input builder live on the scoring server;
editing this copy changes nothing except your own understanding.
"""

import jax, jax.numpy as jnp
import numpy as np

N_NODES = 100000
N_EDGES = 6400000


def _sage_conv(x, edge_index, W_l, W_r, b_l):
    # PyG SAGEConv (aggr='mean'): out = lin_l(mean_{j->i} x_j) + lin_r(x_i)
    src = edge_index[0]
    dst = edge_index[1]
    n = x.shape[0]
    msg = x[src]  # gather source node features
    summed = jax.ops.segment_sum(msg, dst, num_segments=n)
    cnt = jax.ops.segment_sum(jnp.ones((edge_index.shape[1],), dtype=x.dtype), dst, num_segments=n)
    mean = summed / jnp.maximum(cnt, 1.0)[:, None]
    return mean @ W_l + b_l + x @ W_r


def setup_inputs(seed: int = 0) -> dict:
    key = jax.random.key(seed)
    k_x, k1, k2, k3, k4, k_e = jax.random.split(key, 6)
    x = jax.random.normal(k_x, (N_NODES, 8), dtype=jnp.float32)
    edge_index = jax.random.randint(k_e, (2, N_EDGES), 0, N_NODES, dtype=jnp.int64)
    # SAGEConv(8, 16): lin_l (with bias) and lin_r (no bias)
    W1_l = jax.random.normal(k1, (8, 16), dtype=jnp.float32) * (1.0 / np.sqrt(8))
    W1_r = jax.random.normal(k2, (8, 16), dtype=jnp.float32) * (1.0 / np.sqrt(8))
    b1 = jnp.zeros((16,), dtype=jnp.float32)
    # SAGEConv(16, 8)
    W2_l = jax.random.normal(k3, (16, 8), dtype=jnp.float32) * (1.0 / np.sqrt(16))
    W2_r = jax.random.normal(k4, (16, 8), dtype=jnp.float32) * (1.0 / np.sqrt(16))
    b2 = jnp.zeros((8,), dtype=jnp.float32)
    return {"x": x, "edge_index": edge_index, "W1_l": W1_l, "W1_r": W1_r, "b1": b1,
            "W2_l": W2_l, "W2_r": W2_r, "b2": b2}


def reference(x, edge_index, W1_l, W1_r, b1, W2_l, W2_r, b2):
    h = _sage_conv(x, edge_index, W1_l, W1_r, b1)
    out = _sage_conv(h, edge_index, W2_l, W2_r, b2)
    return out

if __name__ == "__main__":
    import jax
    _d = setup_inputs()
    print(jax.jit(kernel)(*tuple(_d.values())))

</pallas_src>

<mosaic_0001>
#map = affine_map<(d0, d1) -> (0, 0)>
#map1 = affine_map<(d0, d1) -> (0, 0, 0)>
module attributes {stable_mosaic.version = 14 : i64} {
  func.func @sc_pass(%arg0: i32, %arg1: i32, %arg2: memref<50688x128xi32, #tpu.memory_space<hbm>>, %arg3: memref<50688x128xi32, #tpu.memory_space<hbm>>, %arg4: memref<100352x8xf32, #tpu.memory_space<hbm>>, %arg5: memref<2x100352x8xf32, #tpu.memory_space<hbm>>, %arg6: memref<100352x8xf32, #tpu.memory_space<vmem_shared>>, %arg7: memref<100352x8xf32, #tpu.memory_space<vmem_shared>>, %arg8: memref<8x128xi32, #tpu.memory_space<vmem>>, %arg9: memref<8x128xi32, #tpu.memory_space<vmem>>, %arg10: memref<8x128xi32, #tpu.memory_space<vmem>>, %arg11: memref<8x128xi32, #tpu.memory_space<vmem>>, %arg12: memref<1024x8xf32, #tpu.memory_space<vmem>>, %arg13: memref<1024x8xf32, #tpu.memory_space<vmem>>, %arg14: memref<112x8xf32, #tpu.memory_space<vmem>>, %arg15: memref<!tpu.dma_semaphore, #tpu.memory_space<semaphore_mem>>, %arg16: memref<!tpu.dma_semaphore, #tpu.memory_space<semaphore_mem>>) attributes {dimension_semantics = [#tpu.dimension_semantics<core_parallel>, #tpu.dimension_semantics<subcore_parallel>], iteration_bounds = array<i64: 2, 16>, scalar_prefetch = 0 : i64, scratch_operands = 11 : i64, tpu.core_type = #tpu.core_type<sc_vector_subcore>, window_params = [{transform_indices = #map}, {transform_indices = #map}, {transform_indices = #map}, {transform_indices = #map1}]} {
    %scan3A = arith.constant 0 : i32
    %scan3A_0 = arith.constant 0 : i32
    %scan3A_1 = arith.constant 112 : i32
    %scan3A_2 = arith.addi %scan3A_0, %scan3A_1 : i32
    %scan3A_3 = arith.constant 1 : i32
    scf.for %scan3A_21 = %scan3A_0 to %scan3A_2 step %scan3A_3  : i32 {
      %broadcast_in_dim3A = arith.constant 0.000000e+00 : f32
      %broadcast_in_dim3A_22 = vector.broadcast %broadcast_in_dim3A : f32 to vector<16xf32>
      %slice3A = vector.extract_strided_slice %broadcast_in_dim3A_22 {offsets = [0], sizes = [8], strides = [1]} : vector<16xf32> to vector<8xf32>
      %swap3A = arith.index_cast %scan3A_21 : i32 to index
      %swap3A_23 = arith.constant 0 : index
      %swap3A_24 = tpu.vector_load %arg14[%swap3A, %swap3A_23] {strides = array<i32>} : memref<112x8xf32, #tpu.memory_space<vmem>>, vector<1x8xf32>,
      %swap3A_25 = vector.shape_cast %swap3A_24 : vector<1x8xf32> to vector<8xf32>
      %swap3A_26 = vector.shape_cast %slice3A : vector<8xf32> to vector<1x8xf32>
      tpu.vector_store %arg14[%swap3A, %swap3A_23], %swap3A_26 {strides = array<i32>} : memref<112x8xf32, #tpu.memory_space<vmem>>, vector<1x8xf32>,
    }
    %scan3A_4 = arith.constant 112 : i32
    %mul3A = arith.constant 6272 : i32
    %mul3A_5 = arith.muli %arg1, %mul3A : i32
    %scan3A_6 = arith.constant 0 : i32
    %scan3A_7 = arith.constant 0 : i32
    %scan3A_8 = arith.constant 56 : i32
    %scan3A_9 = arith.addi %scan3A_7, %scan3A_8 : i32
    %scan3A_10 = arith.constant 1 : i32
    scf.for %scan3A_21 = %scan3A_7 to %scan3A_9 step %scan3A_10  : i32 {
      %mul3A_22 = arith.constant 112 : i32
      %mul3A_23 = arith.muli %scan3A_21, %mul3A_22 : i32
      %add3A_24 = arith.addi %mul3A_5, %mul3A_23 : i32
      "tpu.region"() ({
        %run_scoped3A = tpu.sem_alloc : memref<!tpu.dma_semaphore, #tpu.memory_space<semaphore_mem>>
        %dma_start3A = arith.constant 0 : i32
        %dma_start3A_25 = arith.constant 0 : i32
        %dma_start3A_26 = tpu.memref_slice %arg12[%dma_start3A, %dma_start3A_25] : memref<1024x8xf32, #tpu.memory_space<vmem>> -> memref<112x8xf32, #tpu.memory_space<vmem>>
        %dma_start3A_27 = arith.constant 0 : i32
        %dma_start3A_28 = tpu.memref_slice %arg4[%add3A_24, %dma_start3A_27] : memref<100352x8xf32, #tpu.memory_space<hbm>> -> memref<112x8xf32, #tpu.memory_space<hbm>>
        %dma_start3A_29 = arith.constant 0 : i32
        %dma_start3A_30 = arith.constant 0 : i32
        %dma_start3A_31 = tpu.memref_slice %arg12[%dma_start3A_29, %dma_start3A_30] : memref<1024x8xf32, #tpu.memory_space<vmem>> -> memref<112x8xf32, #tpu.memory_space<vmem>>
        %dma_start3A_32 = arith.constant 0 : i32
        %dma_start3A_33 = tpu.memref_slice %arg4[%add3A_24, %dma_start3A_32] : memref<100352x8xf32, #tpu.memory_space<hbm>> -> memref<112x8xf32, #tpu.memory_space<hbm>>
        tpu.enqueue_dma source(%dma_start3A_33 : memref<112x8xf32, #tpu.memory_space<hbm>>) target(%dma_start3A_31 : memref<112x8xf32, #tpu.memory_space<vmem>>) target_semaphore(%run_scoped3A : memref<!tpu.dma_semaphore, #tpu.memory_space<semaphore_mem>>)
        %dma_wait3A = arith.constant 0 : i32
        %dma_wait3A_34 = arith.constant 0 : i32
        %dma_wait3A_35 = tpu.memref_slice %arg12[%dma_wait3A, %dma_wait3A_34] : memref<1024x8xf32, #tpu.memory_space<vmem>> -> memref<112x8xf32, #tpu.memory_space<vmem>>
        %dma_wait3A_36 = arith.constant 0 : i32
        %dma_wait3A_37 = tpu.memref_slice %arg4[%add3A_24, %dma_wait3A_36] : memref<100352x8xf32, #tpu.memory_space<hbm>> -> memref<112x8xf32, #tpu.memory_space<hbm>>
        %dma_wait3A_38 = arith.constant 0 : i32
        %dma_wait3A_39 = arith.constant 0 : i32
        %dma_wait3A_40 = tpu.memref_slice %arg12[%dma_wait3A_38, %dma_wait3A_39] : memref<1024x8xf32, #tpu.memory_space<vmem>> -> memref<112x8xf32, #tpu.memory_space<vmem>>
        %dma_wait3A_41 = arith.constant 0 : i32
        %dma_wait3A_42 = tpu.memref_slice %arg4[%add3A_24, %dma_wait3A_41] : memref<100352x8xf32, #tpu.memory_space<hbm>> -> memref<112x8xf32, #tpu.memory_space<hbm>>
        tpu.wait_dma2 semaphore(%run_scoped3A : memref<!tpu.dma_semaphore, #tpu.memory_space<semaphore_mem>>) src(%dma_wait3A_42 : memref<112x8xf32, #tpu.memory_space<hbm>>) dst(%dma_wait3A_40 : memref<112x8xf32, #tpu.memory_space<vmem>>)
        tpu.yield
      }) : () -> ()
      "tpu.region"() ({
        %run_scoped3A = tpu.sem_alloc : memref<!tpu.dma_semaphore, #tpu.memory_space<semaphore_mem>>
        %dma_start3A = arith.constant 0 : i32
        %dma_start3A_25 = arith.constant 0 : i32
        %dma_start3A_26 = tpu.memref_slice %arg12[%dma_start3A, %dma_start3A_25] : memref<1024x8xf32, #tpu.memory_space<vmem>> -> memref<112x8xf32, #tpu.memory_space<vmem>>
        %dma_start3A_27 = arith.constant 0 : i32
        %dma_start3A_28 = tpu.memref_slice %arg7[%add3A_24, %dma_start3A_27] : memref<100352x8xf32, #tpu.memory_space<vmem_shared>> -> memref<112x8xf32, #tpu.memory_space<vmem_shared>>
        %dma_start3A_29 = arith.constant 0 : i32
        %dma_start3A_30 = tpu.memref_slice %arg7[%add3A_24, %dma_start3A_29] : memref<100352x8xf32, #tpu.memory_space<vmem_shared>> -> memref<112x8xf32, #tpu.memory_space<vmem_shared>>
        %dma_start3A_31 = arith.constant 0 : i32
        %dma_start3A_32 = arith.constant 0 : i32
        %dma_start3A_33 = tpu.memref_slice %arg12[%dma_start3A_31, %dma_start3A_32] : memref<1024x8xf32, #tpu.memory_space<vmem>> -> memref<112x8xf32, #tpu.memory_space<vmem>>
        tpu.enqueue_dma source(%dma_start3A_33 : memref<112x8xf32, #tpu.memory_space<vmem>>) target(%dma_start3A_30 : memref<112x8xf32, #tpu.memory_space<vmem_shared>>) target_semaphore(%run_scoped3A : memref<!tpu.dma_semaphore, #tpu.memory_space<semaphore_mem>>)
        %dma_wait3A = arith.constant 0 : i32
        %dma_wait3A_34 = arith.constant 0 : i32
        %dma_wait3A_35 = tpu.memref_slice %arg12[%dma_wait3A, %dma_wait3A_34] : memref<1024x8xf32, #tpu.memory_space<vmem>> -> memref<112x8xf32, #tpu.memory_space<vmem>>
        %dma_wait3A_36 = arith.constant 0 : i32
        %dma_wait3A_37 = tpu.memref_slice %arg7[%add3A_24, %dma_wait3A_36] : memref<100352x8xf32, #tpu.memory_space<vmem_shared>> -> memref<112x8xf32, #tpu.memory_space<vmem_shared>>
        %dma_wait3A_38 = arith.constant 0 : i32
        %dma_wait3A_39 = tpu.memref_slice %arg7[%add3A_24, %dma_wait3A_38] : memref<100352x8xf32, #tpu.memory_space<vmem_shared>> -> memref<112x8xf32, #tpu.memory_space<vmem_shared>>
        %dma_wait3A_40 = arith.constant 0 : i32
        %dma_wait3A_41 = arith.constant 0 : i32
        %dma_wait3A_42 = tpu.memref_slice %arg12[%dma_wait3A_40, %dma_wait3A_41] : memref<1024x8xf32, #tpu.memory_space<vmem>> -> memref<112x8xf32, #tpu.memory_space<vmem>>
        tpu.wait_dma2 semaphore(%run_scoped3A : memref<!tpu.dma_semaphore, #tpu.memory_space<semaphore_mem>>) src(%dma_wait3A_42 : memref<112x8xf32, #tpu.memory_space<vmem>>) dst(%dma_wait3A_39 : memref<112x8xf32, #tpu.memory_space<vmem_shared>>)
        tpu.yield
      }) : () -> ()
      "tpu.region"() ({
        %run_scoped3A = tpu.sem_alloc : memref<!tpu.dma_semaphore, #tpu.memory_space<semaphore_mem>>
        %dma_start3A = arith.constant 0 : i32
        %dma_start3A_25 = tpu.memref_slice %arg6[%add3A_24, %dma_start3A] : memref<100352x8xf32, #tpu.memory_space<vmem_shared>> -> memref<112x8xf32, #tpu.memory_space<vmem_shared>>
        %dma_start3A_26 = arith.constant 0 : i32
        %dma_start3A_27 = tpu.memref_slice %arg6[%add3A_24, %dma_start3A_26] : memref<100352x8xf32, #tpu.memory_space<vmem_shared>> -> memref<112x8xf32, #tpu.memory_space<vmem_shared>>
        tpu.enqueue_dma source(%arg14 : memref<112x8xf32, #tpu.memory_space<vmem>>) target(%dma_start3A_27 : memref<112x8xf32, #tpu.memory_space<vmem_shared>>) target_semaphore(%run_scoped3A : memref<!tpu.dma_semaphore, #tpu.memory_space<semaphore_mem>>)
        %dma_wait3A = arith.constant 0 : i32
        %dma_wait3A_28 = tpu.memref_slice %arg6[%add3A_24, %dma_wait3A] : memref<100352x8xf32, #tpu.memory_space<vmem_shared>> -> memref<112x8xf32, #tpu.memory_space<vmem_shared>>
        %dma_wait3A_29 = arith.constant 0 : i32
        %dma_wait3A_30 = tpu.memref_slice %arg6[%add3A_24, %dma_wait3A_29] : memref<100352x8xf32, #tpu.memory_space<vmem_shared>> -> memref<112x8xf32, #tpu.memory_space<vmem_shared>>
        tpu.wait_dma2 semaphore(%run_scoped3A : memref<!tpu.dma_semaphore, #tpu.memory_space<semaphore_mem>>) src(%arg14 : memref<112x8xf32, #tpu.memory_space<vmem>>) dst(%dma_wait3A_30 : memref<112x8xf32, #tpu.memory_space<vmem_shared>>)
        tpu.yield
      }) : () -> ()
    }
    %scan3A_11 = arith.constant 56 : i32
    %barrier3A = arith.constant 0 : index
    tpu.barrier barrier_id(%barrier3A)
    %mul3A_12 = arith.constant 16 : i32
    %mul3A_13 = arith.muli %arg0, %mul3A_12 : i32
    %add3A = arith.addi %mul3A_13, %arg1 : i32
    %scan3A_14 = arith.constant 0 : i32
    %scan3A_15 = arith.constant 0 : i32
    %scan3A_16 = arith.constant 99 : i32
    %scan3A_17 = arith.addi %scan3A_15, %scan3A_16 : i32
    %scan3A_18 = arith.constant 1 : i32
    scf.for %scan3A_21 = %scan3A_15 to %scan3A_17 step %scan3A_18  : i32 {
      %mul3A_22 = arith.constant 2 : i32
      %mul3A_23 = arith.muli %mul3A_22, %scan3A_21 : i32
      %mul3A_24 = arith.constant 198 : i32
      %mul3A_25 = arith.muli %add3A, %mul3A_24 : i32
      %add3A_26 = arith.addi %mul3A_25, %mul3A_23 : i32
      %mul3A_27 = arith.constant 8 : i32
      %mul3A_28 = arith.muli %add3A_26, %mul3A_27 : i32
      "tpu.region"() ({
        %run_scoped3A = tpu.sem_alloc : memref<!tpu.dma_semaphore, #tpu.memory_space<semaphore_mem>>
        %dma_start3A_676 = arith.constant 0 : i32
        %dma_start3A_677 = tpu.memref_slice %arg2[%mul3A_28, %dma_start3A_676] : memref<50688x128xi32, #tpu.memory_space<hbm>> -> memref<8x128xi32, #tpu.memory_space<hbm>>
        %dma_start3A_678 = arith.constant 0 : i32
        %dma_start3A_679 = tpu.memref_slice %arg2[%mul3A_28, %dma_start3A_678] : memref<50688x128xi32, #tpu.memory_space<hbm>> -> memref<8x128xi32, #tpu.memory_space<hbm>>
        tpu.enqueue_dma source(%dma_start3A_679 : memref<8x128xi32, #tpu.memory_space<hbm>>) target(%arg8 : memref<8x128xi32, #tpu.memory_space<vmem>>) target_semaphore(%run_scoped3A : memref<!tpu.dma_semaphore, #tpu.memory_space<semaphore_mem>>)
        %dma_wait3A_680 = arith.constant 0 : i32
        %dma_wait3A_681 = tpu.memref_slice %arg2[%mul3A_28, %dma_wait3A_680] : memref<50688x128xi32, #tpu.memory_space<hbm>> -> memref<8x128xi32, #tpu.memory_space<hbm>>
        %dma_wait3A_682 = arith.constant 0 : i32
        %dma_wait3A_683 = tpu.memref_slice %arg2[%mul3A_28, %dma_wait3A_682] : memref<50688x128xi32, #tpu.memory_space<hbm>> -> memref<8x128xi32, #tpu.memory_space<hbm>>
        tpu.wait_dma2 semaphore(%run_scoped3A : memref<!tpu.dma_semaphore, #tpu.memory_space<semaphore_mem>>) src(%dma_wait3A_683 : memref<8x128xi32, #tpu.memory_space<hbm>>) dst(%arg8 : memref<8x128xi32, #tpu.memory_space<vmem>>)
        tpu.yield
      }) : () -> ()
      "tpu.region"() ({
        %run_scoped3A = tpu.sem_alloc : memref<!tpu.dma_semaphore, #tpu.memory_space<semaphore_mem>>
        %dma_start3A_676 = arith.constant 0 : i32
        %dma_start3A_677 = tpu.memref_slice %arg3[%mul3A_28, %dma_start3A_676] : memref<50688x128xi32, #tpu.memory_space<hbm>> -> memref<8x128xi32, #tpu.memory_space<hbm>>
        %dma_start3A_678 = arith.constant 0 : i32
        %dma_start3A_679 = tpu.memref_slice %arg3[%mul3A_28, %dma_start3A_678] : memref<50688x128xi32, #tpu.memory_space<hbm>> -> memref<8x128xi32, #tpu.memory_space<hbm>>
        tpu.enqueue_dma source(%dma_start3A_679 : memref<8x128xi32, #tpu.memory_space<hbm>>) target(%arg9 : memref<8x128xi32, #tpu.memory_space<vmem>>) target_semaphore(%run_scoped3A : memref<!tpu.dma_semaphore, #tpu.memory_space<semaphore_mem>>)
        %dma_wait3A_680 = arith.constant 0 : i32
        %dma_wait3A_681 = tpu.memref_slice %arg3[%mul3A_28, %dma_wait3A_680] : memref<50688x128xi32, #tpu.memory_space<hbm>> -> memref<8x128xi32, #tpu.memory_space<hbm>>
        %dma_wait3A_682 = arith.constant 0 : i32
        %dma_wait3A_683 = tpu.memref_slice %arg3[%mul3A_28, %dma_wait3A_682] : memref<50688x128xi32, #tpu.memory_space<hbm>> -> memref<8x128xi32, #tpu.memory_space<hbm>>
        tpu.wait_dma2 semaphore(%run_scoped3A : memref<!tpu.dma_semaphore, #tpu.memory_space<semaphore_mem>>) src(%dma_wait3A_683 : memref<8x128xi32, #tpu.memory_space<hbm>>) dst(%arg9 : memref<8x128xi32, #tpu.memory_space<vmem>>)
        tpu.yield
      }) : () -> ()
      %dma_start3A = arith.constant 0 : i32
      %dma_start3A_29 = arith.constant 0 : i32
      %dma_start3A_30 = arith.constant 0 : i32
      %dma_start3A_31 = tpu.memref_slice %arg12[%dma_start3A_29, %dma_start3A_30] : memref<1024x8xf32, #tpu.memory_space<vmem>> -> memref<128x8xf32, #tpu.memory_space<vmem>>
      %dma_start3A_32 = arith.constant 0 : i32
      %dma_start3A_33 = tpu.memref_slice %arg8[%dma_start3A, %dma_start3A_32] : memref<8x128xi32, #tpu.memory_space<vmem>> -> memref<1x128xi32, #tpu.memory_space<vmem>>
      %dma_start3A_34 = tpu.memref_squeeze %dma_start3A_33 : memref<1x128xi32, #tpu.memory_space<vmem>> -> memref<128xi32, #tpu.memory_space<vmem>>
      %dma_start3A_35 = arith.constant 0 : i32
      %dma_start3A_36 = arith.constant 0 : i32
      %dma_start3A_37 = tpu.memref_slice %arg7[%dma_start3A_35, %dma_start3A_36] : memref<100352x8xf32, #tpu.memory_space<vmem_shared>> -> memref<100352x8xf32, #tpu.memory_space<vmem_shared>>
      tpu.enqueue_indirect_dma source(%dma_start3A_37 : memref<100352x8xf32, #tpu.memory_space<vmem_shared>>) target(%dma_start3A_31 : memref<128x8xf32, #tpu.memory_space<vmem>>) offsets(%dma_start3A_34 : memref<128xi32, #tpu.memory_space<vmem>>) semaphore(%arg15 : memref<!tpu.dma_semaphore, #tpu.memory_space<semaphore_mem>>)
      %dma_start3A_38 = arith.constant 1 : i32
      %dma_start3A_39 = arith.constant 128 : i32
      %dma_start3A_40 = arith.constant 0 : i32
      %dma_start3A_41 = tpu.memref_slice %arg12[%dma_start3A_39, %dma_start3A_40] : memref<1024x8xf32, #tpu.memory_space<vmem>> -> memref<128x8xf32, #tpu.memory_space<vmem>>
      %dma_start3A_42 = arith.constant 0 : i32
      %dma_start3A_43 = tpu.memref_slice %arg8[%dma_start3A_38, %dma_start3A_42] : memref<8x128xi32, #tpu.memory_space<vmem>> -> memref<1x128xi32, #tpu.memory_space<vmem>>
      %dma_start3A_44 = tpu.memref_squeeze %dma_start3A_43 : memref<1x128xi32, #tpu.memory_space<vmem>> -> memref<128xi32, #tpu.memory_space<vmem>>
      %dma_start3A_45 = arith.constant 0 : i32
      %dma_start3A_46 = arith.constant 0 : i32
      %dma_start3A_47 = tpu.memref_slice %arg7[%dma_start3A_45, %dma_start3A_46] : memref<100352x8xf32, #tpu.memory_space<vmem_shared>> -> memref<100352x8xf32, #tpu.memory_space<vmem_shared>>
      tpu.enqueue_indirect_dma source(%dma_start3A_47 : memref<100352x8xf32, #tpu.memory_space<vmem_shared>>) target(%dma_start3A_41 : memref<128x8xf32, #tpu.memory_space<vmem>>) offsets(%dma_start3A_44 : memref<128xi32, #tpu.memory_space<vmem>>) semaphore(%arg15 : memref<!tpu.dma_semaphore, #tpu.memory_space<semaphore_mem>>)
      %dma_start3A_48 = arith.constant 2 : i32
      %dma_start3A_49 = arith.constant 256 : i32
      %dma_start3A_50 = arith.constant 0 : i32
      %dma_start3A_51 = tpu.memref_slice %arg12[%dma_start3A_49, %dma_start3A_50] : memref<1024x8xf32, #tpu.memory_space<vmem>> -> memref<128x8xf32, #tpu.memory_space<vmem>>
      %dma_start3A_52 = arith.constant 0 : i32
      %dma_start3A_53 = tpu.memref_slice %arg8[%dma_start3A_48, %dma_start3A_52] : memref<8x128xi32, #tpu.memory_space<vmem>> -> memref<1x128xi32, #tpu.memory_space<vmem>>
      %dma_start3A_54 = tpu.memref_squeeze %dma_start3A_53 : memref<1x128xi32, #tpu.memory_space<vmem>> -> memref<128xi32, #tpu.memory_space<vmem>>
      %dma_start3A_55 = arith.constant 0 : i32
      %dma_start3A_56 = arith.constant 0 : i32
      %dma_start3A_57 = tpu.memref_slice %arg7[%dma_start3A_55, %dma_start3A_56] : memref<100352x8xf32, #tpu.memory_space<vmem_shared>> -> memref<100352x8xf32, #tpu.memory_space<vmem_shared>>
      tpu.enqueue_indirect_dma source(%dma_start3A_57 : memref<100352x8xf32, #tpu.memory_space<vmem_shared>>) target(%dma_start3A_51 : memref<128x8xf32, #tpu.memory_space<vmem>>) offsets(%dma_start3A_54 : memref<128xi32, #tpu.memory_space<vmem>>) semaphore(%arg15 : memref<!tpu.dma_semaphore, #tpu.memory_space<semaphore_mem>>)
      %dma_start3A_58 = arith.constant 3 : i32
      %dma_start3A_59 = arith.constant 384 : i32
      %dma_start3A_60 = arith.constant 0 : i32
      %dma_start3A_61 = tpu.memref_slice %arg12[%dma_start3A_59, %dma_start3A_60] : memref<1024x8xf32, #tpu.memory_space<vmem>> -> memref<128x8xf32, #tpu.memory_space<vmem>>
      %dma_start3A_62 = arith.constant 0 : i32
      %dma_start3A_63 = tpu.memref_slice %arg8[%dma_start3A_58, %dma_start3A_62] : memref<8x128xi32, #tpu.memory_space<vmem>> -> memref<1x128xi32, #tpu.memory_space<vmem>>
      %dma_start3A_64 = tpu.memref_squeeze %dma_start3A_63 : memref<1x128xi32, #tpu.memory_space<vmem>> -> memref<128xi32, #tpu.memory_space<vmem>>
      %dma_start3A_65 = arith.constant 0 : i32
      %dma_start3A_66 = arith.constant 0 : i32
      %dma_start3A_67 = tpu.memref_slice %arg7[%dma_start3A_65, %dma_start3A_66] : memref<100352x8xf32, #tpu.memory_space<vmem_shared>> -> memref<100352x8xf32, #tpu.memory_space<vmem_shared>>
      tpu.enqueue_indirect_dma source(%dma_start3A_67 : memref<100352x8xf32, #tpu.memory_space<vmem_shared>>) target(%dma_start3A_61 : memref<128x8xf32, #tpu.memory_space<vmem>>) offsets(%dma_start3A_64 : memref<128xi32, #tpu.memory_space<vmem>>) semaphore(%arg15 : memref<!tpu.dma_semaphore, #tpu.memory_space<semaphore_mem>>)
      %dma_start3A_68 = arith.constant 4 : i32
      %dma_start3A_69 = arith.constant 512 : i32
      %dma_start3A_70 = arith.constant 0 : i32
      %dma_start3A_71 = tpu.memref_slice %arg12[%dma_start3A_69, %dma_start3A_70] : memref<1024x8xf32, #tpu.memory_space<vmem>> -> memref<128x8xf32, #tpu.memory_space<vmem>>
      %dma_start3A_72 = arith.constant 0 : i32
      %dma_start3A_73 = tpu.memref_slice %arg8[%dma_start3A_68, %dma_start3A_72] : memref<8x128xi32, #tpu.memory_space<vmem>> -> memref<1x128xi32, #tpu.memory_space<vmem>>
      %dma_start3A_74 = tpu.memref_squeeze %dma_start3A_73 : memref<1x128xi32, #tpu.memory_space<vmem>> -> memref<128xi32, #tpu.memory_space<vmem>>
      %dma_start3A_75 = arith.constant 0 : i32
      %dma_start3A_76 = arith.constant 0 : i32
      %dma_start3A_77 = tpu.memref_slice %arg7[%dma_start3A_75, %dma_start3A_76] : memref<100352x8xf32, #tpu.memory_space<vmem_shared>> -> memref<100352x8xf32, #tpu.memory_space<vmem_shared>>
      tpu.enqueue_indirect_dma source(%dma_start3A_77 : memref<100352x8xf32, #tpu.memory_space<vmem_shared>>) target(%dma_start3A_71 : memref<128x8xf32, #tpu.memory_space<vmem>>) offsets(%dma_start3A_74 : memref<128xi32, #tpu.memory_space<vmem>>) semaphore(%arg15 : memref<!tpu.dma_semaphore, #tpu.memory_space<semaphore_mem>>)
      %dma_start3A_78 = arith.constant 5 : i32
      %dma_start3A_79 = arith.constant 640 : i32
      %dma_start3A_80 = arith.constant 0 : i32
      %dma_start3A_81 = tpu.memref_slice %arg12[%dma_start3A_79, %dma_start3A_80] : memref<1024x8xf32, #tpu.memory_space<vmem>> -> memref<128x8xf32, #tpu.memory_space<vmem>>
      %dma_start3A_82 = arith.constant 0 : i32
      %dma_start3A_83 = tpu.memref_slice %arg8[%dma_start3A_78, %dma_start3A_82] : memref<8x128xi32, #tpu.memory_space<vmem>> -> memref<1x128xi32, #tpu.memory_space<vmem>>
      %dma_start3A_84 = tpu.memref_squeeze %dma_start3A_83 : memref<1x128xi32, #tpu.memory_space<vmem>> -> memref<128xi32, #tpu.memory_space<vmem>>
      %dma_start3A_85 = arith.constant 0 : i32
      %dma_start3A_86 = arith.constant 0 : i32
      %dma_start3A_87 = tpu.memref_slice %arg7[%dma_start3A_85, %dma_start3A_86] : memref<100352x8xf32, #tpu.memory_space<vmem_shared>> -> memref<100352x8xf32, #tpu.memory_space<vmem_shared>>
      tpu.enqueue_indirect_dma source(%dma_start3A_87 : memref<100352x8xf32, #tpu.memory_space<vmem_shared>>) target(%dma_start3A_81 : memref<128x8xf32, #tpu.memory_space<vmem>>) offsets(%dma_start3A_84 : memref<128xi32, #tpu.memory_space<vmem>>) semaphore(%arg15 : memref<!tpu.dma_semaphore, #tpu.memory_space<semaphore_mem>>)
      %dma_start3A_88 = arith.constant 6 : i32
      %dma_start3A_89 = arith.constant 768 : i32
      %dma_start3A_90 = arith.constant 0 : i32
      %dma_start3A_91 = tpu.memref_slice %arg12[%dma_start3A_89, %dma_start3A_90] : memref<1024x8xf32, #tpu.memory_space<vmem>> -> memref<128x8xf32, #tpu.memory_space<vmem>>
      %dma_start3A_92 = arith.constant 0 : i32
      %dma_start3A_93 = tpu.memref_slice %arg8[%dma_start3A_88, %dma_start3A_92] : memref<8x128xi32, #tpu.memory_space<vmem>> -> memref<1x128xi32, #tpu.memory_space<vmem>>
      %dma_start3A_94 = tpu.memref_squeeze %dma_start3A_93 : memref<1x128xi32, #tpu.memory_space<vmem>> -> memref<128xi32, #tpu.memory_space<vmem>>
      %dma_start3A_95 = arith.constant 0 : i32
      %dma_start3A_96 = arith.constant 0 : i32
      %dma_start3A_97 = tpu.memref_slice %arg7[%dma_start3A_95, %dma_start3A_96] : memref<100352x8xf32, #tpu.memory_space<vmem_shared>> -> memref<100352x8xf32, #tpu.memory_space<vmem_shared>>
      tpu.enqueue_indirect_dma source(%dma_start3A_97 : memref<100352x8xf32, #tpu.memory_space<vmem_shared>>) target(%dma_start3A_91 : memref<128x8xf32, #tpu.memory_space<vmem>>) offsets(%dma_start3A_94 : memref<128xi32, #tpu.memory_space<vmem>>) semaphore(%arg15 : memref<!tpu.dma_semaphore, #tpu.memory_space<semaphore_mem>>)
      %dma_start3A_98 = arith.constant 7 : i32
      %dma_start3A_99 = arith.constant 896 : i32
      %dma_start3A_100 = arith.constant 0 : i32
      %dma_start3A_101 = tpu.memref_slice %arg12[%dma_start3A_99, %dma_start3A_100] : memref<1024x8xf32, #tpu.memory_space<vmem>> -> memref<128x8xf32, #tpu.memory_space<vmem>>
      %dma_start3A_102 = arith.constant 0 : i32
      %dma_start3A_103 = tpu.memref_slice %arg8[%dma_start3A_98, %dma_start3A_102] : memref<8x128xi32, #tpu.memory_space<vmem>> -> memref<1x128xi32, #tpu.memory_space<vmem>>
      %dma_start3A_104 = tpu.memref_squeeze %dma_start3A_103 : memref<1x128xi32, #tpu.memory_space<vmem>> -> memref<128xi32, #tpu.memory_space<vmem>>
      %dma_start3A_105 = arith.constant 0 : i32
      %dma_start3A_106 = arith.constant 0 : i32
      %dma_start3A_107 = tpu.memref_slice %arg7[%dma_start3A_105, %dma_start3A_106] : memref<100352x8xf32, #tpu.memory_space<vmem_shared>> -> memref<100352x8xf32, #tpu.memory_space<vmem_shared>>
      tpu.enqueue_indirect_dma source(%dma_start3A_107 : memref<100352x8xf32, #tpu.memory_space<vmem_shared>>) target(%dma_start3A_101 : memref<128x8xf32, #tpu.memory_space<vmem>>) offsets(%dma_start3A_104 : memref<128xi32, #tpu.memory_space<vmem>>) semaphore(%arg15 : memref<!tpu.dma_semaphore, #tpu.memory_space<semaphore_mem>>)
      %mul3A_108 = arith.constant 2 : i32
      %mul3A_109 = arith.muli %mul3A_108, %scan3A_21 : i32
      %add3A_110 = arith.constant 1 : i32
      %add3A_111 = arith.addi %mul3A_109, %add3A_110 : i32
      %mul3A_112 = arith.constant 198 : i32
      %mul3A_113 = arith.muli %add3A, %mul3A_112 : i32
      %add3A_114 = arith.addi %mul3A_113, %add3A_111 : i32
      %mul3A_115 = arith.constant 8 : i32
      %mul3A_116 = arith.muli %add3A_114, %mul3A_115 : i32
      "tpu.region"() ({
        %run_scoped3A = tpu.sem_alloc : memref<!tpu.dma_semaphore, #tpu.memory_space<semaphore_mem>>
        %dma_start3A_676 = arith.constant 0 : i32
        %dma_start3A_677 = tpu.memref_slice %arg2[%mul3A_116, %dma_start3A_676] : memref<50688x128xi32, #tpu.memory_space<hbm>> -> memref<8x128xi32, #tpu.memory_space<hbm>>
        %dma_start3A_678 = arith.constant 0 : i32
        %dma_start3A_679 = tpu.memref_slice %arg2[%mul3A_116, %dma_start3A_678] : memref<50688x128xi32, #tpu.memory_space<hbm>> -> memref<8x128xi32, #tpu.memory_space<hbm>>
        tpu.enqueue_dma source(%dma_start3A_679 : memref<8x128xi32, #tpu.memory_space<hbm>>) target(%arg10 : memref<8x128xi32, #tpu.memory_space<vmem>>) target_semaphore(%run_scoped3A : memref<!tpu.dma_semaphore, #tpu.memory_space<semaphore_mem>>)
        %dma_wait3A_680 = arith.constant 0 : i32
        %dma_wait3A_681 = tpu.memref_slice %arg2[%mul3A_116, %dma_wait3A_680] : memref<50688x128xi32, #tpu.memory_space<hbm>> -> memref<8x128xi32, #tpu.memory_space<hbm>>
        %dma_wait3A_682 = arith.constant 0 : i32
        %dma_wait3A_683 = tpu.memref_slice %arg2[%mul3A_116, %dma_wait3A_682] : memref<50688x128xi32, #tpu.memory_space<hbm>> -> memref<8x128xi32, #tpu.memory_space<hbm>>
        tpu.wait_dma2 semaphore(%run_scoped3A : memref<!tpu.dma_semaphore, #tpu.memory_space<semaphore_mem>>) src(%dma_wait3A_683 : memref<8x128xi32, #tpu.memory_space<hbm>>) dst(%arg10 : memref<8x128xi32, #tpu.memory_space<vmem>>)
        tpu.yield
      }) : () -> ()
      "tpu.region"() ({
        %run_scoped3A = tpu.sem_alloc : memref<!tpu.dma_semaphore, #tpu.memory_space<semaphore_mem>>
        %dma_start3A_676 = arith.constant 0 : i32
        %dma_start3A_677 = tpu.memref_slice %arg3[%mul3A_116, %dma_start3A_676] : memref<50688x128xi32, #tpu.memory_space<hbm>> -> memref<8x128xi32, #tpu.memory_space<hbm>>
        %dma_start3A_678 = arith.constant 0 : i32
        %dma_start3A_679 = tpu.memref_slice %arg3[%mul3A_116, %dma_start3A_678] : memref<50688x128xi32, #tpu.memory_space<hbm>> -> memref<8x128xi32, #tpu.memory_space<hbm>>
        tpu.enqueue_dma source(%dma_start3A_679 : memref<8x128xi32, #tpu.memory_space<hbm>>) target(%arg11 : memref<8x128xi32, #tpu.memory_space<vmem>>) target_semaphore(%run_scoped3A : memref<!tpu.dma_semaphore, #tpu.memory_space<semaphore_mem>>)
        %dma_wait3A_680 = arith.constant 0 : i32
        %dma_wait3A_681 = tpu.memref_slice %arg3[%mul3A_116, %dma_wait3A_680] : memref<50688x128xi32, #tpu.memory_space<hbm>> -> memref<8x128xi32, #tpu.memory_space<hbm>>
        %dma_wait3A_682 = arith.constant 0 : i32
        %dma_wait3A_683 = tpu.memref_slice %arg3[%mul3A_116, %dma_wait3A_682] : memref<50688x128xi32, #tpu.memory_space<hbm>> -> memref<8x128xi32, #tpu.memory_space<hbm>>
        tpu.wait_dma2 semaphore(%run_scoped3A : memref<!tpu.dma_semaphore, #tpu.memory_space<semaphore_mem>>) src(%dma_wait3A_683 : memref<8x128xi32, #tpu.memory_space<hbm>>) dst(%arg11 : memref<8x128xi32, #tpu.memory_space<vmem>>)
        tpu.yield
      }) : () -> ()
      %dma_wait3A = arith.constant 0 : i32
      %dma_wait3A_117 = arith.constant 0 : i32
      %dma_wait3A_118 = arith.constant 0 : i32
      %dma_wait3A_119 = tpu.memref_slice %arg12[%dma_wait3A_117, %dma_wait3A_118] : memref<1024x8xf32, #tpu.memory_space<vmem>> -> memref<128x8xf32, #tpu.memory_space<vmem>>
      %dma_wait3A_120 = arith.constant 0 : i32
      %dma_wait3A_121 = tpu.memref_slice %arg8[%dma_wait3A, %dma_wait3A_120] : memref<8x128xi32, #tpu.memory_space<vmem>> -> memref<1x128xi32, #tpu.memory_space<vmem>>
      %dma_wait3A_122 = tpu.memref_squeeze %dma_wait3A_121 : memref<1x128xi32, #tpu.memory_space<vmem>> -> memref<128xi32, #tpu.memory_space<vmem>>
      %dma_wait3A_123 = arith.constant 0 : i32
      %dma_wait3A_124 = arith.constant 0 : i32
      %dma_wait3A_125 = tpu.memref_slice %arg7[%dma_wait3A_123, %dma_wait3A_124] : memref<100352x8xf32, #tpu.memory_space<vmem_shared>> -> memref<100352x8xf32, #tpu.memory_space<vmem_shared>>
      tpu.wait_indirect_dma semaphore(%arg15 : memref<!tpu.dma_semaphore, #tpu.memory_space<semaphore_mem>>) src(%dma_wait3A_125 : memref<100352x8xf32, #tpu.memory_space<vmem_shared>>) dst(%dma_wait3A_119 : memref<128x8xf32, #tpu.memory_space<vmem>>)
      %dma_wait3A_126 = arith.constant 1 : i32
      %dma_wait3A_127 = arith.constant 128 : i32
      %dma_wait3A_128 = arith.constant 0 : i32
      %dma_wait3A_129 = tpu.memref_slice %arg12[%dma_wait3A_127, %dma_wait3A_128] : memref<1024x8xf32, #tpu.memory_space<vmem>> -> memref<128x8xf32, #tpu.memory_space<vmem>>
      %dma_wait3A_130 = arith.constant 0 : i32
      %dma_wait3A_131 = tpu.memref_slice %arg8[%dma_wait3A_126, %dma_wait3A_130] : memref<8x128xi32, #tpu.memory_space<vmem>> -> memref<1x128xi32, #tpu.memory_space<vmem>>
      %dma_wait3A_132 = tpu.memref_squeeze %dma_wait3A_131 : memref<1x128xi32, #tpu.memory_space<vmem>> -> memref<128xi32, #tpu.memory_space<vmem>>
      %dma_wait3A_133 = arith.constant 0 : i32
      %dma_wait3A_134 = arith.constant 0 : i32
      %dma_wait3A_135 = tpu.memref_slice %arg7[%dma_wait3A_133, %dma_wait3A_134] : memref<100352x8xf32, #tpu.memory_space<vmem_shared>> -> memref<100352x8xf32, #tpu.memory_space<vmem_shared>>
      tpu.wait_indirect_dma semaphore(%arg15 : memref<!tpu.dma_semaphore, #tpu.memory_space<semaphore_mem>>) src(%dma_wait3A_135 : memref<100352x8xf32, #tpu.memory_space<vmem_shared>>) dst(%dma_wait3A_129 : memref<128x8xf32, #tpu.memory_space<vmem>>)
      %dma_wait3A_136 = arith.constant 2 : i32
      %dma_wait3A_137 = arith.constant 256 : i32
      %dma_wait3A_138 = arith.constant 0 : i32
      %dma_wait3A_139 = tpu.memref_slice %arg12[%dma_wait3A_137, %dma_wait3A_138] : memref<1024x8xf32, #tpu.memory_space<vmem>> -> memref<128x8xf32, #tpu.memory_space<vmem>>
      %dma_wait3A_140 = arith.constant 0 : i32
      %dma_wait3A_141 = tpu.memref_slice %arg8[%dma_wait3A_136, %dma_wait3A_140] : memref<8x128xi32, #tpu.memory_space<vmem>> -> memref<1x128xi32, #tpu.memory_space<vmem>>
      %dma_wait3A_142 = tpu.memref_squeeze %dma_wait3A_141 : memref<1x128xi32, #tpu.memory_space<vmem>> -> memref<128xi32, #tpu.memory_space<vmem>>
      %dma_wait3A_143 = arith.constant 0 : i32
      %dma_wait3A_144 = arith.constant 0 : i32
      %dma_wait3A_145 = tpu.memref_slice %arg7[%dma_wait3A_143, %dma_wait3A_144] : memref<100352x8xf32, #tpu.memory_space<vmem_shared>> -> memref<100352x8xf32, #tpu.memory_space<vmem_shared>>
      tpu.wait_indirect_dma semaphore(%arg15 : memref<!tpu.dma_semaphore, #tpu.memory_space<semaphore_mem>>) src(%dma_wait3A_145 : memref<100352x8xf32, #tpu.memory_space<vmem_shared>>) dst(%dma_wait3A_139 : memref<128x8xf32, #tpu.memory_space<vmem>>)
      %dma_wait3A_146 = arith.constant 3 : i32
      %dma_wait3A_147 = arith.constant 384 : i32
      %dma_wait3A_148 = arith.constant 0 : i32
      %dma_wait3A_149 = tpu.memref_slice %arg12[%dma_wait3A_147, %dma_wait3A_148] : memref<1024x8xf32, #tpu.memory_space<vmem>> -> memref<128x8xf32, #tpu.memory_space<vmem>>
      %dma_wait3A_150 = arith.constant 0 : i32
      %dma_wait3A_151 = tpu.memref_slice %arg8[%dma_wait3A_146, %dma_wait3A_150] : memref<8x128xi32, #tpu.memory_space<vmem>> -> memref<1x128xi32, #tpu.memory_space<vmem>>
      %dma_wait3A_152 = tpu.memref_squeeze %dma_wait3A_151 : memref<1x128xi32, #tpu.memory_space<vmem>> -> memref<128xi32, #tpu.memory_space<vmem>>
      %dma_wait3A_153 = arith.constant 0 : i32
      %dma_wait3A_154 = arith.constant 0 : i32
      %dma_wait3A_155 = tpu.memref_slice %arg7[%dma_wait3A_153, %dma_wait3A_154] : memref<100352x8xf32, #tpu.memory_space<vmem_shared>> -> memref<100352x8xf32, #tpu.memory_space<vmem_shared>>
      tpu.wait_indirect_dma semaphore(%arg15 : memref<!tpu.dma_semaphore, #tpu.memory_space<semaphore_mem>>) src(%dma_wait3A_155 : memref<100352x8xf32, #tpu.memory_space<vmem_shared>>) dst(%dma_wait3A_149 : memref<128x8xf32, #tpu.memory_space<vmem>>)
      %dma_wait3A_156 = arith.constant 4 : i32
      %dma_wait3A_157 = arith.constant 512 : i32
      %dma_wait3A_158 = arith.constant 0 : i32
      %dma_wait3A_159 = tpu.memref_slice %arg12[%dma_wait3A_157, %dma_wait3A_158] : memref<1024x8xf32, #tpu.memory_space<vmem>> -> memref<128x8xf32, #tpu.memory_space<vmem>>
      %dma_wait3A_160 = arith.constant 0 : i32
      %dma_wait3A_161 = tpu.memref_slice %arg8[%dma_wait3A_156, %dma_wait3A_160] : memref<8x128xi32, #tpu.memory_space<vmem>> -> memref<1x128xi32, #tpu.memory_space<vmem>>
      %dma_wait3A_162 = tpu.memref_squeeze %dma_wait3A_161 : memref<1x128xi32, #tpu.memory_space<vmem>> -> memref<128xi32, #tpu.memory_space<vmem>>
      %dma_wait3A_163 = arith.constant 0 : i32
      %dma_wait3A_164 = arith.constant 0 : i32
      %dma_wait3A_165 = tpu.memref_slice %arg7[%dma_wait3A_163, %dma_wait3A_164] : memref<100352x8xf32, #tpu.memory_space<vmem_shared>> -> memref<100352x8xf32, #tpu.memory_space<vmem_shared>>
      tpu.wait_indirect_dma semaphore(%arg15 : memref<!tpu.dma_semaphore, #tpu.memory_space<semaphore_mem>>) src(%dma_wait3A_165 : memref<100352x8xf32, #tpu.memory_space<vmem_shared>>) dst(%dma_wait3A_159 : memref<128x8xf32, #tpu.memory_space<vmem>>)
      %dma_wait3A_166 = arith.constant 5 : i32
      %dma_wait3A_167 = arith.constant 640 : i32
      %dma_wait3A_168 = arith.constant 0 : i32
      %dma_wait3A_169 = tpu.memref_slice %arg12[%dma_wait3A_167, %dma_wait3A_168] : memref<1024x8xf32, #tpu.memory_space<vmem>> -> memref<128x8xf32, #tpu.memory_space<vmem>>
      %dma_wait3A_170 = arith.constant 0 : i32
      %dma_wait3A_171 = tpu.memref_slice %arg8[%dma_wait3A_166, %dma_wait3A_170] : memref<8x128xi32, #tpu.memory_space<vmem>> -> memref<1x128xi32, #tpu.memory_space<vmem>>
      %dma_wait3A_172 = tpu.memref_squeeze %dma_wait3A_171 : memref<1x128xi32, #tpu.memory_space<vmem>> -> memref<128xi32, #tpu.memory_space<vmem>>
      %dma_wait3A_173 = arith.constant 0 : i32
      %dma_wait3A_174 = arith.constant 0 : i32
      %dma_wait3A_175 = tpu.memref_slice %arg7[%dma_wait3A_173, %dma_wait3A_174] : memref<100352x8xf32, #tpu.memory_space<vmem_shared>> -> memref<100352x8xf32, #tpu.memory_space<vmem_shared>>
      tpu.wait_indirect_dma semaphore(%arg15 : memref<!tpu.dma_semaphore, #tpu.memory_space<semaphore_mem>>) src(%dma_wait3A_175 : memref<100352x8xf32, #tpu.memory_space<vmem_shared>>) dst(%dma_wait3A_169 : memref<128x8xf32, #tpu.memory_space<vmem>>)
      %dma_wait3A_176 = arith.constant 6 : i32
      %dma_wait3A_177 = arith.constant 768 : i32
      %dma_wait3A_178 = arith.constant 0 : i32
      %dma_wait3A_179 = tpu.memref_slice %arg12[%dma_wait3A_177, %dma_wait3A_178] : memref<1024x8xf32, #tpu.memory_space<vmem>> -> memref<128x8xf32, #tpu.memory_space<vmem>>
      %dma_wait3A_180 = arith.constant 0 : i32
      %dma_wait3A_181 = tpu.memref_slice %arg8[%dma_wait3A_176, %dma_wait3A_180] : memref<8x128xi32, #tpu.memory_space<vmem>> -> memref<1x128xi32, #tpu.memory_space<vmem>>
      %dma_wait3A_182 = tpu.memref_squeeze %dma_wait3A_181 : memref<1x128xi32, #tpu.memory_space<vmem>> -> memref<128xi32, #tpu.memory_space<vmem>>
      %dma_wait3A_183 = arith.constant 0 : i32
      %dma_wait3A_184 = arith.constant 0 : i32
      %dma_wait3A_185 = tpu.memref_slice %arg7[%dma_wait3A_183, %dma_wait3A_184] : memref<100352x8xf32, #tpu.memory_space<vmem_shared>> -> memref<100352x8xf32, #tpu.memory_space<vmem_shared>>
      tpu.wait_indirect_dma semaphore(%arg15 : memref<!tpu.dma_semaphore, #tpu.memory_space<semaphore_mem>>) src(%dma_wait3A_185 : memref<100352x8xf32, #tpu.memory_space<vmem_shared>>) dst(%dma_wait3A_179 : memref<128x8xf32, #tpu.memory_space<vmem>>)
      %dma_wait3A_186 = arith.constant 7 : i32
      %dma_wait3A_187 = arith.constant 896 : i32
      %dma_wait3A_188 = arith.constant 0 : i32
      %dma_wait3A_189 = tpu.memref_slice %arg12[%dma_wait3A_187, %dma_wait3A_188] : memref<1024x8xf32, #tpu.memory_space<vmem>> -> memref<128x8xf32, #tpu.memory_space<vmem>>
      %dma_wait3A_190 = arith.constant 0 : i32
      %dma_wait3A_191 = tpu.memref_slice %arg8[%dma_wait3A_186, %dma_wait3A_190] : memref<8x128xi32, #tpu.memory_space<vmem>> -> memref<1x128xi32, #tpu.memory_space<vmem>>
      %dma_wait3A_192 = tpu.memref_squeeze %dma_wait3A_191 : memref<1x128xi32, #tpu.memory_space<vmem>> -> memref<128xi32, #tpu.memory_space<vmem>>
      %dma_wait3A_193 = arith.constant 0 : i32
      %dma_wait3A_194 = arith.constant 0 : i32
      %dma_wait3A_195 = tpu.memref_slice %arg7[%dma_wait3A_193, %dma_wait3A_194] : memref<100352x8xf32, #tpu.memory_space<vmem_shared>> -> memref<100352x8xf32, #tpu.memory_space<vmem_shared>>
      tpu.wait_indirect_dma semaphore(%arg15 : memref<!tpu.dma_semaphore, #tpu.memory_space<semaphore_mem>>) src(%dma_wait3A_195 : memref<100352x8xf32, #tpu.memory_space<vmem_shared>>) dst(%dma_wait3A_189 : memref<128x8xf32, #tpu.memory_space<vmem>>)
      %dma_start3A_196 = arith.constant 0 : i32
      %dma_start3A_197 = arith.constant 0 : i32
      %dma_start3A_198 = arith.constant 0 : i32
      %dma_start3A_199 = tpu.memref_slice %arg12[%dma_start3A_197, %dma_start3A_198] : memref<1024x8xf32, #tpu.memory_space<vmem>> -> memref<128x8xf32, #tpu.memory_space<vmem>>
      %dma_start3A_200 = arith.constant 0 : i32
      %dma_start3A_201 = tpu.memref_slice %arg9[%dma_start3A_196, %dma_start3A_200] : memref<8x128xi32, #tpu.memory_space<vmem>> -> memref<1x128xi32, #tpu.memory_space<vmem>>
      %dma_start3A_202 = tpu.memref_squeeze %dma_start3A_201 : memref<1x128xi32, #tpu.memory_space<vmem>> -> memref<128xi32, #tpu.memory_space<vmem>>
      %dma_start3A_203 = arith.constant 0 : i32
      %dma_start3A_204 = arith.constant 0 : i32
      %dma_start3A_205 = tpu.memref_slice %arg6[%dma_start3A_203, %dma_start3A_204] : memref<100352x8xf32, #tpu.memory_space<vmem_shared>> -> memref<100352x8xf32, #tpu.memory_space<vmem_shared>>
      tpu.enqueue_indirect_dma source(%dma_start3A_199 : memref<128x8xf32, #tpu.memory_space<vmem>>) target(%dma_start3A_205 : memref<100352x8xf32, #tpu.memory_space<vmem_shared>>) offsets(%dma_start3A_202 : memref<128xi32, #tpu.memory_space<vmem>>) semaphore(%arg16 : memref<!tpu.dma_semaphore, #tpu.memory_space<semaphore_mem>>) {add = true}
      %dma_start3A_206 = arith.constant 1 : i32
      %dma_start3A_207 = arith.constant 128 : i32
      %dma_start3A_208 = arith.constant 0 : i32
      %dma_start3A_209 = tpu.memref_slice %arg12[%dma_start3A_207, %dma_start3A_208] : memref<1024x8xf32, #tpu.memory_space<vmem>> -> memref<128x8xf32, #tpu.memory_space<vmem>>
      %dma_start3A_210 = arith.constant 0 : i32
      %dma_start3A_211 = tpu.memref_slice %arg9[%dma_start3A_206, %dma_start3A_210] : memref<8x128xi32, #tpu.memory_space<vmem>> -> memref<1x128xi32, #tpu.memory_space<vmem>>
      %dma_start3A_212 = tpu.memref_squeeze %dma_start3A_211 : memref<1x128xi32, #tpu.memory_space<vmem>> -> memref<128xi32, #tpu.memory_space<vmem>>
      %dma_start3A_213 = arith.constant 0 : i32
      %dma_start3A_214 = arith.constant 0 : i32
      %dma_start3A_215 = tpu.memref_slice %arg6[%dma_start3A_213, %dma_start3A_214] : memref<100352x8xf32, #tpu.memory_space<vmem_shared>> -> memref<100352x8xf32, #tpu.memory_space<vmem_shared>>
      tpu.enqueue_indirect_dma source(%dma_start3A_209 : memref<128x8xf32, #tpu.memory_space<vmem>>) target(%dma_start3A_215 : memref<100352x8xf32, #tpu.memory_space<vmem_shared>>) offsets(%dma_start3A_212 : memref<128xi32, #tpu.memory_space<vmem>>) semaphore(%arg16 : memref<!tpu.dma_semaphore, #tpu.memory_space<semaphore_mem>>) {add = true}
      %dma_start3A_216 = arith.constant 2 : i32
      %dma_start3A_217 = arith.constant 256 : i32
      %dma_start3A_218 = arith.constant 0 : i32
      %dma_start3A_219 = tpu.memref_slice %arg12[%dma_start3A_217, %dma_start3A_218] : memref<1024x8xf32, #tpu.memory_space<vmem>> -> memref<128x8xf32, #tpu.memory_space<vmem>>
      %dma_start3A_220 = arith.constant 0 : i32
      %dma_start3A_221 = tpu.memref_slice %arg9[%dma_start3A_216, %dma_start3A_220] : memref<8x128xi32, #tpu.memory_space<vmem>> -> memref<1x128xi32, #tpu.memory_space<vmem>>
      %dma_start3A_222 = tpu.memref_squeeze %dma_start3A_221 : memref<1x128xi32, #tpu.memory_space<vmem>> -> memref<128xi32, #tpu.memory_space<vmem>>
      %dma_start3A_223 = arith.constant 0 : i32
      %dma_start3A_224 = arith.constant 0 : i32
      %dma_start3A_225 = tpu.memref_slice %arg6[%dma_start3A_223, %dma_start3A_224] : memref<100352x8xf32, #tpu.memory_space<vmem_shared>> -> memref<100352x8xf32, #tpu.memory_space<vmem_shared>>
      tpu.enqueue_indirect_dma source(%dma_start3A_219 : memref<128x8xf32, #tpu.memory_space<vmem>>) target(%dma_start3A_225 : memref<100352x8xf32, #tpu.memory_space<vmem_shared>>) offsets(%dma_start3A_222 : memref<128xi32, #tpu.memory_space<vmem>>) semaphore(%arg16 : memref<!tpu.dma_semaphore, #tpu.memory_space<semaphore_mem>>) {add = true}
      %dma_start3A_226 = arith.constant 3 : i32
      %dma_start3A_227 = arith.constant 384 : i32
      %dma_start3A_228 = arith.constant 0 : i32
      %dma_start3A_229 = tpu.memref_slice %arg12[%dma_start3A_227, %dma_start3A_228] : memref<1024x8xf32, #tpu.memory_space<vmem>> -> memref<128x8xf32, #tpu.memory_space<vmem>>
      %dma_start3A_230 = arith.constant 0 : i32
      %dma_start3A_231 = tpu.memref_slice %arg9[%dma_start3A_226, %dma_start3A_230] : memref<8x128xi32, #tpu.memory_space<vmem>> -> memref<1x128xi32, #tpu.memory_space<vmem>>
      %dma_start3A_232 = tpu.memref_squeeze %dma_start3A_231 : memref<1x128xi32, #tpu.memory_space<vmem>> -> memref<128xi32, #tpu.memory_space<vmem>>
      %dma_start3A_233 = arith.constant 0 : i32
      %dma_start3A_234 = arith.constant 0 : i32
      %dma_start3A_235 = tpu.memref_slice %arg6[%dma_start3A_233, %dma_start3A_234] : memref<100352x8xf32, #tpu.memory_space<vmem_shared>> -> memref<100352x8xf32, #tpu.memory_space<vmem_shared>>
      tpu.enqueue_indirect_dma source(%dma_start3A_229 : memref<128x8xf32, #tpu.memory_space<vmem>>) target(%dma_start3A_235 : memref<100352x8xf32, #tpu.memory_space<vmem_shared>>) offsets(%dma_start3A_232 : memref<128xi32, #tpu.memory_space<vmem>>) semaphore(%arg16 : memref<!tpu.dma_semaphore, #tpu.memory_space<semaphore_mem>>) {add = true}
      %dma_start3A_236 = arith.constant 4 : i32
      %dma_start3A_237 = arith.constant 512 : i32
      %dma_start3A_238 = arith.constant 0 : i32
      %dma_start3A_239 = tpu.memref_slice %arg12[%dma_start3A_237, %dma_start3A_238] : memref<1024x8xf32, #tpu.memory_space<vmem>> -> memref<128x8xf32, #tpu.memory_space<vmem>>
      %dma_start3A_240 = arith.constant 0 : i32
      %dma_start3A_241 = tpu.memref_slice %arg9[%dma_start3A_236, %dma_start3A_240] : memref<8x128xi32, #tpu.memory_space<vmem>> -> memref<1x128xi32, #tpu.memory_space<vmem>>
      %dma_start3A_242 = tpu.memref_squeeze %dma_start3A_241 : memref<1x128xi32, #tpu.memory_space<vmem>> -> memref<128xi32, #tpu.memory_space<vmem>>
      %dma_start3A_243 = arith.constant 0 : i32
      %dma_start3A_244 = arith.constant 0 : i32
      %dma_start3A_245 = tpu.memref_slice %arg6[%dma_start3A_243, %dma_start3A_244] : memref<100352x8xf32, #tpu.memory_space<vmem_shared>> -> memref<100352x8xf32, #tpu.memory_space<vmem_shared>>
      tpu.enqueue_indirect_dma source(%dma_start3A_239 : memref<128x8xf32, #tpu.memory_space<vmem>>) target(%dma_start3A_245 : memref<100352x8xf32, #tpu.memory_space<vmem_shared>>) offsets(%dma_start3A_242 : memref<128xi32, #tpu.memory_space<vmem>>) semaphore(%arg16 : memref<!tpu.dma_semaphore, #tpu.memory_space<semaphore_mem>>) {add = true}
      %dma_start3A_246 = arith.constant 5 : i32
      %dma_start3A_247 = arith.constant 640 : i32
      %dma_start3A_248 = arith.constant 0 : i32
      %dma_start3A_249 = tpu.memref_slice %arg12[%dma_start3A_247, %dma_start3A_248] : memref<1024x8xf32, #tpu.memory_space<vmem>> -> memref<128x8xf32, #tpu.memory_space<vmem>>
      %dma_start3A_250 = arith.constant 0 : i32
      %dma_start3A_251 = tpu.memref_slice %arg9[%dma_start3A_246, %dma_start3A_250] : memref<8x128xi32, #tpu.memory_space<vmem>> -> memref<1x128xi32, #tpu.memory_space<vmem>>
      %dma_start3A_252 = tpu.memref_squeeze %dma_start3A_251 : memref<1x128xi32, #tpu.memory_space<vmem>> -> memref<128xi32, #tpu.memory_space<vmem>>
      %dma_start3A_253 = arith.constant 0 : i32
      %dma_start3A_254 = arith.constant 0 : i32
      %dma_start3A_255 = tpu.memref_slice %arg6[%dma_start3A_253, %dma_start3A_254] : memref<100352x8xf32, #tpu.memory_space<vmem_shared>> -> memref<100352x8xf32, #tpu.memory_space<vmem_shared>>
      tpu.enqueue_indirect_dma source(%dma_start3A_249 : memref<128x8xf32, #tpu.memory_space<vmem>>) target(%dma_start3A_255 : memref<100352x8xf32, #tpu.memory_space<vmem_shared>>) offsets(%dma_start3A_252 : memref<128xi32, #tpu.memory_space<vmem>>) semaphore(%arg16 : memref<!tpu.dma_semaphore, #tpu.memory_space<semaphore_mem>>) {add = true}
      %dma_start3A_256 = arith.constant 6 : i32
      %dma_start3A_257 = arith.constant 768 : i32
      %dma_start3A_258 = arith.constant 0 : i32
      %dma_start3A_259 = tpu.memref_slice %arg12[%dma_start3A_257, %dma_start3A_258] : memref<1024x8xf32, #tpu.memory_space<vmem>> -> memref<128x8xf32, #tpu.memory_space<vmem>>
      %dma_start3A_260 = arith.constant 0 : i32
      %dma_start3A_261 = tpu.memref_slice %arg9[%dma_start3A_256, %dma_start3A_260] : memref<8x128xi32, #tpu.memory_space<vmem>> -> memref<1x128xi32, #tpu.memory_space<vmem>>
      %dma_start3A_262 = tpu.memref_squeeze %dma_start3A_261 : memref<1x128xi32, #tpu.memory_space<vmem>> -> memref<128xi32, #tpu.memory_space<vmem>>
      %dma_start3A_263 = arith.constant 0 : i32
      %dma_start3A_264 = arith.constant 0 : i32
      %dma_start3A_265 = tpu.memref_slice %arg6[%dma_start3A_263, %dma_start3A_264] : memref<100352x8xf32, #tpu.memory_space<vmem_shared>> -> memref<100352x8xf32, #tpu.memory_space<vmem_shared>>
      tpu.enqueue_indirect_dma source(%dma_start3A_259 : memref<128x8xf32, #tpu.memory_space<vmem>>) target(%dma_start3A_265 : memref<100352x8xf32, #tpu.memory_space<vmem_shared>>) offsets(%dma_start3A_262 : memref<128xi32, #tpu.memory_space<vmem>>) semaphore(%arg16 : memref<!tpu.dma_semaphore, #tpu.memory_space<semaphore_mem>>) {add = true}
      %dma_start3A_266 = arith.constant 7 : i32
      %dma_start3A_267 = arith.constant 896 : i32
      %dma_start3A_268 = arith.constant 0 : i32
      %dma_start3A_269 = tpu.memref_slice %arg12[%dma_start3A_267, %dma_start3A_268] : memref<1024x8xf32, #tpu.memory_space<vmem>> -> memref<128x8xf32, #tpu.memory_space<vmem>>
      %dma_start3A_270 = arith.constant 0 : i32
      %dma_start3A_271 = tpu.memref_slice %arg9[%dma_start3A_266, %dma_start3A_270] : memref<8x128xi32, #tpu.memory_space<vmem>> -> memref<1x128xi32, #tpu.memory_space<vmem>>
      %dma_start3A_272 = tpu.memref_squeeze %dma_start3A_271 : memref<1x128xi32, #tpu.memory_space<vmem>> -> memref<128xi32, #tpu.memory_space<vmem>>
      %dma_start3A_273 = arith.constant 0 : i32
      %dma_start3A_274 = arith.constant 0 : i32
      %dma_start3A_275 = tpu.memref_slice %arg6[%dma_start3A_273, %dma_start3A_274] : memref<100352x8xf32, #tpu.memory_space<vmem_shared>> -> memref<100352x8xf32, #tpu.memory_space<vmem_shared>>
      tpu.enqueue_indirect_dma source(%dma_start3A_269 : memref<128x8xf32, #tpu.memory_space<vmem>>) target(%dma_start3A_275 : memref<100352x8xf32, #tpu.memory_space<vmem_shared>>) offsets(%dma_start3A_272 : memref<128xi32, #tpu.memory_space<vmem>>) semaphore(%arg16 : memref<!tpu.dma_semaphore, #tpu.memory_space<semaphore_mem>>) {add = true}
      %dma_start3A_276 = arith.constant 0 : i32
      %dma_start3A_277 = arith.constant 0 : i32
      %dma_start3A_278 = arith.constant 0 : i32
      %dma_start3A_279 = tpu.memref_slice %arg13[%dma_start3A_277, %dma_start3A_278] : memref<1024x8xf32, #tpu.memory_space<vmem>> -> memref<128x8xf32, #tpu.memory_space<vmem>>
      %dma_start3A_280 = arith.constant 0 : i32
      %dma_start3A_281 = tpu.memref_slice %arg10[%dma_start3A_276, %dma_start3A_280] : memref<8x128xi32, #tpu.memory_space<vmem>> -> memref<1x128xi32, #tpu.memory_space<vmem>>
      %dma_start3A_282 = tpu.memref_squeeze %dma_start3A_281 : memref<1x128xi32, #tpu.memory_space<vmem>> -> memref<128xi32, #tpu.memory_space<vmem>>
      %dma_start3A_283 = arith.constant 0 : i32
      %dma_start3A_284 = arith.constant 0 : i32
      %dma_start3A_285 = tpu.memref_slice %arg7[%dma_start3A_283, %dma_start3A_284] : memref<100352x8xf32, #tpu.memory_space<vmem_shared>> -> memref<100352x8xf32, #tpu.memory_space<vmem_shared>>
      tpu.enqueue_indirect_dma source(%dma_start3A_285 : memref<100352x8xf32, #tpu.memory_space<vmem_shared>>) target(%dma_start3A_279 : memref<128x8xf32, #tpu.memory_space<vmem>>) offsets(%dma_start3A_282 : memref<128xi32, #tpu.memory_space<vmem>>) semaphore(%arg15 : memref<!tpu.dma_semaphore, #tpu.memory_space<semaphore_mem>>)
      %dma_start3A_286 = arith.constant 1 : i32
      %dma_start3A_287 = arith.constant 128 : i32
      %dma_start3A_288 = arith.constant 0 : i32
      %dma_start3A_289 = tpu.memref_slice %arg13[%dma_start3A_287, %dma_start3A_288] : memref<1024x8xf32, #tpu.memory_space<vmem>> -> memref<128x8xf32, #tpu.memory_space<vmem>>
      %dma_start3A_290 = arith.constant 0 : i32
      %dma_start3A_291 = tpu.memref_slice %arg10[%dma_start3A_286, %dma_start3A_290] : memref<8x128xi32, #tpu.memory_space<vmem>> -> memref<1x128xi32, #tpu.memory_space<vmem>>
      %dma_start3A_292 = tpu.memref_squeeze %dma_start3A_291 : memref<1x128xi32, #tpu.memory_space<vmem>> -> memref<128xi32, #tpu.memory_space<vmem>>
      %dma_start3A_293 = arith.constant 0 : i32
      %dma_start3A_294 = arith.constant 0 : i32
      %dma_start3A_295 = tpu.memref_slice %arg7[%dma_start3A_293, %dma_start3A_294] : memref<100352x8xf32, #tpu.memory_space<vmem_shared>> -> memref<100352x8xf32, #tpu.memory_space<vmem_shared>>
      tpu.enqueue_indirect_dma source(%dma_start3A_295 : memref<100352x8xf32, #tpu.memory_space<vmem_shared>>) target(%dma_start3A_289 : memref<128x8xf32, #tpu.memory_space<vmem>>) offsets(%dma_start3A_292 : memref<128xi32, #tpu.memory_space<vmem>>) semaphore(%arg15 : memref<!tpu.dma_semaphore, #tpu.memory_space<semaphore_mem>>)
      %dma_start3A_296 = arith.constant 2 : i32
      %dma_start3A_297 = arith.constant 256 : i32
      %dma_start3A_298 = arith.constant 0 : i32
      %dma_start3A_299 = tpu.memref_slice %arg13[%dma_start3A_297, %dma_start3A_298] : memref<1024x8xf32, #tpu.memory_space<vmem>> -> memref<128x8xf32, #tpu.memory_space<vmem>>
      %dma_start3A_300 = arith.constant 0 : i32
      %dma_start3A_301 = tpu.memref_slice %arg10[%dma_start3A_296, %dma_start3A_300] : memref<8x128xi32, #tpu.memory_space<vmem>> -> memref<1x128xi32, #tpu.memory_space<vmem>>
      %dma_start3A_302 = tpu.memref_squeeze %dma_start3A_301 : memref<1x128xi32, #tpu.memory_space<vmem>> -> memref<128xi32, #tpu.memory_space<vmem>>
      %dma_start3A_303 = arith.constant 0 : i32
      %dma_start3A_304 = arith.constant 0 : i32
      %dma_start3A_305 = tpu.memref_slice %arg7[%dma_start3A_303, %dma_start3A_304] : memref<100352x8xf32, #tpu.memory_space<vmem_shared>> -> memref<100352x8xf32, #tpu.memory_space<vmem_shared>>
      tpu.enqueue_indirect_dma source(%dma_start3A_305 : memref<100352x8xf32, #tpu.memory_space<vmem_shared>>) target(%dma_start3A_299 : memref<128x8xf32, #tpu.memory_space<vmem>>) offsets(%dma_start3A_302 : memref<128xi32, #tpu.memory_space<vmem>>) semaphore(%arg15 : memref<!tpu.dma_semaphore, #tpu.memory_space<semaphore_mem>>)
      %dma_start3A_306 = arith.constant 3 : i32
      %dma_start3A_307 = arith.constant 384 : i32
      %dma_start3A_308 = arith.constant 0 : i32
      %dma_start3A_309 = tpu.memref_slice %arg13[%dma_start3A_307, %dma_start3A_308] : memref<1024x8xf32, #tpu.memory_space<vmem>> -> memref<128x8xf32, #tpu.memory_space<vmem>>
      %dma_start3A_310 = arith.constant 0 : i32
      %dma_start3A_311 = tpu.memref_slice %arg10[%dma_start3A_306, %dma_start3A_310] : memref<8x128xi32, #tpu.memory_space<vmem>> -> memref<1x128xi32, #tpu.memory_space<vmem>>
      %dma_start3A_312 = tpu.memref_squeeze %dma_start3A_311 : memref<1x128xi32, #tpu.memory_space<vmem>> -> memref<128xi32, #tpu.memory_space<vmem>>
      %dma_start3A_313 = arith.constant 0 : i32
      %dma_start3A_314 = arith.constant 0 : i32
      %dma_start3A_315 = tpu.memref_slice %arg7[%dma_start3A_313, %dma_start3A_314] : memref<100352x8xf32, #tpu.memory_space<vmem_shared>> -> memref<100352x8xf32, #tpu.memory_space<vmem_shared>>
      tpu.enqueue_indirect_dma source(%dma_start3A_315 : memref<100352x8xf32, #tpu.memory_space<vmem_shared>>) target(%dma_start3A_309 : memref<128x8xf32, #tpu.memory_space<vmem>>) offsets(%dma_start3A_312 : memref<128xi32, #tpu.memory_space<vmem>>) semaphore(%arg15 : memref<!tpu.dma_semaphore, #tpu.memory_space<semaphore_mem>>)
      %dma_start3A_316 = arith.constant 4 : i32
      %dma_start3A_317 = arith.constant 512 : i32
      %dma_start3A_318 = arith.constant 0 : i32
      %dma_start3A_319 = tpu.memref_slice %arg13[%dma_start3A_317, %dma_start3A_318] : memref<1024x8xf32, #tpu.memory_space<vmem>> -> memref<128x8xf32, #tpu.memory_space<vmem>>
      %dma_start3A_320 = arith.constant 0 : i32
      %dma_start3A_321 = tpu.memref_slice %arg10[%dma_start3A_316, %dma_start3A_320] : memref<8x128xi32, #tpu.memory_space<vmem>> -> memref<1x128xi32, #tpu.memory_space<vmem>>
      %dma_start3A_322 = tpu.memref_squeeze %dma_start3A_321 : memref<1x128xi32, #tpu.memory_space<vmem>> -> memref<128xi32, #tpu.memory_space<vmem>>
      %dma_start3A_323 = arith.constant 0 : i32
      %dma_start3A_324 = arith.constant 0 : i32
      %dma_start3A_325 = tpu.memref_slice %arg7[%dma_start3A_323, %dma_start3A_324] : memref<100352x8xf32, #tpu.memory_space<vmem_shared>> -> memref<100352x8xf32, #tpu.memory_space<vmem_shared>>
      tpu.enqueue_indirect_dma source(%dma_start3A_325 : memref<100352x8xf32, #tpu.memory_space<vmem_shared>>) target(%dma_start3A_319 : memref<128x8xf32, #tpu.memory_space<vmem>>) offsets(%dma_start3A_322 : memref<128xi32, #tpu.memory_space<vmem>>) semaphore(%arg15 : memref<!tpu.dma_semaphore, #tpu.memory_space<semaphore_mem>>)
      %dma_start3A_326 = arith.constant 5 : i32
      %dma_start3A_327 = arith.constant 640 : i32
      %dma_start3A_328 = arith.constant 0 : i32
      %dma_start3A_329 = tpu.memref_slice %arg13[%dma_start3A_327, %dma_start3A_328] : memref<1024x8xf32, #tpu.memory_space<vmem>> -> memref<128x8xf32, #tpu.memory_space<vmem>>
      %dma_start3A_330 = arith.constant 0 : i32
      %dma_start3A_331 = tpu.memref_slice %arg10[%dma_start3A_326, %dma_start3A_330] : memref<8x128xi32, #tpu.memory_space<vmem>> -> memref<1x128xi32, #tpu.memory_space<vmem>>
      %dma_start3A_332 = tpu.memref_squeeze %dma_start3A_331 : memref<1x128xi32, #tpu.memory_space<vmem>> -> memref<128xi32, #tpu.memory_space<vmem>>
      %dma_start3A_333 = arith.constant 0 : i32
      %dma_start3A_334 = arith.constant 0 : i32
      %dma_start3A_335 = tpu.memref_slice %arg7[%dma_start3A_333, %dma_start3A_334] : memref<100352x8xf32, #tpu.memory_space<vmem_shared>> -> memref<100352x8xf32, #tpu.memory_space<vmem_shared>>
      tpu.enqueue_indirect_dma source(%dma_start3A_335 : memref<100352x8xf32, #tpu.memory_space<vmem_shared>>) target(%dma_start3A_329 : memref<128x8xf32, #tpu.memory_space<vmem>>) offsets(%dma_start3A_332 : memref<128xi32, #tpu.memory_space<vmem>>) semaphore(%arg15 : memref<!tpu.dma_semaphore, #tpu.memory_space<semaphore_mem>>)
      %dma_start3A_336 = arith.constant 6 : i32
      %dma_start3A_337 = arith.constant 768 : i32
      %dma_start3A_338 = arith.constant 0 : i32
      %dma_start3A_339 = tpu.memref_slice %arg13[%dma_start3A_337, %dma_start3A_338] : memref<1024x8xf32, #tpu.memory_space<vmem>> -> memref<128x8xf32, #tpu.memory_space<vmem>>
      %dma_start3A_340 = arith.constant 0 : i32
      %dma_start3A_341 = tpu.memref_slice %arg10[%dma_start3A_336, %dma_start3A_340] : memref<8x128xi32, #tpu.memory_space<vmem>> -> memref<1x128xi32, #tpu.memory_space<vmem>>
      %dma_start3A_342 = tpu.memref_squeeze %dma_start3A_341 : memref<1x128xi32, #tpu.memory_space<vmem>> -> memref<128xi32, #tpu.memory_space<vmem>>
      %dma_start3A_343 = arith.constant 0 : i32
      %dma_start3A_344 = arith.constant 0 : i32
      %dma_start3A_345 = tpu.memref_slice %arg7[%dma_start3A_343, %dma_start3A_344] : memref<100352x8xf32, #tpu.memory_space<vmem_shared>> -> memref<100352x8xf32, #tpu.memory_space<vmem_shared>>
      tpu.enqueue_indirect_dma source(%dma_start3A_345 : memref<100352x8xf32, #tpu.memory_space<vmem_shared>>) target(%dma_start3A_339 : memref<128x8xf32, #tpu.memory_space<vmem>>) offsets(%dma_start3A_342 : memref<128xi32, #tpu.memory_space<vmem>>) semaphore(%arg15 : memref<!tpu.dma_semaphore, #tpu.memory_space<semaphore_mem>>)
      %dma_start3A_346 = arith.constant 7 : i32
      %dma_start3A_347 = arith.constant 896 : i32
      %dma_start3A_348 = arith.constant 0 : i32
      %dma_start3A_349 = tpu.memref_slice %arg13[%dma_start3A_347, %dma_start3A_348] : memref<1024x8xf32, #tpu.memory_space<vmem>> -> memref<128x8xf32, #tpu.memory_space<vmem>>
      %dma_start3A_350 = arith.constant 0 : i32
      %dma_start3A_351 = tpu.memref_slice %arg10[%dma_start3A_346, %dma_start3A_350] : memref<8x128xi32, #tpu.memory_space<vmem>> -> memref<1x128xi32, #tpu.memory_space<vmem>>
      %dma_start3A_352 = tpu.memref_squeeze %dma_start3A_351 : memref<1x128xi32, #tpu.memory_space<vmem>> -> memref<128xi32, #tpu.memory_space<vmem>>
      %dma_start3A_353 = arith.constant 0 : i32
      %dma_start3A_354 = arith.constant 0 : i32
      %dma_start3A_355 = tpu.memref_slice %arg7[%dma_start3A_353, %dma_start3A_354] : memref<100352x8xf32, #tpu.memory_space<vmem_shared>> -> memref<100352x8xf32, #tpu.memory_space<vmem_shared>>
      tpu.enqueue_indirect_dma source(%dma_start3A_355 : memref<100352x8xf32, #tpu.memory_space<vmem_shared>>) target(%dma_start3A_349 : memref<128x8xf32, #tpu.memory_space<vmem>>) offsets(%dma_start3A_352 : memref<128xi32, #tpu.memory_space<vmem>>) semaphore(%arg15 : memref<!tpu.dma_semaphore, #tpu.memory_space<semaphore_mem>>)
      %dma_wait3A_356 = arith.constant 0 : i32
      %dma_wait3A_357 = arith.constant 0 : i32
      %dma_wait3A_358 = arith.constant 0 : i32
      %dma_wait3A_359 = tpu.memref_slice %arg13[%dma_wait3A_357, %dma_wait3A_358] : memref<1024x8xf32, #tpu.memory_space<vmem>> -> memref<128x8xf32, #tpu.memory_space<vmem>>
      %dma_wait3A_360 = arith.constant 0 : i32
      %dma_wait3A_361 = tpu.memref_slice %arg10[%dma_wait3A_356, %dma_wait3A_360] : memref<8x128xi32, #tpu.memory_space<vmem>> -> memref<1x128xi32, #tpu.memory_space<vmem>>
      %dma_wait3A_362 = tpu.memref_squeeze %dma_wait3A_361 : memref<1x128xi32, #tpu.memory_space<vmem>> -> memref<128xi32, #tpu.memory_space<vmem>>
      %dma_wait3A_363 = arith.constant 0 : i32
      %dma_wait3A_364 = arith.constant 0 : i32
      %dma_wait3A_365 = tpu.memref_slice %arg7[%dma_wait3A_363, %dma_wait3A_364] : memref<100352x8xf32, #tpu.memory_space<vmem_shared>> -> memref<100352x8xf32, #tpu.memory_space<vmem_shared>>
      tpu.wait_indirect_dma semaphore(%arg15 : memref<!tpu.dma_semaphore, #tpu.memory_space<semaphore_mem>>) src(%dma_wait3A_365 : memref<100352x8xf32, #tpu.memory_space<vmem_shared>>) dst(%dma_wait3A_359 : memref<128x8xf32, #tpu.memory_space<vmem>>)
      %dma_wait3A_366 = arith.constant 1 : i32
      %dma_wait3A_367 = arith.constant 128 : i32
      %dma_wait3A_368 = arith.constant 0 : i32
      %dma_wait3A_369 = tpu.memref_slice %arg13[%dma_wait3A_367, %dma_wait3A_368] : memref<1024x8xf32, #tpu.memory_space<vmem>> -> memref<128x8xf32, #tpu.memory_space<vmem>>
      %dma_wait3A_370 = arith.constant 0 : i32
      %dma_wait3A_371 = tpu.memref_slice %arg10[%dma_wait3A_366, %dma_wait3A_370] : memref<8x128xi32, #tpu.memory_space<vmem>> -> memref<1x128xi32, #tpu.memory_space<vmem>>
      %dma_wait3A_372 = tpu.memref_squeeze %dma_wait3A_371 : memref<1x128xi32, #tpu.memory_space<vmem>> -> memref<128xi32, #tpu.memory_space<vmem>>
      %dma_wait3A_373 = arith.constant 0 : i32
      %dma_wait3A_374 = arith.constant 0 : i32
      %dma_wait3A_375 = tpu.memref_slice %arg7[%dma_wait3A_373, %dma_wait3A_374] : memref<100352x8xf32, #tpu.memory_space<vmem_shared>> -> memref<100352x8xf32, #tpu.memory_space<vmem_shared>>
      tpu.wait_indirect_dma semaphore(%arg15 : memref<!tpu.dma_semaphore, #tpu.memory_space<semaphore_mem>>) src(%dma_wait3A_375 : memref<100352x8xf32, #tpu.memory_space<vmem_shared>>) dst(%dma_wait3A_369 : memref<128x8xf32, #tpu.memory_space<vmem>>)
      %dma_wait3A_376 = arith.constant 2 : i32
      %dma_wait3A_377 = arith.constant 256 : i32
      %dma_wait3A_378 = arith.constant 0 : i32
      %dma_wait3A_379 = tpu.memref_slice %arg13[%dma_wait3A_377, %dma_wait3A_378] : memref<1024x8xf32, #tpu.memory_space<vmem>> -> memref<128x8xf32, #tpu.memory_space<vmem>>
      %dma_wait3A_380 = arith.constant 0 : i32
      %dma_wait3A_381 = tpu.memref_slice %arg10[%dma_wait3A_376, %dma_wait3A_380] : memref<8x128xi32, #tpu.memory_space<vmem>> -> memref<1x128xi32, #tpu.memory_space<vmem>>
      %dma_wait3A_382 = tpu.memref_squeeze %dma_wait3A_381 : memref<1x128xi32, #tpu.memory_space<vmem>> -> memref<128xi32, #tpu.memory_space<vmem>>
      %dma_wait3A_383 = arith.constant 0 : i32
      %dma_wait3A_384 = arith.constant 0 : i32
      %dma_wait3A_385 = tpu.memref_slice %arg7[%dma_wait3A_383, %dma_wait3A_384] : memref<100352x8xf32, #tpu.memory_space<vmem_shared>> -> memref<100352x8xf32, #tpu.memory_space<vmem_shared>>
      tpu.wait_indirect_dma semaphore(%arg15 : memref<!tpu.dma_semaphore, #tpu.memory_space<semaphore_mem>>) src(%dma_wait3A_385 : memref<100352x8xf32, #tpu.memory_space<vmem_shared>>) dst(%dma_wait3A_379 : memref<128x8xf32, #tpu.memory_space<vmem>>)
      %dma_wait3A_386 = arith.constant 3 : i32
      %dma_wait3A_387 = arith.constant 384 : i32
      %dma_wait3A_388 = arith.constant 0 : i32
      %dma_wait3A_389 = tpu.memref_slice %arg13[%dma_wait3A_387, %dma_wait3A_388] : memref<1024x8xf32, #tpu.memory_space<vmem>> -> memref<128x8xf32, #tpu.memory_space<vmem>>
      %dma_wait3A_390 = arith.constant 0 : i32
      %dma_wait3A_391 = tpu.memref_slice %arg10[%dma_wait3A_386, %dma_wait3A_390] : memref<8x128xi32, #tpu.memory_space<vmem>> -> memref<1x128xi32, #tpu.memory_space<vmem>>
      %dma_wait3A_392 = tpu.memref_squeeze %dma_wait3A_391 : memref<1x128xi32, #tpu.memory_space<vmem>> -> memref<128xi32, #tpu.memory_space<vmem>>
      %dma_wait3A_393 = arith.constant 0 : i32
      %dma_wait3A_394 = arith.constant 0 : i32
      %dma_wait3A_395 = tpu.memref_slice %arg7[%dma_wait3A_393, %dma_wait3A_394] : memref<100352x8xf32, #tpu.memory_space<vmem_shared>> -> memref<100352x8xf32, #tpu.memory_space<vmem_shared>>
      tpu.wait_indirect_dma semaphore(%arg15 : memref<!tpu.dma_semaphore, #tpu.memory_space<semaphore_mem>>) src(%dma_wait3A_395 : memref<100352x8xf32, #tpu.memory_space<vmem_shared>>) dst(%dma_wait3A_389 : memref<128x8xf32, #tpu.memory_space<vmem>>)
      %dma_wait3A_396 = arith.constant 4 : i32
      %dma_wait3A_397 = arith.constant 512 : i32
      %dma_wait3A_398 = arith.constant 0 : i32
      %dma_wait3A_399 = tpu.memref_slice %arg13[%dma_wait3A_397, %dma_wait3A_398] : memref<1024x8xf32, #tpu.memory_space<vmem>> -> memref<128x8xf32, #tpu.memory_space<vmem>>
      %dma_wait3A_400 = arith.constant 0 : i32
      %dma_wait3A_401 = tpu.memref_slice %arg10[%dma_wait3A_396, %dma_wait3A_400] : memref<8x128xi32, #tpu.memory_space<vmem>> -> memref<1x128xi32, #tpu.memory_space<vmem>>
      %dma_wait3A_402 = tpu.memref_squeeze %dma_wait3A_401 : memref<1x128xi32, #tpu.memory_space<vmem>> -> memref<128xi32, #tpu.memory_space<vmem>>
      %dma_wait3A_403 = arith.constant 0 : i32
      %dma_wait3A_404 = arith.constant 0 : i32
      %dma_wait3A_405 = tpu.memref_slice %arg7[%dma_wait3A_403, %dma_wait3A_404] : memref<100352x8xf32, #tpu.memory_space<vmem_shared>> -> memref<100352x8xf32, #tpu.memory_space<vmem_shared>>
      tpu.wait_indirect_dma semaphore(%arg15 : memref<!tpu.dma_semaphore, #tpu.memory_space<semaphore_mem>>) src(%dma_wait3A_405 : memref<100352x8xf32, #tpu.memory_space<vmem_shared>>) dst(%dma_wait3A_399 : memref<128x8xf32, #tpu.memory_space<vmem>>)
      %dma_wait3A_406 = arith.constant 5 : i32
      %dma_wait3A_407 = arith.constant 640 : i32
      %dma_wait3A_408 = arith.constant 0 : i32
      %dma_wait3A_409 = tpu.memref_slice %arg13[%dma_wait3A_407, %dma_wait3A_408] : memref<1024x8xf32, #tpu.memory_space<vmem>> -> memref<128x8xf32, #tpu.memory_space<vmem>>
      %dma_wait3A_410 = arith.constant 0 : i32
      %dma_wait3A_411 = tpu.memref_slice %arg10[%dma_wait3A_406, %dma_wait3A_410] : memref<8x128xi32, #tpu.memory_space<vmem>> -> memref<1x128xi32, #tpu.memory_space<vmem>>
      %dma_wait3A_412 = tpu.memref_squeeze %dma_wait3A_411 : memref<1x128xi32, #tpu.memory_space<vmem>> -> memref<128xi32, #tpu.memory_space<vmem>>
      %dma_wait3A_413 = arith.constant 0 : i32
      %dma_wait3A_414 = arith.constant 0 : i32
      %dma_wait3A_415 = tpu.memref_slice %arg7[%dma_wait3A_413, %dma_wait3A_414] : memref<100352x8xf32, #tpu.memory_space<vmem_shared>> -> memref<100352x8xf32, #tpu.memory_space<vmem_shared>>
      tpu.wait_indirect_dma semaphore(%arg15 : memref<!tpu.dma_semaphore, #tpu.memory_space<semaphore_mem>>) src(%dma_wait3A_415 : memref<100352x8xf32, #tpu.memory_space<vmem_shared>>) dst(%dma_wait3A_409 : memref<128x8xf32, #tpu.memory_space<vmem>>)
      %dma_wait3A_416 = arith.constant 6 : i32
      %dma_wait3A_417 = arith.constant 768 : i32
      %dma_wait3A_418 = arith.constant 0 : i32
      %dma_wait3A_419 = tpu.memref_slice %arg13[%dma_wait3A_417, %dma_wait3A_418] : memref<1024x8xf32, #tpu.memory_space<vmem>> -> memref<128x8xf32, #tpu.memory_space<vmem>>
      %dma_wait3A_420 = arith.constant 0 : i32
      %dma_wait3A_421 = tpu.memref_slice %arg10[%dma_wait3A_416, %dma_wait3A_420] : memref<8x128xi32, #tpu.memory_space<vmem>> -> memref<1x128xi32, #tpu.memory_space<vmem>>
      %dma_wait3A_422 = tpu.memref_squeeze %dma_wait3A_421 : memref<1x128xi32, #tpu.memory_space<vmem>> -> memref<128xi32, #tpu.memory_space<vmem>>
      %dma_wait3A_423 = arith.constant 0 : i32
      %dma_wait3A_424 = arith.constant 0 : i32
      %dma_wait3A_425 = tpu.memref_slice %arg7[%dma_wait3A_423, %dma_wait3A_424] : memref<100352x8xf32, #tpu.memory_space<vmem_shared>> -> memref<100352x8xf32, #tpu.memory_space<vmem_shared>>
      tpu.wait_indirect_dma semaphore(%arg15 : memref<!tpu.dma_semaphore, #tpu.memory_space<semaphore_mem>>) src(%dma_wait3A_425 : memref<100352x8xf32, #tpu.memory_space<vmem_shared>>) dst(%dma_wait3A_419 : memref<128x8xf32, #tpu.memory_space<vmem>>)
      %dma_wait3A_426 = arith.constant 7 : i32
      %dma_wait3A_427 = arith.constant 896 : i32
      %dma_wait3A_428 = arith.constant 0 : i32
      %dma_wait3A_429 = tpu.memref_slice %arg13[%dma_wait3A_427, %dma_wait3A_428] : memref<1024x8xf32, #tpu.memory_space<vmem>> -> memref<128x8xf32, #tpu.memory_space<vmem>>
      %dma_wait3A_430 = arith.constant 0 : i32
      %dma_wait3A_431 = tpu.memref_slice %arg10[%dma_wait3A_426, %dma_wait3A_430] : memref<8x128xi32, #tpu.memory_space<vmem>> -> memref<1x128xi32, #tpu.memory_space<vmem>>
      %dma_wait3A_432 = tpu.memref_squeeze %dma_wait3A_431 : memref<1x128xi32, #tpu.memory_space<vmem>> -> memref<128xi32, #tpu.memory_space<vmem>>
      %dma_wait3A_433 = arith.constant 0 : i32
      %dma_wait3A_434 = arith.constant 0 : i32
      %dma_wait3A_435 = tpu.memref_slice %arg7[%dma_wait3A_433, %dma_wait3A_434] : memref<100352x8xf32, #tpu.memory_space<vmem_shared>> -> memref<100352x8xf32, #tpu.memory_space<vmem_shared>>
      tpu.wait_indirect_dma semaphore(%arg15 : memref<!tpu.dma_semaphore, #tpu.memory_space<semaphore_mem>>) src(%dma_wait3A_435 : memref<100352x8xf32, #tpu.memory_space<vmem_shared>>) dst(%dma_wait3A_429 : memref<128x8xf32, #tpu.memory_space<vmem>>)
      %dma_start3A_436 = arith.constant 0 : i32
      %dma_start3A_437 = arith.constant 0 : i32
      %dma_start3A_438 = arith.constant 0 : i32
      %dma_start3A_439 = tpu.memref_slice %arg13[%dma_start3A_437, %dma_start3A_438] : memref<1024x8xf32, #tpu.memory_space<vmem>> -> memref<128x8xf32, #tpu.memory_space<vmem>>
      %dma_start3A_440 = arith.constant 0 : i32
      %dma_start3A_441 = tpu.memref_slice %arg11[%dma_start3A_436, %dma_start3A_440] : memref<8x128xi32, #tpu.memory_space<vmem>> -> memref<1x128xi32, #tpu.memory_space<vmem>>
      %dma_start3A_442 = tpu.memref_squeeze %dma_start3A_441 : memref<1x128xi32, #tpu.memory_space<vmem>> -> memref<128xi32, #tpu.memory_space<vmem>>
      %dma_start3A_443 = arith.constant 0 : i32
      %dma_start3A_444 = arith.constant 0 : i32
      %dma_start3A_445 = tpu.memref_slice %arg6[%dma_start3A_443, %dma_start3A_444] : memref<100352x8xf32, #tpu.memory_space<vmem_shared>> -> memref<100352x8xf32, #tpu.memory_space<vmem_shared>>
      tpu.enqueue_indirect_dma source(%dma_start3A_439 : memref<128x8xf32, #tpu.memory_space<vmem>>) target(%dma_start3A_445 : memref<100352x8xf32, #tpu.memory_space<vmem_shared>>) offsets(%dma_start3A_442 : memref<128xi32, #tpu.memory_space<vmem>>) semaphore(%arg16 : memref<!tpu.dma_semaphore, #tpu.memory_space<semaphore_mem>>) {add = true}
      %dma_start3A_446 = arith.constant 1 : i32
      %dma_start3A_447 = arith.constant 128 : i32
      %dma_start3A_448 = arith.constant 0 : i32
      %dma_start3A_449 = tpu.memref_slice %arg13[%dma_start3A_447, %dma_start3A_448] : memref<1024x8xf32, #tpu.memory_space<vmem>> -> memref<128x8xf32, #tpu.memory_space<vmem>>
      %dma_start3A_450 = arith.constant 0 : i32
      %dma_start3A_451 = tpu.memref_slice %arg11[%dma_start3A_446, %dma_start3A_450] : memref<8x128xi32, #tpu.memory_space<vmem>> -> memref<1x128xi32, #tpu.memory_space<vmem>>
      %dma_start3A_452 = tpu.memref_squeeze %dma_start3A_451 : memref<1x128xi32, #tpu.memory_space<vmem>> -> memref<128xi32, #tpu.memory_space<vmem>>
      %dma_start3A_453 = arith.constant 0 : i32
      %dma_start3A_454 = arith.constant 0 : i32
      %dma_start3A_455 = tpu.memref_slice %arg6[%dma_start3A_453, %dma_start3A_454] : memref<100352x8xf32, #tpu.memory_space<vmem_shared>> -> memref<100352x8xf32, #tpu.memory_space<vmem_shared>>
      tpu.enqueue_indirect_dma source(%dma_start3A_449 : memref<128x8xf32, #tpu.memory_space<vmem>>) target(%dma_start3A_455 : memref<100352x8xf32, #tpu.memory_space<vmem_shared>>) offsets(%dma_start3A_452 : memref<128xi32, #tpu.memory_space<vmem>>) semaphore(%arg16 : memref<!tpu.dma_semaphore, #tpu.memory_space<semaphore_mem>>) {add = true}
      %dma_start3A_456 = arith.constant 2 : i32
      %dma_start3A_457 = arith.constant 256 : i32
      %dma_start3A_458 = arith.constant 0 : i32
      %dma_start3A_459 = tpu.memref_slice %arg13[%dma_start3A_457, %dma_start3A_458] : memref<1024x8xf32, #tpu.memory_space<vmem>> -> memref<128x8xf32, #tpu.memory_space<vmem>>
      %dma_start3A_460 = arith.constant 0 : i32
      %dma_start3A_461 = tpu.memref_slice %arg11[%dma_start3A_456, %dma_start3A_460] : memref<8x128xi32, #tpu.memory_space<vmem>> -> memref<1x128xi32, #tpu.memory_space<vmem>>
      %dma_start3A_462 = tpu.memref_squeeze %dma_start3A_461 : memref<1x128xi32, #tpu.memory_space<vmem>> -> memref<128xi32, #tpu.memory_space<vmem>>
      %dma_start3A_463 = arith.constant 0 : i32
      %dma_start3A_464 = arith.constant 0 : i32
      %dma_start3A_465 = tpu.memref_slice %arg6[%dma_start3A_463, %dma_start3A_464] : memref<100352x8xf32, #tpu.memory_space<vmem_shared>> -> memref<100352x8xf32, #tpu.memory_space<vmem_shared>>
      tpu.enqueue_indirect_dma source(%dma_start3A_459 : memref<128x8xf32, #tpu.memory_space<vmem>>) target(%dma_start3A_465 : memref<100352x8xf32, #tpu.memory_space<vmem_shared>>) offsets(%dma_start3A_462 : memref<128xi32, #tpu.memory_space<vmem>>) semaphore(%arg16 : memref<!tpu.dma_semaphore, #tpu.memory_space<semaphore_mem>>) {add = true}
      %dma_start3A_466 = arith.constant 3 : i32
      %dma_start3A_467 = arith.constant 384 : i32
      %dma_start3A_468 = arith.constant 0 : i32
      %dma_start3A_469 = tpu.memref_slice %arg13[%dma_start3A_467, %dma_start3A_468] : memref<1024x8xf32, #tpu.memory_space<vmem>> -> memref<128x8xf32, #tpu.memory_space<vmem>>
      %dma_start3A_470 = arith.constant 0 : i32
      %dma_start3A_471 = tpu.memref_slice %arg11[%dma_start3A_466, %dma_start3A_470] : memref<8x128xi32, #tpu.memory_space<vmem>> -> memref<1x128xi32, #tpu.memory_space<vmem>>
      %dma_start3A_472 = tpu.memref_squeeze %dma_start3A_471 : memref<1x128xi32, #tpu.memory_space<vmem>> -> memref<128xi32, #tpu.memory_space<vmem>>
      %dma_start3A_473 = arith.constant 0 : i32
      %dma_start3A_474 = arith.constant 0 : i32
      %dma_start3A_475 = tpu.memref_slice %arg6[%dma_start3A_473, %dma_start3A_474] : memref<100352x8xf32, #tpu.memory_space<vmem_shared>> -> memref<100352x8xf32, #tpu.memory_space<vmem_shared>>
      tpu.enqueue_indirect_dma source(%dma_start3A_469 : memref<128x8xf32, #tpu.memory_space<vmem>>) target(%dma_start3A_475 : memref<100352x8xf32, #tpu.memory_space<vmem_shared>>) offsets(%dma_start3A_472 : memref<128xi32, #tpu.memory_space<vmem>>) semaphore(%arg16 : memref<!tpu.dma_semaphore, #tpu.memory_space<semaphore_mem>>) {add = true}
      %dma_start3A_476 = arith.constant 4 : i32
      %dma_start3A_477 = arith.constant 512 : i32
      %dma_start3A_478 = arith.constant 0 : i32
      %dma_start3A_479 = tpu.memref_slice %arg13[%dma_start3A_477, %dma_start3A_478] : memref<1024x8xf32, #tpu.memory_space<vmem>> -> memref<128x8xf32, #tpu.memory_space<vmem>>
      %dma_start3A_480 = arith.constant 0 : i32
      %dma_start3A_481 = tpu.memref_slice %arg11[%dma_start3A_476, %dma_start3A_480] : memref<8x128xi32, #tpu.memory_space<vmem>> -> memref<1x128xi32, #tpu.memory_space<vmem>>
      %dma_start3A_482 = tpu.memref_squeeze %dma_start3A_481 : memref<1x128xi32, #tpu.memory_space<vmem>> -> memref<128xi32, #tpu.memory_space<vmem>>
      %dma_start3A_483 = arith.constant 0 : i32
      %dma_start3A_484 = arith.constant 0 : i32
      %dma_start3A_485 = tpu.memref_slice %arg6[%dma_start3A_483, %dma_start3A_484] : memref<100352x8xf32, #tpu.memory_space<vmem_shared>> -> memref<100352x8xf32, #tpu.memory_space<vmem_shared>>
      tpu.enqueue_indirect_dma source(%dma_start3A_479 : memref<128x8xf32, #tpu.memory_space<vmem>>) target(%dma_start3A_485 : memref<100352x8xf32, #tpu.memory_space<vmem_shared>>) offsets(%dma_start3A_482 : memref<128xi32, #tpu.memory_space<vmem>>) semaphore(%arg16 : memref<!tpu.dma_semaphore, #tpu.memory_space<semaphore_mem>>) {add = true}
      %dma_start3A_486 = arith.constant 5 : i32
      %dma_start3A_487 = arith.constant 640 : i32
      %dma_start3A_488 = arith.constant 0 : i32
      %dma_start3A_489 = tpu.memref_slice %arg13[%dma_start3A_487, %dma_start3A_488] : memref<1024x8xf32, #tpu.memory_space<vmem>> -> memref<128x8xf32, #tpu.memory_space<vmem>>
      %dma_start3A_490 = arith.constant 0 : i32
      %dma_start3A_491 = tpu.memref_slice %arg11[%dma_start3A_486, %dma_start3A_490] : memref<8x128xi32, #tpu.memory_space<vmem>> -> memref<1x128xi32, #tpu.memory_space<vmem>>
      %dma_start3A_492 = tpu.memref_squeeze %dma_start3A_491 : memref<1x128xi32, #tpu.memory_space<vmem>> -> memref<128xi32, #tpu.memory_space<vmem>>
      %dma_start3A_493 = arith.constant 0 : i32
      %dma_start3A_494 = arith.constant 0 : i32
      %dma_start3A_495 = tpu.memref_slice %arg6[%dma_start3A_493, %dma_start3A_494] : memref<100352x8xf32, #tpu.memory_space<vmem_shared>> -> memref<100352x8xf32, #tpu.memory_space<vmem_shared>>
      tpu.enqueue_indirect_dma source(%dma_start3A_489 : memref<128x8xf32, #tpu.memory_space<vmem>>) target(%dma_start3A_495 : memref<100352x8xf32, #tpu.memory_space<vmem_shared>>) offsets(%dma_start3A_492 : memref<128xi32, #tpu.memory_space<vmem>>) semaphore(%arg16 : memref<!tpu.dma_semaphore, #tpu.memory_space<semaphore_mem>>) {add = true}
      %dma_start3A_496 = arith.constant 6 : i32
      %dma_start3A_497 = arith.constant 768 : i32
      %dma_start3A_498 = arith.constant 0 : i32
      %dma_start3A_499 = tpu.memref_slice %arg13[%dma_start3A_497, %dma_start3A_498] : memref<1024x8xf32, #tpu.memory_space<vmem>> -> memref<128x8xf32, #tpu.memory_space<vmem>>
      %dma_start3A_500 = arith.constant 0 : i32
      %dma_start3A_501 = tpu.memref_slice %arg11[%dma_start3A_496, %dma_start3A_500] : memref<8x128xi32, #tpu.memory_space<vmem>> -> memref<1x128xi32, #tpu.memory_space<vmem>>
      %dma_start3A_502 = tpu.memref_squeeze %dma_start3A_501 : memref<1x128xi32, #tpu.memory_space<vmem>> -> memref<128xi32, #tpu.memory_space<vmem>>
      %dma_start3A_503 = arith.constant 0 : i32
      %dma_start3A_504 = arith.constant 0 : i32
      %dma_start3A_505 = tpu.memref_slice %arg6[%dma_start3A_503, %dma_start3A_504] : memref<100352x8xf32, #tpu.memory_space<vmem_shared>> -> memref<100352x8xf32, #tpu.memory_space<vmem_shared>>
      tpu.enqueue_indirect_dma source(%dma_start3A_499 : memref<128x8xf32, #tpu.memory_space<vmem>>) target(%dma_start3A_505 : memref<100352x8xf32, #tpu.memory_space<vmem_shared>>) offsets(%dma_start3A_502 : memref<128xi32, #tpu.memory_space<vmem>>) semaphore(%arg16 : memref<!tpu.dma_semaphore, #tpu.memory_space<semaphore_mem>>) {add = true}
      %dma_start3A_506 = arith.constant 7 : i32
      %dma_start3A_507 = arith.constant 896 : i32
      %dma_start3A_508 = arith.constant 0 : i32
      %dma_start3A_509 = tpu.memref_slice %arg13[%dma_start3A_507, %dma_start3A_508] : memref<1024x8xf32, #tpu.memory_space<vmem>> -> memref<128x8xf32, #tpu.memory_space<vmem>>
      %dma_start3A_510 = arith.constant 0 : i32
      %dma_start3A_511 = tpu.memref_slice %arg11[%dma_start3A_506, %dma_start3A_510] : memref<8x128xi32, #tpu.memory_space<vmem>> -> memref<1x128xi32, #tpu.memory_space<vmem>>
      %dma_start3A_512 = tpu.memref_squeeze %dma_start3A_511 : memref<1x128xi32, #tpu.memory_space<vmem>> -> memref<128xi32, #tpu.memory_space<vmem>>
      %dma_start3A_513 = arith.constant 0 : i32
      %dma_start3A_514 = arith.constant 0 : i32
      %dma_start3A_515 = tpu.memref_slice %arg6[%dma_start3A_513, %dma_start3A_514] : memref<100352x8xf32, #tpu.memory_space<vmem_shared>> -> memref<100352x8xf32, #tpu.memory_space<vmem_shared>>
      tpu.enqueue_indirect_dma source(%dma_start3A_509 : memref<128x8xf32, #tpu.memory_space<vmem>>) target(%dma_start3A_515 : memref<100352x8xf32, #tpu.memory_space<vmem_shared>>) offsets(%dma_start3A_512 : memref<128xi32, #tpu.memory_space<vmem>>) semaphore(%arg16 : memref<!tpu.dma_semaphore, #tpu.memory_space<semaphore_mem>>) {add = true}
      %dma_wait3A_516 = arith.constant 0 : i32
      %dma_wait3A_517 = arith.constant 0 : i32
      %dma_wait3A_518 = arith.constant 0 : i32
      %dma_wait3A_519 = tpu.memref_slice %arg12[%dma_wait3A_517, %dma_wait3A_518] : memref<1024x8xf32, #tpu.memory_space<vmem>> -> memref<128x8xf32, #tpu.memory_space<vmem>>
      %dma_wait3A_520 = arith.constant 0 : i32
      %dma_wait3A_521 = tpu.memref_slice %arg9[%dma_wait3A_516, %dma_wait3A_520] : memref<8x128xi32, #tpu.memory_space<vmem>> -> memref<1x128xi32, #tpu.memory_space<vmem>>
      %dma_wait3A_522 = tpu.memref_squeeze %dma_wait3A_521 : memref<1x128xi32, #tpu.memory_space<vmem>> -> memref<128xi32, #tpu.memory_space<vmem>>
      %dma_wait3A_523 = arith.constant 0 : i32
      %dma_wait3A_524 = arith.constant 0 : i32
      %dma_wait3A_525 = tpu.memref_slice %arg6[%dma_wait3A_523, %dma_wait3A_524] : memref<100352x8xf32, #tpu.memory_space<vmem_shared>> -> memref<100352x8xf32, #tpu.memory_space<vmem_shared>>
      tpu.wait_indirect_dma semaphore(%arg16 : memref<!tpu.dma_semaphore, #tpu.memory_space<semaphore_mem>>) src(%dma_wait3A_519 : memref<128x8xf32, #tpu.memory_space<vmem>>) dst(%dma_wait3A_525 : memref<100352x8xf32, #tpu.memory_space<vmem_shared>>)
      %dma_wait3A_526 = arith.constant 1 : i32
      %dma_wait3A_527 = arith.constant 128 : i32
      %dma_wait3A_528 = arith.constant 0 : i32
      %dma_wait3A_529 = tpu.memref_slice %arg12[%dma_wait3A_527, %dma_wait3A_528] : memref<1024x8xf32, #tpu.memory_space<vmem>> -> memref<128x8xf32, #tpu.memory_space<vmem>>
      %dma_wait3A_530 = arith.constant 0 : i32
      %dma_wait3A_531 = tpu.memref_slice %arg9[%dma_wait3A_526, %dma_wait3A_530] : memref<8x128xi32, #tpu.memory_space<vmem>> -> memref<1x128xi32, #tpu.memory_space<vmem>>
      %dma_wait3A_532 = tpu.memref_squeeze %dma_wait3A_531 : memref<1x128xi32, #tpu.memory_space<vmem>> -> memref<128xi32, #tpu.memory_space<vmem>>
      %dma_wait3A_533 = arith.constant 0 : i32
      %dma_wait3A_534 = arith.constant 0 : i32
      %dma_wait3A_535 = tpu.memref_slice %arg6[%dma_wait3A_533, %dma_wait3A_534] : memref<100352x8xf32, #tpu.memory_space<vmem_shared>> -> memref<100352x8xf32, #tpu.memory_space<vmem_shared>>
      tpu.wait_indirect_dma semaphore(%arg16 : memref<!tpu.dma_semaphore, #tpu.memory_space<semaphore_mem>>) src(%dma_wait3A_529 : memref<128x8xf32, #tpu.memory_space<vmem>>) dst(%dma_wait3A_535 : memref<100352x8xf32, #tpu.memory_space<vmem_shared>>)
      %dma_wait3A_536 = arith.constant 2 : i32
      %dma_wait3A_537 = arith.constant 256 : i32
      %dma_wait3A_538 = arith.constant 0 : i32
      %dma_wait3A_539 = tpu.memref_slice %arg12[%dma_wait3A_537, %dma_wait3A_538] : memref<1024x8xf32, #tpu.memory_space<vmem>> -> memref<128x8xf32, #tpu.memory_space<vmem>>
      %dma_wait3A_540 = arith.constant 0 : i32
      %dma_wait3A_541 = tpu.memref_slice %arg9[%dma_wait3A_536, %dma_wait3A_540] : memref<8x128xi32, #tpu.memory_space<vmem>> -> memref<1x128xi32, #tpu.memory_space<vmem>>
      %dma_wait3A_542 = tpu.memref_squeeze %dma_wait3A_541 : memref<1x128xi32, #tpu.memory_space<vmem>> -> memref<128xi32, #tpu.memory_space<vmem>>
      %dma_wait3A_543 = arith.constant 0 : i32
      %dma_wait3A_544 = arith.constant 0 : i32
      %dma_wait3A_545 = tpu.memref_slice %arg6[%dma_wait3A_543, %dma_wait3A_544] : memref<100352x8xf32, #tpu.memory_space<vmem_shared>> -> memref<100352x8xf32, #tpu.memory_space<vmem_shared>>
      tpu.wait_indirect_dma semaphore(%arg16 : memref<!tpu.dma_semaphore, #tpu.memory_space<semaphore_mem>>) src(%dma_wait3A_539 : memref<128x8xf32, #tpu.memory_space<vmem>>) dst(%dma_wait3A_545 : memref<100352x8xf32, #tpu.memory_space<vmem_shared>>)
      %dma_wait3A_546 = arith.constant 3 : i32
      %dma_wait3A_547 = arith.constant 384 : i32
      %dma_wait3A_548 = arith.constant 0 : i32
      %dma_wait3A_549 = tpu.memref_slice %arg12[%dma_wait3A_547, %dma_wait3A_548] : memref<1024x8xf32, #tpu.memory_space<vmem>> -> memref<128x8xf32, #tpu.memory_space<vmem>>
      %dma_wait3A_550 = arith.constant 0 : i32
      %dma_wait3A_551 = tpu.memref_slice %arg9[%dma_wait3A_546, %dma_wait3A_550] : memref<8x128xi32, #tpu.memory_space<vmem>> -> memref<1x128xi32, #tpu.memory_space<vmem>>
      %dma_wait3A_552 = tpu.memref_squeeze %dma_wait3A_551 : memref<1x128xi32, #tpu.memory_space<vmem>> -> memref<128xi32, #tpu.memory_space<vmem>>
      %dma_wait3A_553 = arith.constant 0 : i32
      %dma_wait3A_554 = arith.constant 0 : i32
      %dma_wait3A_555 = tpu.memref_slice %arg6[%dma_wait3A_553, %dma_wait3A_554] : memref<100352x8xf32, #tpu.memory_space<vmem_shared>> -> memref<100352x8xf32, #tpu.memory_space<vmem_shared>>
      tpu.wait_indirect_dma semaphore(%arg16 : memref<!tpu.dma_semaphore, #tpu.memory_space<semaphore_mem>>) src(%dma_wait3A_549 : memref<128x8xf32, #tpu.memory_space<vmem>>) dst(%dma_wait3A_555 : memref<100352x8xf32, #tpu.memory_space<vmem_shared>>)
      %dma_wait3A_556 = arith.constant 4 : i32
      %dma_wait3A_557 = arith.constant 512 : i32
      %dma_wait3A_558 = arith.constant 0 : i32
      %dma_wait3A_559 = tpu.memref_slice %arg12[%dma_wait3A_557, %dma_wait3A_558] : memref<1024x8xf32, #tpu.memory_space<vmem>> -> memref<128x8xf32, #tpu.memory_space<vmem>>
      %dma_wait3A_560 = arith.constant 0 : i32
      %dma_wait3A_561 = tpu.memref_slice %arg9[%dma_wait3A_556, %dma_wait3A_560] : memref<8x128xi32, #tpu.memory_space<vmem>> -> memref<1x128xi32, #tpu.memory_space<vmem>>
      %dma_wait3A_562 = tpu.memref_squeeze %dma_wait3A_561 : memref<1x128xi32, #tpu.memory_space<vmem>> -> memref<128xi32, #tpu.memory_space<vmem>>
      %dma_wait3A_563 = arith.constant 0 : i32
      %dma_wait3A_564 = arith.constant 0 : i32
      %dma_wait3A_565 = tpu.memref_slice %arg6[%dma_wait3A_563, %dma_wait3A_564] : memref<100352x8xf32, #tpu.memory_space<vmem_shared>> -> memref<100352x8xf32, #tpu.memory_space<vmem_shared>>
      tpu.wait_indirect_dma semaphore(%arg16 : memref<!tpu.dma_semaphore, #tpu.memory_space<semaphore_mem>>) src(%dma_wait3A_559 : memref<128x8xf32, #tpu.memory_space<vmem>>) dst(%dma_wait3A_565 : memref<100352x8xf32, #tpu.memory_space<vmem_shared>>)
      %dma_wait3A_566 = arith.constant 5 : i32
      %dma_wait3A_567 = arith.constant 640 : i32
      %dma_wait3A_568 = arith.constant 0 : i32
      %dma_wait3A_569 = tpu.memref_slice %arg12[%dma_wait3A_567, %dma_wait3A_568] : memref<1024x8xf32, #tpu.memory_space<vmem>> -> memref<128x8xf32, #tpu.memory_space<vmem>>
      %dma_wait3A_570 = arith.constant 0 : i32
      %dma_wait3A_571 = tpu.memref_slice %arg9[%dma_wait3A_566, %dma_wait3A_570] : memref<8x128xi32, #tpu.memory_space<vmem>> -> memref<1x128xi32, #tpu.memory_space<vmem>>
      %dma_wait3A_572 = tpu.memref_squeeze %dma_wait3A_571 : memref<1x128xi32, #tpu.memory_space<vmem>> -> memref<128xi32, #tpu.memory_space<vmem>>
      %dma_wait3A_573 = arith.constant 0 : i32
      %dma_wait3A_574 = arith.constant 0 : i32
      %dma_wait3A_575 = tpu.memref_slice %arg6[%dma_wait3A_573, %dma_wait3A_574] : memref<100352x8xf32, #tpu.memory_space<vmem_shared>> -> memref<100352x8xf32, #tpu.memory_space<vmem_shared>>
      tpu.wait_indirect_dma semaphore(%arg16 : memref<!tpu.dma_semaphore, #tpu.memory_space<semaphore_mem>>) src(%dma_wait3A_569 : memref<128x8xf32, #tpu.memory_space<vmem>>) dst(%dma_wait3A_575 : memref<100352x8xf32, #tpu.memory_space<vmem_shared>>)
      %dma_wait3A_576 = arith.constant 6 : i32
      %dma_wait3A_577 = arith.constant 768 : i32
      %dma_wait3A_578 = arith.constant 0 : i32
      %dma_wait3A_579 = tpu.memref_slice %arg12[%dma_wait3A_577, %dma_wait3A_578] : memref<1024x8xf32, #tpu.memory_space<vmem>> -> memref<128x8xf32, #tpu.memory_space<vmem>>
      %dma_wait3A_580 = arith.constant 0 : i32
      %dma_wait3A_581 = tpu.memref_slice %arg9[%dma_wait3A_576, %dma_wait3A_580] : memref<8x128xi32, #tpu.memory_space<vmem>> -> memref<1x128xi32, #tpu.memory_space<vmem>>
      %dma_wait3A_582 = tpu.memref_squeeze %dma_wait3A_581 : memref<1x128xi32, #tpu.memory_space<vmem>> -> memref<128xi32, #tpu.memory_space<vmem>>
      %dma_wait3A_583 = arith.constant 0 : i32
      %dma_wait3A_584 = arith.constant 0 : i32
      %dma_wait3A_585 = tpu.memref_slice %arg6[%dma_wait3A_583, %dma_wait3A_584] : memref<100352x8xf32, #tpu.memory_space<vmem_shared>> -> memref<100352x8xf32, #tpu.memory_space<vmem_shared>>
      tpu.wait_indirect_dma semaphore(%arg16 : memref<!tpu.dma_semaphore, #tpu.memory_space<semaphore_mem>>) src(%dma_wait3A_579 : memref<128x8xf32, #tpu.memory_space<vmem>>) dst(%dma_wait3A_585 : memref<100352x8xf32, #tpu.memory_space<vmem_shared>>)
      %dma_wait3A_586 = arith.constant 7 : i32
      %dma_wait3A_587 = arith.constant 896 : i32
      %dma_wait3A_588 = arith.constant 0 : i32
      %dma_wait3A_589 = tpu.memref_slice %arg12[%dma_wait3A_587, %dma_wait3A_588] : memref<1024x8xf32, #tpu.memory_space<vmem>> -> memref<128x8xf32, #tpu.memory_space<vmem>>
      %dma_wait3A_590 = arith.constant 0 : i32
      %dma_wait3A_591 = tpu.memref_slice %arg9[%dma_wait3A_586, %dma_wait3A_590] : memref<8x128xi32, #tpu.memory_space<vmem>> -> memref<1x128xi32, #tpu.memory_space<vmem>>
      %dma_wait3A_592 = tpu.memref_squeeze %dma_wait3A_591 : memref<1x128xi32, #tpu.memory_space<vmem>> -> memref<128xi32, #tpu.memory_space<vmem>>
      %dma_wait3A_593 = arith.constant 0 : i32
      %dma_wait3A_594 = arith.constant 0 : i32
      %dma_wait3A_595 = tpu.memref_slice %arg6[%dma_wait3A_593, %dma_wait3A_594] : memref<100352x8xf32, #tpu.memory_space<vmem_shared>> -> memref<100352x8xf32, #tpu.memory_space<vmem_shared>>
      tpu.wait_indirect_dma semaphore(%arg16 : memref<!tpu.dma_semaphore, #tpu.memory_space<semaphore_mem>>) src(%dma_wait3A_589 : memref<128x8xf32, #tpu.memory_space<vmem>>) dst(%dma_wait3A_595 : memref<100352x8xf32, #tpu.memory_space<vmem_shared>>)
      %dma_wait3A_596 = arith.constant 0 : i32
      %dma_wait3A_597 = arith.constant 0 : i32
      %dma_wait3A_598 = arith.constant 0 : i32
      %dma_wait3A_599 = tpu.memref_slice %arg13[%dma_wait3A_597, %dma_wait3A_598] : memref<1024x8xf32, #tpu.memory_space<vmem>> -> memref<128x8xf32, #tpu.memory_space<vmem>>
      %dma_wait3A_600 = arith.constant 0 : i32
      %dma_wait3A_601 = tpu.memref_slice %arg11[%dma_wait3A_596, %dma_wait3A_600] : memref<8x128xi32, #tpu.memory_space<vmem>> -> memref<1x128xi32, #tpu.memory_space<vmem>>
      %dma_wait3A_602 = tpu.memref_squeeze %dma_wait3A_601 : memref<1x128xi32, #tpu.memory_space<vmem>> -> memref<128xi32, #tpu.memory_space<vmem>>
      %dma_wait3A_603 = arith.constant 0 : i32
      %dma_wait3A_604 = arith.constant 0 : i32
      %dma_wait3A_605 = tpu.memref_slice %arg6[%dma_wait3A_603, %dma_wait3A_604] : memref<100352x8xf32, #tpu.memory_space<vmem_shared>> -> memref<100352x8xf32, #tpu.memory_space<vmem_shared>>
      tpu.wait_indirect_dma semaphore(%arg16 : memref<!tpu.dma_semaphore, #tpu.memory_space<semaphore_mem>>) src(%dma_wait3A_599 : memref<128x8xf32, #tpu.memory_space<vmem>>) dst(%dma_wait3A_605 : memref<100352x8xf32, #tpu.memory_space<vmem_shared>>)
      %dma_wait3A_606 = arith.constant 1 : i32
      %dma_wait3A_607 = arith.constant 128 : i32
      %dma_wait3A_608 = arith.constant 0 : i32
      %dma_wait3A_609 = tpu.memref_slice %arg13[%dma_wait3A_607, %dma_wait3A_608] : memref<1024x8xf32, #tpu.memory_space<vmem>> -> memref<128x8xf32, #tpu.memory_space<vmem>>
      %dma_wait3A_610 = arith.constant 0 : i32
      %dma_wait3A_611 = tpu.memref_slice %arg11[%dma_wait3A_606, %dma_wait3A_610] : memref<8x128xi32, #tpu.memory_space<vmem>> -> memref<1x128xi32, #tpu.memory_space<vmem>>
      %dma_wait3A_612 = tpu.memref_squeeze %dma_wait3A_611 : memref<1x128xi32, #tpu.memory_space<vmem>> -> memref<128xi32, #tpu.memory_space<vmem>>
      %dma_wait3A_613 = arith.constant 0 : i32
      %dma_wait3A_614 = arith.constant 0 : i32
      %dma_wait3A_615 = tpu.memref_slice %arg6[%dma_wait3A_613, %dma_wait3A_614] : memref<100352x8xf32, #tpu.memory_space<vmem_shared>> -> memref<100352x8xf32, #tpu.memory_space<vmem_shared>>
      tpu.wait_indirect_dma semaphore(%arg16 : memref<!tpu.dma_semaphore, #tpu.memory_space<semaphore_mem>>) src(%dma_wait3A_609 : memref<128x8xf32, #tpu.memory_space<vmem>>) dst(%dma_wait3A_615 : memref<100352x8xf32, #tpu.memory_space<vmem_shared>>)
      %dma_wait3A_616 = arith.constant 2 : i32
      %dma_wait3A_617 = arith.constant 256 : i32
      %dma_wait3A_618 = arith.constant 0 : i32
      %dma_wait3A_619 = tpu.memref_slice %arg13[%dma_wait3A_617, %dma_wait3A_618] : memref<1024x8xf32, #tpu.memory_space<vmem>> -> memref<128x8xf32, #tpu.memory_space<vmem>>
      %dma_wait3A_620 = arith.constant 0 : i32
      %dma_wait3A_621 = tpu.memref_slice %arg11[%dma_wait3A_616, %dma_wait3A_620] : memref<8x128xi32, #tpu.memory_space<vmem>> -> memref<1x128xi32, #tpu.memory_space<vmem>>
      %dma_wait3A_622 = tpu.memref_squeeze %dma_wait3A_621 : memref<1x128xi32, #tpu.memory_space<vmem>> -> memref<128xi32, #tpu.memory_space<vmem>>
      %dma_wait3A_623 = arith.constant 0 : i32
      %dma_wait3A_624 = arith.constant 0 : i32
      %dma_wait3A_625 = tpu.memref_slice %arg6[%dma_wait3A_623, %dma_wait3A_624] : memref<100352x8xf32, #tpu.memory_space<vmem_shared>> -> memref<100352x8xf32, #tpu.memory_space<vmem_shared>>
      tpu.wait_indirect_dma semaphore(%arg16 : memref<!tpu.dma_semaphore, #tpu.memory_space<semaphore_mem>>) src(%dma_wait3A_619 : memref<128x8xf32, #tpu.memory_space<vmem>>) dst(%dma_wait3A_625 : memref<100352x8xf32, #tpu.memory_space<vmem_shared>>)
      %dma_wait3A_626 = arith.constant 3 : i32
      %dma_wait3A_627 = arith.constant 384 : i32
      %dma_wait3A_628 = arith.constant 0 : i32
      %dma_wait3A_629 = tpu.memref_slice %arg13[%dma_wait3A_627, %dma_wait3A_628] : memref<1024x8xf32, #tpu.memory_space<vmem>> -> memref<128x8xf32, #tpu.memory_space<vmem>>
      %dma_wait3A_630 = arith.constant 0 : i32
      %dma_wait3A_631 = tpu.memref_slice %arg11[%dma_wait3A_626, %dma_wait3A_630] : memref<8x128xi32, #tpu.memory_space<vmem>> -> memref<1x128xi32, #tpu.memory_space<vmem>>
      %dma_wait3A_632 = tpu.memref_squeeze %dma_wait3A_631 : memref<1x128xi32, #tpu.memory_space<vmem>> -> memref<128xi32, #tpu.memory_space<vmem>>
      %dma_wait3A_633 = arith.constant 0 : i32
      %dma_wait3A_634 = arith.constant 0 : i32
      %dma_wait3A_635 = tpu.memref_slice %arg6[%dma_wait3A_633, %dma_wait3A_634] : memref<100352x8xf32, #tpu.memory_space<vmem_shared>> -> memref<100352x8xf32, #tpu.memory_space<vmem_shared>>
      tpu.wait_indirect_dma semaphore(%arg16 : memref<!tpu.dma_semaphore, #tpu.memory_space<semaphore_mem>>) src(%dma_wait3A_629 : memref<128x8xf32, #tpu.memory_space<vmem>>) dst(%dma_wait3A_635 : memref<100352x8xf32, #tpu.memory_space<vmem_shared>>)
      %dma_wait3A_636 = arith.constant 4 : i32
      %dma_wait3A_637 = arith.constant 512 : i32
      %dma_wait3A_638 = arith.constant 0 : i32
      %dma_wait3A_639 = tpu.memref_slice %arg13[%dma_wait3A_637, %dma_wait3A_638] : memref<1024x8xf32, #tpu.memory_space<vmem>> -> memref<128x8xf32, #tpu.memory_space<vmem>>
      %dma_wait3A_640 = arith.constant 0 : i32
      %dma_wait3A_641 = tpu.memref_slice %arg11[%dma_wait3A_636, %dma_wait3A_640] : memref<8x128xi32, #tpu.memory_space<vmem>> -> memref<1x128xi32, #tpu.memory_space<vmem>>
      %dma_wait3A_642 = tpu.memref_squeeze %dma_wait3A_641 : memref<1x128xi32, #tpu.memory_space<vmem>> -> memref<128xi32, #tpu.memory_space<vmem>>
      %dma_wait3A_643 = arith.constant 0 : i32
      %dma_wait3A_644 = arith.constant 0 : i32
      %dma_wait3A_645 = tpu.memref_slice %arg6[%dma_wait3A_643, %dma_wait3A_644] : memref<100352x8xf32, #tpu.memory_space<vmem_shared>> -> memref<100352x8xf32, #tpu.memory_space<vmem_shared>>
      tpu.wait_indirect_dma semaphore(%arg16 : memref<!tpu.dma_semaphore, #tpu.memory_space<semaphore_mem>>) src(%dma_wait3A_639 : memref<128x8xf32, #tpu.memory_space<vmem>>) dst(%dma_wait3A_645 : memref<100352x8xf32, #tpu.memory_space<vmem_shared>>)
      %dma_wait3A_646 = arith.constant 5 : i32
      %dma_wait3A_647 = arith.constant 640 : i32
      %dma_wait3A_648 = arith.constant 0 : i32
      %dma_wait3A_649 = tpu.memref_slice %arg13[%dma_wait3A_647, %dma_wait3A_648] : memref<1024x8xf32, #tpu.memory_space<vmem>> -> memref<128x8xf32, #tpu.memory_space<vmem>>
      %dma_wait3A_650 = arith.constant 0 : i32
      %dma_wait3A_651 = tpu.memref_slice %arg11[%dma_wait3A_646, %dma_wait3A_650] : memref<8x128xi32, #tpu.memory_space<vmem>> -> memref<1x128xi32, #tpu.memory_space<vmem>>
      %dma_wait3A_652 = tpu.memref_squeeze %dma_wait3A_651 : memref<1x128xi32, #tpu.memory_space<vmem>> -> memref<128xi32, #tpu.memory_space<vmem>>
      %dma_wait3A_653 = arith.constant 0 : i32
      %dma_wait3A_654 = arith.constant 0 : i32
      %dma_wait3A_655 = tpu.memref_slice %arg6[%dma_wait3A_653, %dma_wait3A_654] : memref<100352x8xf32, #tpu.memory_space<vmem_shared>> -> memref<100352x8xf32, #tpu.memory_space<vmem_shared>>
      tpu.wait_indirect_dma semaphore(%arg16 : memref<!tpu.dma_semaphore, #tpu.memory_space<semaphore_mem>>) src(%dma_wait3A_649 : memref<128x8xf32, #tpu.memory_space<vmem>>) dst(%dma_wait3A_655 : memref<100352x8xf32, #tpu.memory_space<vmem_shared>>)
      %dma_wait3A_656 = arith.constant 6 : i32
      %dma_wait3A_657 = arith.constant 768 : i32
      %dma_wait3A_658 = arith.constant 0 : i32
      %dma_wait3A_659 = tpu.memref_slice %arg13[%dma_wait3A_657, %dma_wait3A_658] : memref<1024x8xf32, #tpu.memory_space<vmem>> -> memref<128x8xf32, #tpu.memory_space<vmem>>
      %dma_wait3A_660 = arith.constant 0 : i32
      %dma_wait3A_661 = tpu.memref_slice %arg11[%dma_wait3A_656, %dma_wait3A_660] : memref<8x128xi32, #tpu.memory_space<vmem>> -> memref<1x128xi32, #tpu.memory_space<vmem>>
      %dma_wait3A_662 = tpu.memref_squeeze %dma_wait3A_661 : memref<1x128xi32, #tpu.memory_space<vmem>> -> memref<128xi32, #tpu.memory_space<vmem>>
      %dma_wait3A_663 = arith.constant 0 : i32
      %dma_wait3A_664 = arith.constant 0 : i32
      %dma_wait3A_665 = tpu.memref_slice %arg6[%dma_wait3A_663, %dma_wait3A_664] : memref<100352x8xf32, #tpu.memory_space<vmem_shared>> -> memref<100352x8xf32, #tpu.memory_space<vmem_shared>>
      tpu.wait_indirect_dma semaphore(%arg16 : memref<!tpu.dma_semaphore, #tpu.memory_space<semaphore_mem>>) src(%dma_wait3A_659 : memref<128x8xf32, #tpu.memory_space<vmem>>) dst(%dma_wait3A_665 : memref<100352x8xf32, #tpu.memory_space<vmem_shared>>)
      %dma_wait3A_666 = arith.constant 7 : i32
      %dma_wait3A_667 = arith.constant 896 : i32
      %dma_wait3A_668 = arith.constant 0 : i32
      %dma_wait3A_669 = tpu.memref_slice %arg13[%dma_wait3A_667, %dma_wait3A_668] : memref<1024x8xf32, #tpu.memory_space<vmem>> -> memref<128x8xf32, #tpu.memory_space<vmem>>
      %dma_wait3A_670 = arith.constant 0 : i32
      %dma_wait3A_671 = tpu.memref_slice %arg11[%dma_wait3A_666, %dma_wait3A_670] : memref<8x128xi32, #tpu.memory_space<vmem>> -> memref<1x128xi32, #tpu.memory_space<vmem>>
      %dma_wait3A_672 = tpu.memref_squeeze %dma_wait3A_671 : memref<1x128xi32, #tpu.memory_space<vmem>> -> memref<128xi32, #tpu.memory_space<vmem>>
      %dma_wait3A_673 = arith.constant 0 : i32
      %dma_wait3A_674 = arith.constant 0 : i32
      %dma_wait3A_675 = tpu.memref_slice %arg6[%dma_wait3A_673, %dma_wait3A_674] : memref<100352x8xf32, #tpu.memory_space<vmem_shared>> -> memref<100352x8xf32, #tpu.memory_space<vmem_shared>>
      tpu.wait_indirect_dma semaphore(%arg16 : memref<!tpu.dma_semaphore, #tpu.memory_space<semaphore_mem>>) src(%dma_wait3A_669 : memref<128x8xf32, #tpu.memory_space<vmem>>) dst(%dma_wait3A_675 : memref<100352x8xf32, #tpu.memory_space<vmem_shared>>)
    }
    %scan3A_19 = arith.constant 99 : i32
    %barrier3A_20 = arith.constant 0 : index
    tpu.barrier barrier_id(%barrier3A_20)
    "tpu.region"() ({
      %run_scoped3A = tpu.sem_alloc : memref<!tpu.dma_semaphore, #tpu.memory_space<semaphore_mem>>
      %dma_start3A = arith.constant 0 : i32
      %dma_start3A_21 = tpu.memref_slice %arg5[%arg0, %mul3A_5, %dma_start3A] : memref<2x100352x8xf32, #tpu.memory_space<hbm>> -> memref<1x6272x8xf32, #tpu.memory_space<hbm>>
      %dma_start3A_22 = tpu.memref_squeeze %dma_start3A_21 : memref<1x6272x8xf32, #tpu.memory_space<hbm>> -> memref<6272x8xf32, #tpu.memory_space<hbm>>
      %dma_start3A_23 = arith.constant 0 : i32
      %dma_start3A_24 = tpu.memref_slice %arg6[%mul3A_5, %dma_start3A_23] : memref<100352x8xf32, #tpu.memory_space<vmem_shared>> -> memref<6272x8xf32, #tpu.memory_space<vmem_shared>>
      tpu.enqueue_dma source(%dma_start3A_24 : memref<6272x8xf32, #tpu.memory_space<vmem_shared>>) target(%dma_start3A_22 : memref<6272x8xf32, #tpu.memory_space<hbm>>) target_semaphore(%run_scoped3A : memref<!tpu.dma_semaphore, #tpu.memory_space<semaphore_mem>>)
      %dma_wait3A = arith.constant 0 : i32
      %dma_wait3A_25 = tpu.memref_slice %arg5[%arg0, %mul3A_5, %dma_wait3A] : memref<2x100352x8xf32, #tpu.memory_space<hbm>> -> memref<1x6272x8xf32, #tpu.memory_space<hbm>>
      %dma_wait3A_26 = tpu.memref_squeeze %dma_wait3A_25 : memref<1x6272x8xf32, #tpu.memory_space<hbm>> -> memref<6272x8xf32, #tpu.memory_space<hbm>>
      %dma_wait3A_27 = arith.constant 0 : i32
      %dma_wait3A_28 = tpu.memref_slice %arg6[%mul3A_5, %dma_wait3A_27] : memref<100352x8xf32, #tpu.memory_space<vmem_shared>> -> memref<6272x8xf32, #tpu.memory_space<vmem_shared>>
      tpu.wait_dma2 semaphore(%run_scoped3A : memref<!tpu.dma_semaphore, #tpu.memory_space<semaphore_mem>>) src(%dma_wait3A_28 : memref<6272x8xf32, #tpu.memory_space<vmem_shared>>) dst(%dma_wait3A_26 : memref<6272x8xf32, #tpu.memory_space<hbm>>)
      tpu.yield
    }) : () -> ()
    return
  }
}

#map = affine_map<(d0, d1) -> (0, 0)>
#map1 = affine_map<(d0, d1) -> (0, 0, 0)>
module attributes {stable_mosaic.version = 14 : i64} {
  func.func @sc_pass(%arg0: i32, %arg1: i32, %arg2: memref<50688x128xi32, #tpu.memory_space<hbm>>, %arg3: memref<50688x128xi32, #tpu.memory_space<hbm>>, %arg4: memref<100000x16xf32, #tpu.memory_space<hbm>>, %arg5: memref<2x100352x16xf32, #tpu.memory_space<hbm>>, %arg6: memref<100352x16xf32, #tpu.memory_space<vmem_shared>>, %arg7: memref<6x128xi32, #tpu.memory_space<vmem>>, %arg8: memref<6x128xi32, #tpu.memory_space<vmem>>, %arg9: memref<6x128xi32, #tpu.memory_space<vmem>>, %arg10: memref<6x128xi32, #tpu.memory_space<vmem>>, %arg11: memref<768x16xf32, #tpu.memory_space<vmem>>, %arg12: memref<768x16xf32, #tpu.memory_space<vmem>>, %arg13: memref<112x16xf32, #tpu.memory_space<vmem>>, %arg14: memref<!tpu.dma_semaphore, #tpu.memory_space<semaphore_mem>>, %arg15: memref<!tpu.dma_semaphore, #tpu.memory_space<semaphore_mem>>) attributes {dimension_semantics = [#tpu.dimension_semantics<core_parallel>, #tpu.dimension_semantics<subcore_parallel>], iteration_bounds = array<i64: 2, 16>, scalar_prefetch = 0 : i64, scratch_operands = 10 : i64, tpu.core_type = #tpu.core_type<sc_vector_subcore>, window_params = [{transform_indices = #map}, {transform_indices = #map}, {transform_indices = #map}, {transform_indices = #map1}]} {
    %scan3A = arith.constant 0 : i32
    %scan3A_0 = arith.constant 0 : i32
    %scan3A_1 = arith.constant 112 : i32
    %scan3A_2 = arith.addi %scan3A_0, %scan3A_1 : i32
    %scan3A_3 = arith.constant 1 : i32
    scf.for %scan3A_21 = %scan3A_0 to %scan3A_2 step %scan3A_3  : i32 {
      %broadcast_in_dim3A = arith.constant 0.000000e+00 : f32
      %broadcast_in_dim3A_22 = vector.broadcast %broadcast_in_dim3A : f32 to vector<16xf32>
      %swap3A = arith.index_cast %scan3A_21 : i32 to index
      %swap3A_23 = arith.constant 0 : index
      %swap3A_24 = tpu.vector_load %arg13[%swap3A, %swap3A_23] {strides = array<i32>} : memref<112x16xf32, #tpu.memory_space<vmem>>, vector<1x16xf32>,
      %swap3A_25 = vector.shape_cast %swap3A_24 : vector<1x16xf32> to vector<16xf32>
      %swap3A_26 = vector.shape_cast %broadcast_in_dim3A_22 : vector<16xf32> to vector<1x16xf32>
      tpu.vector_store %arg13[%swap3A, %swap3A_23], %swap3A_26 {strides = array<i32>} : memref<112x16xf32, #tpu.memory_space<vmem>>, vector<1x16xf32>,
    }
    %scan3A_4 = arith.constant 112 : i32
    %mul3A = arith.constant 6272 : i32
    %mul3A_5 = arith.muli %arg1, %mul3A : i32
    %scan3A_6 = arith.constant 0 : i32
    %scan3A_7 = arith.constant 0 : i32
    %scan3A_8 = arith.constant 56 : i32
    %scan3A_9 = arith.addi %scan3A_7, %scan3A_8 : i32
    %scan3A_10 = arith.constant 1 : i32
    scf.for %scan3A_21 = %scan3A_7 to %scan3A_9 step %scan3A_10  : i32 {
      %mul3A_22 = arith.constant 112 : i32
      %mul3A_23 = arith.muli %scan3A_21, %mul3A_22 : i32
      %add3A_24 = arith.addi %mul3A_5, %mul3A_23 : i32
      "tpu.region"() ({
        %run_scoped3A = tpu.sem_alloc : memref<!tpu.dma_semaphore, #tpu.memory_space<semaphore_mem>>
        %dma_start3A = arith.constant 0 : i32
        %dma_start3A_25 = tpu.memref_slice %arg6[%add3A_24, %dma_start3A] : memref<100352x16xf32, #tpu.memory_space<vmem_shared>> -> memref<112x16xf32, #tpu.memory_space<vmem_shared>>
        %dma_start3A_26 = arith.constant 0 : i32
        %dma_start3A_27 = tpu.memref_slice %arg6[%add3A_24, %dma_start3A_26] : memref<100352x16xf32, #tpu.memory_space<vmem_shared>> -> memref<112x16xf32, #tpu.memory_space<vmem_shared>>
        tpu.enqueue_dma source(%arg13 : memref<112x16xf32, #tpu.memory_space<vmem>>) target(%dma_start3A_27 : memref<112x16xf32, #tpu.memory_space<vmem_shared>>) target_semaphore(%run_scoped3A : memref<!tpu.dma_semaphore, #tpu.memory_space<semaphore_mem>>)
        %dma_wait3A = arith.constant 0 : i32
        %dma_wait3A_28 = tpu.memref_slice %arg6[%add3A_24, %dma_wait3A] : memref<100352x16xf32, #tpu.memory_space<vmem_shared>> -> memref<112x16xf32, #tpu.memory_space<vmem_shared>>
        %dma_wait3A_29 = arith.constant 0 : i32
        %dma_wait3A_30 = tpu.memref_slice %arg6[%add3A_24, %dma_wait3A_29] : memref<100352x16xf32, #tpu.memory_space<vmem_shared>> -> memref<112x16xf32, #tpu.memory_space<vmem_shared>>
        tpu.wait_dma2 semaphore(%run_scoped3A : memref<!tpu.dma_semaphore, #tpu.memory_space<semaphore_mem>>) src(%arg13 : memref<112x16xf32, #tpu.memory_space<vmem>>) dst(%dma_wait3A_30 : memref<112x16xf32, #tpu.memory_space<vmem_shared>>)
        tpu.yield
      }) : () -> ()
    }
    %scan3A_11 = arith.constant 56 : i32
    %barrier3A = arith.constant 0 : index
    tpu.barrier barrier_id(%barrier3A)
    %mul3A_12 = arith.constant 16 : i32
    %mul3A_13 = arith.muli %arg0, %mul3A_12 : i32
    %add3A = arith.addi %mul3A_13, %arg1 : i32
    %scan3A_14 = arith.constant 0 : i32
    %scan3A_15 = arith.constant 0 : i32
    %scan3A_16 = arith.constant 132 : i32
    %scan3A_17 = arith.addi %scan3A_15, %scan3A_16 : i32
    %scan3A_18 = arith.constant 1 : i32
    scf.for %scan3A_21 = %scan3A_15 to %scan3A_17 step %scan3A_18  : i32 {
      %mul3A_22 = arith.constant 2 : i32
      %mul3A_23 = arith.muli %mul3A_22, %scan3A_21 : i32
      %mul3A_24 = arith.constant 264 : i32
      %mul3A_25 = arith.muli %add3A, %mul3A_24 : i32
      %add3A_26 = arith.addi %mul3A_25, %mul3A_23 : i32
      %mul3A_27 = arith.constant 6 : i32
      %mul3A_28 = arith.muli %add3A_26, %mul3A_27 : i32
      "tpu.region"() ({
        %run_scoped3A = tpu.sem_alloc : memref<!tpu.dma_semaphore, #tpu.memory_space<semaphore_mem>>
        %dma_start3A_516 = arith.constant 0 : i32
        %dma_start3A_517 = tpu.memref_slice %arg2[%mul3A_28, %dma_start3A_516] : memref<50688x128xi32, #tpu.memory_space<hbm>> -> memref<6x128xi32, #tpu.memory_space<hbm>>
        %dma_start3A_518 = arith.constant 0 : i32
        %dma_start3A_519 = tpu.memref_slice %arg2[%mul3A_28, %dma_start3A_518] : memref<50688x128xi32, #tpu.memory_space<hbm>> -> memref<6x128xi32, #tpu.memory_space<hbm>>
        tpu.enqueue_dma source(%dma_start3A_519 : memref<6x128xi32, #tpu.memory_space<hbm>>) target(%arg7 : memref<6x128xi32, #tpu.memory_space<vmem>>) target_semaphore(%run_scoped3A : memref<!tpu.dma_semaphore, #tpu.memory_space<semaphore_mem>>)
        %dma_wait3A_520 = arith.constant 0 : i32
        %dma_wait3A_521 = tpu.memref_slice %arg2[%mul3A_28, %dma_wait3A_520] : memref<50688x128xi32, #tpu.memory_space<hbm>> -> memref<6x128xi32, #tpu.memory_space<hbm>>
        %dma_wait3A_522 = arith.constant 0 : i32
        %dma_wait3A_523 = tpu.memref_slice %arg2[%mul3A_28, %dma_wait3A_522] : memref<50688x128xi32, #tpu.memory_space<hbm>> -> memref<6x128xi32, #tpu.memory_space<hbm>>
        tpu.wait_dma2 semaphore(%run_scoped3A : memref<!tpu.dma_semaphore, #tpu.memory_space<semaphore_mem>>) src(%dma_wait3A_523 : memref<6x128xi32, #tpu.memory_space<hbm>>) dst(%arg7 : memref<6x128xi32, #tpu.memory_space<vmem>>)
        tpu.yield
      }) : () -> ()
      "tpu.region"() ({
        %run_scoped3A = tpu.sem_alloc : memref<!tpu.dma_semaphore, #tpu.memory_space<semaphore_mem>>
        %dma_start3A_516 = arith.constant 0 : i32
        %dma_start3A_517 = tpu.memref_slice %arg3[%mul3A_28, %dma_start3A_516] : memref<50688x128xi32, #tpu.memory_space<hbm>> -> memref<6x128xi32, #tpu.memory_space<hbm>>
        %dma_start3A_518 = arith.constant 0 : i32
        %dma_start3A_519 = tpu.memref_slice %arg3[%mul3A_28, %dma_start3A_518] : memref<50688x128xi32, #tpu.memory_space<hbm>> -> memref<6x128xi32, #tpu.memory_space<hbm>>
        tpu.enqueue_dma source(%dma_start3A_519 : memref<6x128xi32, #tpu.memory_space<hbm>>) target(%arg8 : memref<6x128xi32, #tpu.memory_space<vmem>>) target_semaphore(%run_scoped3A : memref<!tpu.dma_semaphore, #tpu.memory_space<semaphore_mem>>)
        %dma_wait3A_520 = arith.constant 0 : i32
        %dma_wait3A_521 = tpu.memref_slice %arg3[%mul3A_28, %dma_wait3A_520] : memref<50688x128xi32, #tpu.memory_space<hbm>> -> memref<6x128xi32, #tpu.memory_space<hbm>>
        %dma_wait3A_522 = arith.constant 0 : i32
        %dma_wait3A_523 = tpu.memref_slice %arg3[%mul3A_28, %dma_wait3A_522] : memref<50688x128xi32, #tpu.memory_space<hbm>> -> memref<6x128xi32, #tpu.memory_space<hbm>>
        tpu.wait_dma2 semaphore(%run_scoped3A : memref<!tpu.dma_semaphore, #tpu.memory_space<semaphore_mem>>) src(%dma_wait3A_523 : memref<6x128xi32, #tpu.memory_space<hbm>>) dst(%arg8 : memref<6x128xi32, #tpu.memory_space<vmem>>)
        tpu.yield
      }) : () -> ()
      %dma_start3A = arith.constant 0 : i32
      %dma_start3A_29 = arith.constant 0 : i32
      %dma_start3A_30 = arith.constant 0 : i32
      %dma_start3A_31 = tpu.memref_slice %arg11[%dma_start3A_29, %dma_start3A_30] : memref<768x16xf32, #tpu.memory_space<vmem>> -> memref<128x16xf32, #tpu.memory_space<vmem>>
      %dma_start3A_32 = arith.constant 0 : i32
      %dma_start3A_33 = tpu.memref_slice %arg7[%dma_start3A, %dma_start3A_32] : memref<6x128xi32, #tpu.memory_space<vmem>> -> memref<1x128xi32, #tpu.memory_space<vmem>>
      %dma_start3A_34 = tpu.memref_squeeze %dma_start3A_33 : memref<1x128xi32, #tpu.memory_space<vmem>> -> memref<128xi32, #tpu.memory_space<vmem>>
      %dma_start3A_35 = arith.constant 0 : i32
      %dma_start3A_36 = arith.constant 0 : i32
      %dma_start3A_37 = tpu.memref_slice %arg4[%dma_start3A_35, %dma_start3A_36] : memref<100000x16xf32, #tpu.memory_space<hbm>> -> memref<100000x16xf32, #tpu.memory_space<hbm>>
      tpu.enqueue_indirect_dma source(%dma_start3A_37 : memref<100000x16xf32, #tpu.memory_space<hbm>>) target(%dma_start3A_31 : memref<128x16xf32, #tpu.memory_space<vmem>>) offsets(%dma_start3A_34 : memref<128xi32, #tpu.memory_space<vmem>>) semaphore(%arg14 : memref<!tpu.dma_semaphore, #tpu.memory_space<semaphore_mem>>)
      %dma_start3A_38 = arith.constant 1 : i32
      %dma_start3A_39 = arith.constant 128 : i32
      %dma_start3A_40 = arith.constant 0 : i32
      %dma_start3A_41 = tpu.memref_slice %arg11[%dma_start3A_39, %dma_start3A_40] : memref<768x16xf32, #tpu.memory_space<vmem>> -> memref<128x16xf32, #tpu.memory_space<vmem>>
      %dma_start3A_42 = arith.constant 0 : i32
      %dma_start3A_43 = tpu.memref_slice %arg7[%dma_start3A_38, %dma_start3A_42] : memref<6x128xi32, #tpu.memory_space<vmem>> -> memref<1x128xi32, #tpu.memory_space<vmem>>
      %dma_start3A_44 = tpu.memref_squeeze %dma_start3A_43 : memref<1x128xi32, #tpu.memory_space<vmem>> -> memref<128xi32, #tpu.memory_space<vmem>>
      %dma_start3A_45 = arith.constant 0 : i32
      %dma_start3A_46 = arith.constant 0 : i32
      %dma_start3A_47 = tpu.memref_slice %arg4[%dma_start3A_45, %dma_start3A_46] : memref<100000x16xf32, #tpu.memory_space<hbm>> -> memref<100000x16xf32, #tpu.memory_space<hbm>>
      tpu.enqueue_indirect_dma source(%dma_start3A_47 : memref<100000x16xf32, #tpu.memory_space<hbm>>) target(%dma_start3A_41 : memref<128x16xf32, #tpu.memory_space<vmem>>) offsets(%dma_start3A_44 : memref<128xi32, #tpu.memory_space<vmem>>) semaphore(%arg14 : memref<!tpu.dma_semaphore, #tpu.memory_space<semaphore_mem>>)
      %dma_start3A_48 = arith.constant 2 : i32
      %dma_start3A_49 = arith.constant 256 : i32
      %dma_start3A_50 = arith.constant 0 : i32
      %dma_start3A_51 = tpu.memref_slice %arg11[%dma_start3A_49, %dma_start3A_50] : memref<768x16xf32, #tpu.memory_space<vmem>> -> memref<128x16xf32, #tpu.memory_space<vmem>>
      %dma_start3A_52 = arith.constant 0 : i32
      %dma_start3A_53 = tpu.memref_slice %arg7[%dma_start3A_48, %dma_start3A_52] : memref<6x128xi32, #tpu.memory_space<vmem>> -> memref<1x128xi32, #tpu.memory_space<vmem>>
      %dma_start3A_54 = tpu.memref_squeeze %dma_start3A_53 : memref<1x128xi32, #tpu.memory_space<vmem>> -> memref<128xi32, #tpu.memory_space<vmem>>
      %dma_start3A_55 = arith.constant 0 : i32
      %dma_start3A_56 = arith.constant 0 : i32
      %dma_start3A_57 = tpu.memref_slice %arg4[%dma_start3A_55, %dma_start3A_56] : memref<100000x16xf32, #tpu.memory_space<hbm>> -> memref<100000x16xf32, #tpu.memory_space<hbm>>
      tpu.enqueue_indirect_dma source(%dma_start3A_57 : memref<100000x16xf32, #tpu.memory_space<hbm>>) target(%dma_start3A_51 : memref<128x16xf32, #tpu.memory_space<vmem>>) offsets(%dma_start3A_54 : memref<128xi32, #tpu.memory_space<vmem>>) semaphore(%arg14 : memref<!tpu.dma_semaphore, #tpu.memory_space<semaphore_mem>>)
      %dma_start3A_58 = arith.constant 3 : i32
      %dma_start3A_59 = arith.constant 384 : i32
      %dma_start3A_60 = arith.constant 0 : i32
      %dma_start3A_61 = tpu.memref_slice %arg11[%dma_start3A_59, %dma_start3A_60] : memref<768x16xf32, #tpu.memory_space<vmem>> -> memref<128x16xf32, #tpu.memory_space<vmem>>
      %dma_start3A_62 = arith.constant 0 : i32
      %dma_start3A_63 = tpu.memref_slice %arg7[%dma_start3A_58, %dma_start3A_62] : memref<6x128xi32, #tpu.memory_space<vmem>> -> memref<1x128xi32, #tpu.memory_space<vmem>>
      %dma_start3A_64 = tpu.memref_squeeze %dma_start3A_63 : memref<1x128xi32, #tpu.memory_space<vmem>> -> memref<128xi32, #tpu.memory_space<vmem>>
      %dma_start3A_65 = arith.constant 0 : i32
      %dma_start3A_66 = arith.constant 0 : i32
      %dma_start3A_67 = tpu.memref_slice %arg4[%dma_start3A_65, %dma_start3A_66] : memref<100000x16xf32, #tpu.memory_space<hbm>> -> memref<100000x16xf32, #tpu.memory_space<hbm>>
      tpu.enqueue_indirect_dma source(%dma_start3A_67 : memref<100000x16xf32, #tpu.memory_space<hbm>>) target(%dma_start3A_61 : memref<128x16xf32, #tpu.memory_space<vmem>>) offsets(%dma_start3A_64 : memref<128xi32, #tpu.memory_space<vmem>>) semaphore(%arg14 : memref<!tpu.dma_semaphore, #tpu.memory_space<semaphore_mem>>)
      %dma_start3A_68 = arith.constant 4 : i32
      %dma_start3A_69 = arith.constant 512 : i32
      %dma_start3A_70 = arith.constant 0 : i32
      %dma_start3A_71 = tpu.memref_slice %arg11[%dma_start3A_69, %dma_start3A_70] : memref<768x16xf32, #tpu.memory_space<vmem>> -> memref<128x16xf32, #tpu.memory_space<vmem>>
      %dma_start3A_72 = arith.constant 0 : i32
      %dma_start3A_73 = tpu.memref_slice %arg7[%dma_start3A_68, %dma_start3A_72] : memref<6x128xi32, #tpu.memory_space<vmem>> -> memref<1x128xi32, #tpu.memory_space<vmem>>
      %dma_start3A_74 = tpu.memref_squeeze %dma_start3A_73 : memref<1x128xi32, #tpu.memory_space<vmem>> -> memref<128xi32, #tpu.memory_space<vmem>>
      %dma_start3A_75 = arith.constant 0 : i32
      %dma_start3A_76 = arith.constant 0 : i32
      %dma_start3A_77 = tpu.memref_slice %arg4[%dma_start3A_75, %dma_start3A_76] : memref<100000x16xf32, #tpu.memory_space<hbm>> -> memref<100000x16xf32, #tpu.memory_space<hbm>>
      tpu.enqueue_indirect_dma source(%dma_start3A_77 : memref<100000x16xf32, #tpu.memory_space<hbm>>) target(%dma_start3A_71 : memref<128x16xf32, #tpu.memory_space<vmem>>) offsets(%dma_start3A_74 : memref<128xi32, #tpu.memory_space<vmem>>) semaphore(%arg14 : memref<!tpu.dma_semaphore, #tpu.memory_space<semaphore_mem>>)
      %dma_start3A_78 = arith.constant 5 : i32
      %dma_start3A_79 = arith.constant 640 : i32
      %dma_start3A_80 = arith.constant 0 : i32
      %dma_start3A_81 = tpu.memref_slice %arg11[%dma_start3A_79, %dma_start3A_80] : memref<768x16xf32, #tpu.memory_space<vmem>> -> memref<128x16xf32, #tpu.memory_space<vmem>>
      %dma_start3A_82 = arith.constant 0 : i32
      %dma_start3A_83 = tpu.memref_slice %arg7[%dma_start3A_78, %dma_start3A_82] : memref<6x128xi32, #tpu.memory_space<vmem>> -> memref<1x128xi32, #tpu.memory_space<vmem>>
      %dma_start3A_84 = tpu.memref_squeeze %dma_start3A_83 : memref<1x128xi32, #tpu.memory_space<vmem>> -> memref<128xi32, #tpu.memory_space<vmem>>
      %dma_start3A_85 = arith.constant 0 : i32
      %dma_start3A_86 = arith.constant 0 : i32
      %dma_start3A_87 = tpu.memref_slice %arg4[%dma_start3A_85, %dma_start3A_86] : memref<100000x16xf32, #tpu.memory_space<hbm>> -> memref<100000x16xf32, #tpu.memory_space<hbm>>
      tpu.enqueue_indirect_dma source(%dma_start3A_87 : memref<100000x16xf32, #tpu.memory_space<hbm>>) target(%dma_start3A_81 : memref<128x16xf32, #tpu.memory_space<vmem>>) offsets(%dma_start3A_84 : memref<128xi32, #tpu.memory_space<vmem>>) semaphore(%arg14 : memref<!tpu.dma_semaphore, #tpu.memory_space<semaphore_mem>>)
      %mul3A_88 = arith.constant 2 : i32
      %mul3A_89 = arith.muli %mul3A_88, %scan3A_21 : i32
      %add3A_90 = arith.constant 1 : i32
      %add3A_91 = arith.addi %mul3A_89, %add3A_90 : i32
      %mul3A_92 = arith.constant 264 : i32
      %mul3A_93 = arith.muli %add3A, %mul3A_92 : i32
      %add3A_94 = arith.addi %mul3A_93, %add3A_91 : i32
      %mul3A_95 = arith.constant 6 : i32
      %mul3A_96 = arith.muli %add3A_94, %mul3A_95 : i32
      "tpu.region"() ({
        %run_scoped3A = tpu.sem_alloc : memref<!tpu.dma_semaphore, #tpu.memory_space<semaphore_mem>>
        %dma_start3A_516 = arith.constant 0 : i32
        %dma_start3A_517 = tpu.memref_slice %arg2[%mul3A_96, %dma_start3A_516] : memref<50688x128xi32, #tpu.memory_space<hbm>> -> memref<6x128xi32, #tpu.memory_space<hbm>>
        %dma_start3A_518 = arith.constant 0 : i32
        %dma_start3A_519 = tpu.memref_slice %arg2[%mul3A_96, %dma_start3A_518] : memref<50688x128xi32, #tpu.memory_space<hbm>> -> memref<6x128xi32, #tpu.memory_space<hbm>>
        tpu.enqueue_dma source(%dma_start3A_519 : memref<6x128xi32, #tpu.memory_space<hbm>>) target(%arg9 : memref<6x128xi32, #tpu.memory_space<vmem>>) target_semaphore(%run_scoped3A : memref<!tpu.dma_semaphore, #tpu.memory_space<semaphore_mem>>)
        %dma_wait3A_520 = arith.constant 0 : i32
        %dma_wait3A_521 = tpu.memref_slice %arg2[%mul3A_96, %dma_wait3A_520] : memref<50688x128xi32, #tpu.memory_space<hbm>> -> memref<6x128xi32, #tpu.memory_space<hbm>>
        %dma_wait3A_522 = arith.constant 0 : i32
        %dma_wait3A_523 = tpu.memref_slice %arg2[%mul3A_96, %dma_wait3A_522] : memref<50688x128xi32, #tpu.memory_space<hbm>> -> memref<6x128xi32, #tpu.memory_space<hbm>>
        tpu.wait_dma2 semaphore(%run_scoped3A : memref<!tpu.dma_semaphore, #tpu.memory_space<semaphore_mem>>) src(%dma_wait3A_523 : memref<6x128xi32, #tpu.memory_space<hbm>>) dst(%arg9 : memref<6x128xi32, #tpu.memory_space<vmem>>)
        tpu.yield
      }) : () -> ()
      "tpu.region"() ({
        %run_scoped3A = tpu.sem_alloc : memref<!tpu.dma_semaphore, #tpu.memory_space<semaphore_mem>>
        %dma_start3A_516 = arith.constant 0 : i32
        %dma_start3A_517 = tpu.memref_slice %arg3[%mul3A_96, %dma_start3A_516] : memref<50688x128xi32, #tpu.memory_space<hbm>> -> memref<6x128xi32, #tpu.memory_space<hbm>>
        %dma_start3A_518 = arith.constant 0 : i32
        %dma_start3A_519 = tpu.memref_slice %arg3[%mul3A_96, %dma_start3A_518] : memref<50688x128xi32, #tpu.memory_space<hbm>> -> memref<6x128xi32, #tpu.memory_space<hbm>>
        tpu.enqueue_dma source(%dma_start3A_519 : memref<6x128xi32, #tpu.memory_space<hbm>>) target(%arg10 : memref<6x128xi32, #tpu.memory_space<vmem>>) target_semaphore(%run_scoped3A : memref<!tpu.dma_semaphore, #tpu.memory_space<semaphore_mem>>)
        %dma_wait3A_520 = arith.constant 0 : i32
        %dma_wait3A_521 = tpu.memref_slice %arg3[%mul3A_96, %dma_wait3A_520] : memref<50688x128xi32, #tpu.memory_space<hbm>> -> memref<6x128xi32, #tpu.memory_space<hbm>>
        %dma_wait3A_522 = arith.constant 0 : i32
        %dma_wait3A_523 = tpu.memref_slice %arg3[%mul3A_96, %dma_wait3A_522] : memref<50688x128xi32, #tpu.memory_space<hbm>> -> memref<6x128xi32, #tpu.memory_space<hbm>>
        tpu.wait_dma2 semaphore(%run_scoped3A : memref<!tpu.dma_semaphore, #tpu.memory_space<semaphore_mem>>) src(%dma_wait3A_523 : memref<6x128xi32, #tpu.memory_space<hbm>>) dst(%arg10 : memref<6x128xi32, #tpu.memory_space<vmem>>)
        tpu.yield
      }) : () -> ()
      %dma_wait3A = arith.constant 0 : i32
      %dma_wait3A_97 = arith.constant 0 : i32
      %dma_wait3A_98 = arith.constant 0 : i32
      %dma_wait3A_99 = tpu.memref_slice %arg11[%dma_wait3A_97, %dma_wait3A_98] : memref<768x16xf32, #tpu.memory_space<vmem>> -> memref<128x16xf32, #tpu.memory_space<vmem>>
      %dma_wait3A_100 = arith.constant 0 : i32
      %dma_wait3A_101 = tpu.memref_slice %arg7[%dma_wait3A, %dma_wait3A_100] : memref<6x128xi32, #tpu.memory_space<vmem>> -> memref<1x128xi32, #tpu.memory_space<vmem>>
      %dma_wait3A_102 = tpu.memref_squeeze %dma_wait3A_101 : memref<1x128xi32, #tpu.memory_space<vmem>> -> memref<128xi32, #tpu.memory_space<vmem>>
      %dma_wait3A_103 = arith.constant 0 : i32
      %dma_wait3A_104 = arith.constant 0 : i32
      %dma_wait3A_105 = tpu.memref_slice %arg4[%dma_wait3A_103, %dma_wait3A_104] : memref<100000x16xf32, #tpu.memory_space<hbm>> -> memref<100000x16xf32, #tpu.memory_space<hbm>>
      tpu.wait_indirect_dma semaphore(%arg14 : memref<!tpu.dma_semaphore, #tpu.memory_space<semaphore_mem>>) src(%dma_wait3A_105 : memref<100000x16xf32, #tpu.memory_space<hbm>>) dst(%dma_wait3A_99 : memref<128x16xf32, #tpu.memory_space<vmem>>)
      %dma_wait3A_106 = arith.constant 1 : i32
      %dma_wait3A_107 = arith.constant 128 : i32
      %dma_wait3A_108 = arith.constant 0 : i32
      %dma_wait3A_109 = tpu.memref_slice %arg11[%dma_wait3A_107, %dma_wait3A_108] : memref<768x16xf32, #tpu.memory_space<vmem>> -> memref<128x16xf32, #tpu.memory_space<vmem>>
      %dma_wait3A_110 = arith.constant 0 : i32
      %dma_wait3A_111 = tpu.memref_slice %arg7[%dma_wait3A_106, %dma_wait3A_110] : memref<6x128xi32, #tpu.memory_space<vmem>> -> memref<1x128xi32, #tpu.memory_space<vmem>>
      %dma_wait3A_112 = tpu.memref_squeeze %dma_wait3A_111 : memref<1x128xi32, #tpu.memory_space<vmem>> -> memref<128xi32, #tpu.memory_space<vmem>>
      %dma_wait3A_113 = arith.constant 0 : i32
      %dma_wait3A_114 = arith.constant 0 : i32
      %dma_wait3A_115 = tpu.memref_slice %arg4[%dma_wait3A_113, %dma_wait3A_114] : memref<100000x16xf32, #tpu.memory_space<hbm>> -> memref<100000x16xf32, #tpu.memory_space<hbm>>
      tpu.wait_indirect_dma semaphore(%arg14 : memref<!tpu.dma_semaphore, #tpu.memory_space<semaphore_mem>>) src(%dma_wait3A_115 : memref<100000x16xf32, #tpu.memory_space<hbm>>) dst(%dma_wait3A_109 : memref<128x16xf32, #tpu.memory_space<vmem>>)
      %dma_wait3A_116 = arith.constant 2 : i32
      %dma_wait3A_117 = arith.constant 256 : i32
      %dma_wait3A_118 = arith.constant 0 : i32
      %dma_wait3A_119 = tpu.memref_slice %arg11[%dma_wait3A_117, %dma_wait3A_118] : memref<768x16xf32, #tpu.memory_space<vmem>> -> memref<128x16xf32, #tpu.memory_space<vmem>>
      %dma_wait3A_120 = arith.constant 0 : i32
      %dma_wait3A_121 = tpu.memref_slice %arg7[%dma_wait3A_116, %dma_wait3A_120] : memref<6x128xi32, #tpu.memory_space<vmem>> -> memref<1x128xi32, #tpu.memory_space<vmem>>
      %dma_wait3A_122 = tpu.memref_squeeze %dma_wait3A_121 : memref<1x128xi32, #tpu.memory_space<vmem>> -> memref<128xi32, #tpu.memory_space<vmem>>
      %dma_wait3A_123 = arith.constant 0 : i32
      %dma_wait3A_124 = arith.constant 0 : i32
      %dma_wait3A_125 = tpu.memref_slice %arg4[%dma_wait3A_123, %dma_wait3A_124] : memref<100000x16xf32, #tpu.memory_space<hbm>> -> memref<100000x16xf32, #tpu.memory_space<hbm>>
      tpu.wait_indirect_dma semaphore(%arg14 : memref<!tpu.dma_semaphore, #tpu.memory_space<semaphore_mem>>) src(%dma_wait3A_125 : memref<100000x16xf32, #tpu.memory_space<hbm>>) dst(%dma_wait3A_119 : memref<128x16xf32, #tpu.memory_space<vmem>>)
      %dma_wait3A_126 = arith.constant 3 : i32
      %dma_wait3A_127 = arith.constant 384 : i32
      %dma_wait3A_128 = arith.constant 0 : i32
      %dma_wait3A_129 = tpu.memref_slice %arg11[%dma_wait3A_127, %dma_wait3A_128] : memref<768x16xf32, #tpu.memory_space<vmem>> -> memref<128x16xf32, #tpu.memory_space<vmem>>
      %dma_wait3A_130 = arith.constant 0 : i32
      %dma_wait3A_131 = tpu.memref_slice %arg7[%dma_wait3A_126, %dma_wait3A_130] : memref<6x128xi32, #tpu.memory_space<vmem>> -> memref<1x128xi32, #tpu.memory_space<vmem>>
      %dma_wait3A_132 = tpu.memref_squeeze %dma_wait3A_131 : memref<1x128xi32, #tpu.memory_space<vmem>> -> memref<128xi32, #tpu.memory_space<vmem>>
      %dma_wait3A_133 = arith.constant 0 : i32
      %dma_wait3A_134 = arith.constant 0 : i32
      %dma_wait3A_135 = tpu.memref_slice %arg4[%dma_wait3A_133, %dma_wait3A_134] : memref<100000x16xf32, #tpu.memory_space<hbm>> -> memref<100000x16xf32, #tpu.memory_space<hbm>>
      tpu.wait_indirect_dma semaphore(%arg14 : memref<!tpu.dma_semaphore, #tpu.memory_space<semaphore_mem>>) src(%dma_wait3A_135 : memref<100000x16xf32, #tpu.memory_space<hbm>>) dst(%dma_wait3A_129 : memref<128x16xf32, #tpu.memory_space<vmem>>)
      %dma_wait3A_136 = arith.constant 4 : i32
      %dma_wait3A_137 = arith.constant 512 : i32
      %dma_wait3A_138 = arith.constant 0 : i32
      %dma_wait3A_139 = tpu.memref_slice %arg11[%dma_wait3A_137, %dma_wait3A_138] : memref<768x16xf32, #tpu.memory_space<vmem>> -> memref<128x16xf32, #tpu.memory_space<vmem>>
      %dma_wait3A_140 = arith.constant 0 : i32
      %dma_wait3A_141 = tpu.memref_slice %arg7[%dma_wait3A_136, %dma_wait3A_140] : memref<6x128xi32, #tpu.memory_space<vmem>> -> memref<1x128xi32, #tpu.memory_space<vmem>>
      %dma_wait3A_142 = tpu.memref_squeeze %dma_wait3A_141 : memref<1x128xi32, #tpu.memory_space<vmem>> -> memref<128xi32, #tpu.memory_space<vmem>>
      %dma_wait3A_143 = arith.constant 0 : i32
      %dma_wait3A_144 = arith.constant 0 : i32
      %dma_wait3A_145 = tpu.memref_slice %arg4[%dma_wait3A_143, %dma_wait3A_144] : memref<100000x16xf32, #tpu.memory_space<hbm>> -> memref<100000x16xf32, #tpu.memory_space<hbm>>
      tpu.wait_indirect_dma semaphore(%arg14 : memref<!tpu.dma_semaphore, #tpu.memory_space<semaphore_mem>>) src(%dma_wait3A_145 : memref<100000x16xf32, #tpu.memory_space<hbm>>) dst(%dma_wait3A_139 : memref<128x16xf32, #tpu.memory_space<vmem>>)
      %dma_wait3A_146 = arith.constant 5 : i32
      %dma_wait3A_147 = arith.constant 640 : i32
      %dma_wait3A_148 = arith.constant 0 : i32
      %dma_wait3A_149 = tpu.memref_slice %arg11[%dma_wait3A_147, %dma_wait3A_148] : memref<768x16xf32, #tpu.memory_space<vmem>> -> memref<128x16xf32, #tpu.memory_space<vmem>>
      %dma_wait3A_150 = arith.constant 0 : i32
      %dma_wait3A_151 = tpu.memref_slice %arg7[%dma_wait3A_146, %dma_wait3A_150] : memref<6x128xi32, #tpu.memory_space<vmem>> -> memref<1x128xi32, #tpu.memory_space<vmem>>
      %dma_wait3A_152 = tpu.memref_squeeze %dma_wait3A_151 : memref<1x128xi32, #tpu.memory_space<vmem>> -> memref<128xi32, #tpu.memory_space<vmem>>
      %dma_wait3A_153 = arith.constant 0 : i32
      %dma_wait3A_154 = arith.constant 0 : i32
      %dma_wait3A_155 = tpu.memref_slice %arg4[%dma_wait3A_153, %dma_wait3A_154] : memref<100000x16xf32, #tpu.memory_space<hbm>> -> memref<100000x16xf32, #tpu.memory_space<hbm>>
      tpu.wait_indirect_dma semaphore(%arg14 : memref<!tpu.dma_semaphore, #tpu.memory_space<semaphore_mem>>) src(%dma_wait3A_155 : memref<100000x16xf32, #tpu.memory_space<hbm>>) dst(%dma_wait3A_149 : memref<128x16xf32, #tpu.memory_space<vmem>>)
      %dma_start3A_156 = arith.constant 0 : i32
      %dma_start3A_157 = arith.constant 0 : i32
      %dma_start3A_158 = arith.constant 0 : i32
      %dma_start3A_159 = tpu.memref_slice %arg11[%dma_start3A_157, %dma_start3A_158] : memref<768x16xf32, #tpu.memory_space<vmem>> -> memref<128x16xf32, #tpu.memory_space<vmem>>
      %dma_start3A_160 = arith.constant 0 : i32
      %dma_start3A_161 = tpu.memref_slice %arg8[%dma_start3A_156, %dma_start3A_160] : memref<6x128xi32, #tpu.memory_space<vmem>> -> memref<1x128xi32, #tpu.memory_space<vmem>>
      %dma_start3A_162 = tpu.memref_squeeze %dma_start3A_161 : memref<1x128xi32, #tpu.memory_space<vmem>> -> memref<128xi32, #tpu.memory_space<vmem>>
      %dma_start3A_163 = arith.constant 0 : i32
      %dma_start3A_164 = arith.constant 0 : i32
      %dma_start3A_165 = tpu.memref_slice %arg6[%dma_start3A_163, %dma_start3A_164] : memref<100352x16xf32, #tpu.memory_space<vmem_shared>> -> memref<100352x16xf32, #tpu.memory_space<vmem_shared>>
      tpu.enqueue_indirect_dma source(%dma_start3A_159 : memref<128x16xf32, #tpu.memory_space<vmem>>) target(%dma_start3A_165 : memref<100352x16xf32, #tpu.memory_space<vmem_shared>>) offsets(%dma_start3A_162 : memref<128xi32, #tpu.memory_space<vmem>>) semaphore(%arg15 : memref<!tpu.dma_semaphore, #tpu.memory_space<semaphore_mem>>) {add = true}
      %dma_start3A_166 = arith.constant 1 : i32
      %dma_start3A_167 = arith.constant 128 : i32
      %dma_start3A_168 = arith.constant 0 : i32
      %dma_start3A_169 = tpu.memref_slice %arg11[%dma_start3A_167, %dma_start3A_168] : memref<768x16xf32, #tpu.memory_space<vmem>> -> memref<128x16xf32, #tpu.memory_space<vmem>>
      %dma_start3A_170 = arith.constant 0 : i32
      %dma_start3A_171 = tpu.memref_slice %arg8[%dma_start3A_166, %dma_start3A_170] : memref<6x128xi32, #tpu.memory_space<vmem>> -> memref<1x128xi32, #tpu.memory_space<vmem>>
      %dma_start3A_172 = tpu.memref_squeeze %dma_start3A_171 : memref<1x128xi32, #tpu.memory_space<vmem>> -> memref<128xi32, #tpu.memory_space<vmem>>
      %dma_start3A_173 = arith.constant 0 : i32
      %dma_start3A_174 = arith.constant 0 : i32
      %dma_start3A_175 = tpu.memref_slice %arg6[%dma_start3A_173, %dma_start3A_174] : memref<100352x16xf32, #tpu.memory_space<vmem_shared>> -> memref<100352x16xf32, #tpu.memory_space<vmem_shared>>
      tpu.enqueue_indirect_dma source(%dma_start3A_169 : memref<128x16xf32, #tpu.memory_space<vmem>>) target(%dma_start3A_175 : memref<100352x16xf32, #tpu.memory_space<vmem_shared>>) offsets(%dma_start3A_172 : memref<128xi32, #tpu.memory_space<vmem>>) semaphore(%arg15 : memref<!tpu.dma_semaphore, #tpu.memory_space<semaphore_mem>>) {add = true}
      %dma_start3A_176 = arith.constant 2 : i32
      %dma_start3A_177 = arith.constant 256 : i32
      %dma_start3A_178 = arith.constant 0 : i32
      %dma_start3A_179 = tpu.memref_slice %arg11[%dma_start3A_177, %dma_start3A_178] : memref<768x16xf32, #tpu.memory_space<vmem>> -> memref<128x16xf32, #tpu.memory_space<vmem>>
      %dma_start3A_180 = arith.constant 0 : i32
      %dma_start3A_181 = tpu.memref_slice %arg8[%dma_start3A_176, %dma_start3A_180] : memref<6x128xi32, #tpu.memory_space<vmem>> -> memref<1x128xi32, #tpu.memory_space<vmem>>
      %dma_start3A_182 = tpu.memref_squeeze %dma_start3A_181 : memref<1x128xi32, #tpu.memory_space<vmem>> -> memref<128xi32, #tpu.memory_space<vmem>>
      %dma_start3A_183 = arith.constant 0 : i32
      %dma_start3A_184 = arith.constant 0 : i32
      %dma_start3A_185 = tpu.memref_slice %arg6[%dma_start3A_183, %dma_start3A_184] : memref<100352x16xf32, #tpu.memory_space<vmem_shared>> -> memref<100352x16xf32, #tpu.memory_space<vmem_shared>>
      tpu.enqueue_indirect_dma source(%dma_start3A_179 : memref<128x16xf32, #tpu.memory_space<vmem>>) target(%dma_start3A_185 : memref<100352x16xf32, #tpu.memory_space<vmem_shared>>) offsets(%dma_start3A_182 : memref<128xi32, #tpu.memory_space<vmem>>) semaphore(%arg15 : memref<!tpu.dma_semaphore, #tpu.memory_space<semaphore_mem>>) {add = true}
      %dma_start3A_186 = arith.constant 3 : i32
      %dma_start3A_187 = arith.constant 384 : i32
      %dma_start3A_188 = arith.constant 0 : i32
      %dma_start3A_189 = tpu.memref_slice %arg11[%dma_start3A_187, %dma_start3A_188] : memref<768x16xf32, #tpu.memory_space<vmem>> -> memref<128x16xf32, #tpu.memory_space<vmem>>
      %dma_start3A_190 = arith.constant 0 : i32
      %dma_start3A_191 = tpu.memref_slice %arg8[%dma_start3A_186, %dma_start3A_190] : memref<6x128xi32, #tpu.memory_space<vmem>> -> memref<1x128xi32, #tpu.memory_space<vmem>>
      %dma_start3A_192 = tpu.memref_squeeze %dma_start3A_191 : memref<1x128xi32, #tpu.memory_space<vmem>> -> memref<128xi32, #tpu.memory_space<vmem>>
      %dma_start3A_193 = arith.constant 0 : i32
      %dma_start3A_194 = arith.constant 0 : i32
      %dma_start3A_195 = tpu.memref_slice %arg6[%dma_start3A_193, %dma_start3A_194] : memref<100352x16xf32, #tpu.memory_space<vmem_shared>> -> memref<100352x16xf32, #tpu.memory_space<vmem_shared>>
      tpu.enqueue_indirect_dma source(%dma_start3A_189 : memref<128x16xf32, #tpu.memory_space<vmem>>) target(%dma_start3A_195 : memref<100352x16xf32, #tpu.memory_space<vmem_shared>>) offsets(%dma_start3A_192 : memref<128xi32, #tpu.memory_space<vmem>>) semaphore(%arg15 : memref<!tpu.dma_semaphore, #tpu.memory_space<semaphore_mem>>) {add = true}
      %dma_start3A_196 = arith.constant 4 : i32
      %dma_start3A_197 = arith.constant 512 : i32
      %dma_start3A_198 = arith.constant 0 : i32
      %dma_start3A_199 = tpu.memref_slice %arg11[%dma_start3A_197, %dma_start3A_198] : memref<768x16xf32, #tpu.memory_space<vmem>> -> memref<128x16xf32, #tpu.memory_space<vmem>>
      %dma_start3A_200 = arith.constant 0 : i32
      %dma_start3A_201 = tpu.memref_slice %arg8[%dma_start3A_196, %dma_start3A_200] : memref<6x128xi32, #tpu.memory_space<vmem>> -> memref<1x128xi32, #tpu.memory_space<vmem>>
      %dma_start3A_202 = tpu.memref_squeeze %dma_start3A_201 : memref<1x128xi32, #tpu.memory_space<vmem>> -> memref<128xi32, #tpu.memory_space<vmem>>
      %dma_start3A_203 = arith.constant 0 : i32
      %dma_start3A_204 = arith.constant 0 : i32
      %dma_start3A_205 = tpu.memref_slice %arg6[%dma_start3A_203, %dma_start3A_204] : memref<100352x16xf32, #tpu.memory_space<vmem_shared>> -> memref<100352x16xf32, #tpu.memory_space<vmem_shared>>
      tpu.enqueue_indirect_dma source(%dma_start3A_199 : memref<128x16xf32, #tpu.memory_space<vmem>>) target(%dma_start3A_205 : memref<100352x16xf32, #tpu.memory_space<vmem_shared>>) offsets(%dma_start3A_202 : memref<128xi32, #tpu.memory_space<vmem>>) semaphore(%arg15 : memref<!tpu.dma_semaphore, #tpu.memory_space<semaphore_mem>>) {add = true}
      %dma_start3A_206 = arith.constant 5 : i32
      %dma_start3A_207 = arith.constant 640 : i32
      %dma_start3A_208 = arith.constant 0 : i32
      %dma_start3A_209 = tpu.memref_slice %arg11[%dma_start3A_207, %dma_start3A_208] : memref<768x16xf32, #tpu.memory_space<vmem>> -> memref<128x16xf32, #tpu.memory_space<vmem>>
      %dma_start3A_210 = arith.constant 0 : i32
      %dma_start3A_211 = tpu.memref_slice %arg8[%dma_start3A_206, %dma_start3A_210] : memref<6x128xi32, #tpu.memory_space<vmem>> -> memref<1x128xi32, #tpu.memory_space<vmem>>
      %dma_start3A_212 = tpu.memref_squeeze %dma_start3A_211 : memref<1x128xi32, #tpu.memory_space<vmem>> -> memref<128xi32, #tpu.memory_space<vmem>>
      %dma_start3A_213 = arith.constant 0 : i32
      %dma_start3A_214 = arith.constant 0 : i32
      %dma_start3A_215 = tpu.memref_slice %arg6[%dma_start3A_213, %dma_start3A_214] : memref<100352x16xf32, #tpu.memory_space<vmem_shared>> -> memref<100352x16xf32, #tpu.memory_space<vmem_shared>>
      tpu.enqueue_indirect_dma source(%dma_start3A_209 : memref<128x16xf32, #tpu.memory_space<vmem>>) target(%dma_start3A_215 : memref<100352x16xf32, #tpu.memory_space<vmem_shared>>) offsets(%dma_start3A_212 : memref<128xi32, #tpu.memory_space<vmem>>) semaphore(%arg15 : memref<!tpu.dma_semaphore, #tpu.memory_space<semaphore_mem>>) {add = true}
      %dma_start3A_216 = arith.constant 0 : i32
      %dma_start3A_217 = arith.constant 0 : i32
      %dma_start3A_218 = arith.constant 0 : i32
      %dma_start3A_219 = tpu.memref_slice %arg12[%dma_start3A_217, %dma_start3A_218] : memref<768x16xf32, #tpu.memory_space<vmem>> -> memref<128x16xf32, #tpu.memory_space<vmem>>
      %dma_start3A_220 = arith.constant 0 : i32
      %dma_start3A_221 = tpu.memref_slice %arg9[%dma_start3A_216, %dma_start3A_220] : memref<6x128xi32, #tpu.memory_space<vmem>> -> memref<1x128xi32, #tpu.memory_space<vmem>>
      %dma_start3A_222 = tpu.memref_squeeze %dma_start3A_221 : memref<1x128xi32, #tpu.memory_space<vmem>> -> memref<128xi32, #tpu.memory_space<vmem>>
      %dma_start3A_223 = arith.constant 0 : i32
      %dma_start3A_224 = arith.constant 0 : i32
      %dma_start3A_225 = tpu.memref_slice %arg4[%dma_start3A_223, %dma_start3A_224] : memref<100000x16xf32, #tpu.memory_space<hbm>> -> memref<100000x16xf32, #tpu.memory_space<hbm>>
      tpu.enqueue_indirect_dma source(%dma_start3A_225 : memref<100000x16xf32, #tpu.memory_space<hbm>>) target(%dma_start3A_219 : memref<128x16xf32, #tpu.memory_space<vmem>>) offsets(%dma_start3A_222 : memref<128xi32, #tpu.memory_space<vmem>>) semaphore(%arg14 : memref<!tpu.dma_semaphore, #tpu.memory_space<semaphore_mem>>)
      %dma_start3A_226 = arith.constant 1 : i32
      %dma_start3A_227 = arith.constant 128 : i32
      %dma_start3A_228 = arith.constant 0 : i32
      %dma_start3A_229 = tpu.memref_slice %arg12[%dma_start3A_227, %dma_start3A_228] : memref<768x16xf32, #tpu.memory_space<vmem>> -> memref<128x16xf32, #tpu.memory_space<vmem>>
      %dma_start3A_230 = arith.constant 0 : i32
      %dma_start3A_231 = tpu.memref_slice %arg9[%dma_start3A_226, %dma_start3A_230] : memref<6x128xi32, #tpu.memory_space<vmem>> -> memref<1x128xi32, #tpu.memory_space<vmem>>
      %dma_start3A_232 = tpu.memref_squeeze %dma_start3A_231 : memref<1x128xi32, #tpu.memory_space<vmem>> -> memref<128xi32, #tpu.memory_space<vmem>>
      %dma_start3A_233 = arith.constant 0 : i32
      %dma_start3A_234 = arith.constant 0 : i32
      %dma_start3A_235 = tpu.memref_slice %arg4[%dma_start3A_233, %dma_start3A_234] : memref<100000x16xf32, #tpu.memory_space<hbm>> -> memref<100000x16xf32, #tpu.memory_space<hbm>>
      tpu.enqueue_indirect_dma source(%dma_start3A_235 : memref<100000x16xf32, #tpu.memory_space<hbm>>) target(%dma_start3A_229 : memref<128x16xf32, #tpu.memory_space<vmem>>) offsets(%dma_start3A_232 : memref<128xi32, #tpu.memory_space<vmem>>) semaphore(%arg14 : memref<!tpu.dma_semaphore, #tpu.memory_space<semaphore_mem>>)
      %dma_start3A_236 = arith.constant 2 : i32
      %dma_start3A_237 = arith.constant 256 : i32
      %dma_start3A_238 = arith.constant 0 : i32
      %dma_start3A_239 = tpu.memref_slice %arg12[%dma_start3A_237, %dma_start3A_238] : memref<768x16xf32, #tpu.memory_space<vmem>> -> memref<128x16xf32, #tpu.memory_space<vmem>>
      %dma_start3A_240 = arith.constant 0 : i32
      %dma_start3A_241 = tpu.memref_slice %arg9[%dma_start3A_236, %dma_start3A_240] : memref<6x128xi32, #tpu.memory_space<vmem>> -> memref<1x128xi32, #tpu.memory_space<vmem>>
      %dma_start3A_242 = tpu.memref_squeeze %dma_start3A_241 : memref<1x128xi32, #tpu.memory_space<vmem>> -> memref<128xi32, #tpu.memory_space<vmem>>
      %dma_start3A_243 = arith.constant 0 : i32
      %dma_start3A_244 = arith.constant 0 : i32
      %dma_start3A_245 = tpu.memref_slice %arg4[%dma_start3A_243, %dma_start3A_244] : memref<100000x16xf32, #tpu.memory_space<hbm>> -> memref<100000x16xf32, #tpu.memory_space<hbm>>
      tpu.enqueue_indirect_dma source(%dma_start3A_245 : memref<100000x16xf32, #tpu.memory_space<hbm>>) target(%dma_start3A_239 : memref<128x16xf32, #tpu.memory_space<vmem>>) offsets(%dma_start3A_242 : memref<128xi32, #tpu.memory_space<vmem>>) semaphore(%arg14 : memref<!tpu.dma_semaphore, #tpu.memory_space<semaphore_mem>>)
      %dma_start3A_246 = arith.constant 3 : i32
      %dma_start3A_247 = arith.constant 384 : i32
      %dma_start3A_248 = arith.constant 0 : i32
      %dma_start3A_249 = tpu.memref_slice %arg12[%dma_start3A_247, %dma_start3A_248] : memref<768x16xf32, #tpu.memory_space<vmem>> -> memref<128x16xf32, #tpu.memory_space<vmem>>
      %dma_start3A_250 = arith.constant 0 : i32
      %dma_start3A_251 = tpu.memref_slice %arg9[%dma_start3A_246, %dma_start3A_250] : memref<6x128xi32, #tpu.memory_space<vmem>> -> memref<1x128xi32, #tpu.memory_space<vmem>>
      %dma_start3A_252 = tpu.memref_squeeze %dma_start3A_251 : memref<1x128xi32, #tpu.memory_space<vmem>> -> memref<128xi32, #tpu.memory_space<vmem>>
      %dma_start3A_253 = arith.constant 0 : i32
      %dma_start3A_254 = arith.constant 0 : i32
      %dma_start3A_255 = tpu.memref_slice %arg4[%dma_start3A_253, %dma_start3A_254] : memref<100000x16xf32, #tpu.memory_space<hbm>> -> memref<100000x16xf32, #tpu.memory_space<hbm>>
      tpu.enqueue_indirect_dma source(%dma_start3A_255 : memref<100000x16xf32, #tpu.memory_space<hbm>>) target(%dma_start3A_249 : memref<128x16xf32, #tpu.memory_space<vmem>>) offsets(%dma_start3A_252 : memref<128xi32, #tpu.memory_space<vmem>>) semaphore(%arg14 : memref<!tpu.dma_semaphore, #tpu.memory_space<semaphore_mem>>)
      %dma_start3A_256 = arith.constant 4 : i32
      %dma_start3A_257 = arith.constant 512 : i32
      %dma_start3A_258 = arith.constant 0 : i32
      %dma_start3A_259 = tpu.memref_slice %arg12[%dma_start3A_257, %dma_start3A_258] : memref<768x16xf32, #tpu.memory_space<vmem>> -> memref<128x16xf32, #tpu.memory_space<vmem>>
      %dma_start3A_260 = arith.constant 0 : i32
      %dma_start3A_261 = tpu.memref_slice %arg9[%dma_start3A_256, %dma_start3A_260] : memref<6x128xi32, #tpu.memory_space<vmem>> -> memref<1x128xi32, #tpu.memory_space<vmem>>
      %dma_start3A_262 = tpu.memref_squeeze %dma_start3A_261 : memref<1x128xi32, #tpu.memory_space<vmem>> -> memref<128xi32, #tpu.memory_space<vmem>>
      %dma_start3A_263 = arith.constant 0 : i32
      %dma_start3A_264 = arith.constant 0 : i32
      %dma_start3A_265 = tpu.memref_slice %arg4[%dma_start3A_263, %dma_start3A_264] : memref<100000x16xf32, #tpu.memory_space<hbm>> -> memref<100000x16xf32, #tpu.memory_space<hbm>>
      tpu.enqueue_indirect_dma source(%dma_start3A_265 : memref<100000x16xf32, #tpu.memory_space<hbm>>) target(%dma_start3A_259 : memref<128x16xf32, #tpu.memory_space<vmem>>) offsets(%dma_start3A_262 : memref<128xi32, #tpu.memory_space<vmem>>) semaphore(%arg14 : memref<!tpu.dma_semaphore, #tpu.memory_space<semaphore_mem>>)
      %dma_start3A_266 = arith.constant 5 : i32
      %dma_start3A_267 = arith.constant 640 : i32
      %dma_start3A_268 = arith.constant 0 : i32
      %dma_start3A_269 = tpu.memref_slice %arg12[%dma_start3A_267, %dma_start3A_268] : memref<768x16xf32, #tpu.memory_space<vmem>> -> memref<128x16xf32, #tpu.memory_space<vmem>>
      %dma_start3A_270 = arith.constant 0 : i32
      %dma_start3A_271 = tpu.memref_slice %arg9[%dma_start3A_266, %dma_start3A_270] : memref<6x128xi32, #tpu.memory_space<vmem>> -> memref<1x128xi32, #tpu.memory_space<vmem>>
      %dma_start3A_272 = tpu.memref_squeeze %dma_start3A_271 : memref<1x128xi32, #tpu.memory_space<vmem>> -> memref<128xi32, #tpu.memory_space<vmem>>
      %dma_start3A_273 = arith.constant 0 : i32
      %dma_start3A_274 = arith.constant 0 : i32
      %dma_start3A_275 = tpu.memref_slice %arg4[%dma_start3A_273, %dma_start3A_274] : memref<100000x16xf32, #tpu.memory_space<hbm>> -> memref<100000x16xf32, #tpu.memory_space<hbm>>
      tpu.enqueue_indirect_dma source(%dma_start3A_275 : memref<100000x16xf32, #tpu.memory_space<hbm>>) target(%dma_start3A_269 : memref<128x16xf32, #tpu.memory_space<vmem>>) offsets(%dma_start3A_272 : memref<128xi32, #tpu.memory_space<vmem>>) semaphore(%arg14 : memref<!tpu.dma_semaphore, #tpu.memory_space<semaphore_mem>>)
      %dma_wait3A_276 = arith.constant 0 : i32
      %dma_wait3A_277 = arith.constant 0 : i32
      %dma_wait3A_278 = arith.constant 0 : i32
      %dma_wait3A_279 = tpu.memref_slice %arg12[%dma_wait3A_277, %dma_wait3A_278] : memref<768x16xf32, #tpu.memory_space<vmem>> -> memref<128x16xf32, #tpu.memory_space<vmem>>
      %dma_wait3A_280 = arith.constant 0 : i32
      %dma_wait3A_281 = tpu.memref_slice %arg9[%dma_wait3A_276, %dma_wait3A_280] : memref<6x128xi32, #tpu.memory_space<vmem>> -> memref<1x128xi32, #tpu.memory_space<vmem>>
      %dma_wait3A_282 = tpu.memref_squeeze %dma_wait3A_281 : memref<1x128xi32, #tpu.memory_space<vmem>> -> memref<128xi32, #tpu.memory_space<vmem>>
      %dma_wait3A_283 = arith.constant 0 : i32
      %dma_wait3A_284 = arith.constant 0 : i32
      %dma_wait3A_285 = tpu.memref_slice %arg4[%dma_wait3A_283, %dma_wait3A_284] : memref<100000x16xf32, #tpu.memory_space<hbm>> -> memref<100000x16xf32, #tpu.memory_space<hbm>>
      tpu.wait_indirect_dma semaphore(%arg14 : memref<!tpu.dma_semaphore, #tpu.memory_space<semaphore_mem>>) src(%dma_wait3A_285 : memref<100000x16xf32, #tpu.memory_space<hbm>>) dst(%dma_wait3A_279 : memref<128x16xf32, #tpu.memory_space<vmem>>)
      %dma_wait3A_286 = arith.constant 1 : i32
      %dma_wait3A_287 = arith.constant 128 : i32
      %dma_wait3A_288 = arith.constant 0 : i32
      %dma_wait3A_289 = tpu.memref_slice %arg12[%dma_wait3A_287, %dma_wait3A_288] : memref<768x16xf32, #tpu.memory_space<vmem>> -> memref<128x16xf32, #tpu.memory_space<vmem>>
      %dma_wait3A_290 = arith.constant 0 : i32
      %dma_wait3A_291 = tpu.memref_slice %arg9[%dma_wait3A_286, %dma_wait3A_290] : memref<6x128xi32, #tpu.memory_space<vmem>> -> memref<1x128xi32, #tpu.memory_space<vmem>>
      %dma_wait3A_292 = tpu.memref_squeeze %dma_wait3A_291 : memref<1x128xi32, #tpu.memory_space<vmem>> -> memref<128xi32, #tpu.memory_space<vmem>>
      %dma_wait3A_293 = arith.constant 0 : i32
      %dma_wait3A_294 = arith.constant 0 : i32
      %dma_wait3A_295 = tpu.memref_slice %arg4[%dma_wait3A_293, %dma_wait3A_294] : memref<100000x16xf32, #tpu.memory_space<hbm>> -> memref<100000x16xf32, #tpu.memory_space<hbm>>
      tpu.wait_indirect_dma semaphore(%arg14 : memref<!tpu.dma_semaphore, #tpu.memory_space<semaphore_mem>>) src(%dma_wait3A_295 : memref<100000x16xf32, #tpu.memory_space<hbm>>) dst(%dma_wait3A_289 : memref<128x16xf32, #tpu.memory_space<vmem>>)
      %dma_wait3A_296 = arith.constant 2 : i32
      %dma_wait3A_297 = arith.constant 256 : i32
      %dma_wait3A_298 = arith.constant 0 : i32
      %dma_wait3A_299 = tpu.memref_slice %arg12[%dma_wait3A_297, %dma_wait3A_298] : memref<768x16xf32, #tpu.memory_space<vmem>> -> memref<128x16xf32, #tpu.memory_space<vmem>>
      %dma_wait3A_300 = arith.constant 0 : i32
      %dma_wait3A_301 = tpu.memref_slice %arg9[%dma_wait3A_296, %dma_wait3A_300] : memref<6x128xi32, #tpu.memory_space<vmem>> -> memref<1x128xi32, #tpu.memory_space<vmem>>
      %dma_wait3A_302 = tpu.memref_squeeze %dma_wait3A_301 : memref<1x128xi32, #tpu.memory_space<vmem>> -> memref<128xi32, #tpu.memory_space<vmem>>
      %dma_wait3A_303 = arith.constant 0 : i32
      %dma_wait3A_304 = arith.constant 0 : i32
      %dma_wait3A_305 = tpu.memref_slice %arg4[%dma_wait3A_303, %dma_wait3A_304] : memref<100000x16xf32, #tpu.memory_space<hbm>> -> memref<100000x16xf32, #tpu.memory_space<hbm>>
      tpu.wait_indirect_dma semaphore(%arg14 : memref<!tpu.dma_semaphore, #tpu.memory_space<semaphore_mem>>) src(%dma_wait3A_305 : memref<100000x16xf32, #tpu.memory_space<hbm>>) dst(%dma_wait3A_299 : memref<128x16xf32, #tpu.memory_space<vmem>>)
      %dma_wait3A_306 = arith.constant 3 : i32
      %dma_wait3A_307 = arith.constant 384 : i32
      %dma_wait3A_308 = arith.constant 0 : i32
      %dma_wait3A_309 = tpu.memref_slice %arg12[%dma_wait3A_307, %dma_wait3A_308] : memref<768x16xf32, #tpu.memory_space<vmem>> -> memref<128x16xf32, #tpu.memory_space<vmem>>
      %dma_wait3A_310 = arith.constant 0 : i32
      %dma_wait3A_311 = tpu.memref_slice %arg9[%dma_wait3A_306, %dma_wait3A_310] : memref<6x128xi32, #tpu.memory_space<vmem>> -> memref<1x128xi32, #tpu.memory_space<vmem>>
      %dma_wait3A_312 = tpu.memref_squeeze %dma_wait3A_311 : memref<1x128xi32, #tpu.memory_space<vmem>> -> memref<128xi32, #tpu.memory_space<vmem>>
      %dma_wait3A_313 = arith.constant 0 : i32
      %dma_wait3A_314 = arith.constant 0 : i32
      %dma_wait3A_315 = tpu.memref_slice %arg4[%dma_wait3A_313, %dma_wait3A_314] : memref<100000x16xf32, #tpu.memory_space<hbm>> -> memref<100000x16xf32, #tpu.memory_space<hbm>>
      tpu.wait_indirect_dma semaphore(%arg14 : memref<!tpu.dma_semaphore, #tpu.memory_space<semaphore_mem>>) src(%dma_wait3A_315 : memref<100000x16xf32, #tpu.memory_space<hbm>>) dst(%dma_wait3A_309 : memref<128x16xf32, #tpu.memory_space<vmem>>)
      %dma_wait3A_316 = arith.constant 4 : i32
      %dma_wait3A_317 = arith.constant 512 : i32
      %dma_wait3A_318 = arith.constant 0 : i32
      %dma_wait3A_319 = tpu.memref_slice %arg12[%dma_wait3A_317, %dma_wait3A_318] : memref<768x16xf32, #tpu.memory_space<vmem>> -> memref<128x16xf32, #tpu.memory_space<vmem>>
      %dma_wait3A_320 = arith.constant 0 : i32
      %dma_wait3A_321 = tpu.memref_slice %arg9[%dma_wait3A_316, %dma_wait3A_320] : memref<6x128xi32, #tpu.memory_space<vmem>> -> memref<1x128xi32, #tpu.memory_space<vmem>>
      %dma_wait3A_322 = tpu.memref_squeeze %dma_wait3A_321 : memref<1x128xi32, #tpu.memory_space<vmem>> -> memref<128xi32, #tpu.memory_space<vmem>>
      %dma_wait3A_323 = arith.constant 0 : i32
      %dma_wait3A_324 = arith.constant 0 : i32
      %dma_wait3A_325 = tpu.memref_slice %arg4[%dma_wait3A_323, %dma_wait3A_324] : memref<100000x16xf32, #tpu.memory_space<hbm>> -> memref<100000x16xf32, #tpu.memory_space<hbm>>
      tpu.wait_indirect_dma semaphore(%arg14 : memref<!tpu.dma_semaphore, #tpu.memory_space<semaphore_mem>>) src(%dma_wait3A_325 : memref<100000x16xf32, #tpu.memory_space<hbm>>) dst(%dma_wait3A_319 : memref<128x16xf32, #tpu.memory_space<vmem>>)
      %dma_wait3A_326 = arith.constant 5 : i32
      %dma_wait3A_327 = arith.constant 640 : i32
      %dma_wait3A_328 = arith.constant 0 : i32
      %dma_wait3A_329 = tpu.memref_slice %arg12[%dma_wait3A_327, %dma_wait3A_328] : memref<768x16xf32, #tpu.memory_space<vmem>> -> memref<128x16xf32, #tpu.memory_space<vmem>>
      %dma_wait3A_330 = arith.constant 0 : i32
      %dma_wait3A_331 = tpu.memref_slice %arg9[%dma_wait3A_326, %dma_wait3A_330] : memref<6x128xi32, #tpu.memory_space<vmem>> -> memref<1x128xi32, #tpu.memory_space<vmem>>
      %dma_wait3A_332 = tpu.memref_squeeze %dma_wait3A_331 : memref<1x128xi32, #tpu.memory_space<vmem>> -> memref<128xi32, #tpu.memory_space<vmem>>
      %dma_wait3A_333 = arith.constant 0 : i32
      %dma_wait3A_334 = arith.constant 0 : i32
      %dma_wait3A_335 = tpu.memref_slice %arg4[%dma_wait3A_333, %dma_wait3A_334] : memref<100000x16xf32, #tpu.memory_space<hbm>> -> memref<100000x16xf32, #tpu.memory_space<hbm>>
      tpu.wait_indirect_dma semaphore(%arg14 : memref<!tpu.dma_semaphore, #tpu.memory_space<semaphore_mem>>) src(%dma_wait3A_335 : memref<100000x16xf32, #tpu.memory_space<hbm>>) dst(%dma_wait3A_329 : memref<128x16xf32, #tpu.memory_space<vmem>>)
      %dma_start3A_336 = arith.constant 0 : i32
      %dma_start3A_337 = arith.constant 0 : i32
      %dma_start3A_338 = arith.constant 0 : i32
      %dma_start3A_339 = tpu.memref_slice %arg12[%dma_start3A_337, %dma_start3A_338] : memref<768x16xf32, #tpu.memory_space<vmem>> -> memref<128x16xf32, #tpu.memory_space<vmem>>
      %dma_start3A_340 = arith.constant 0 : i32
      %dma_start3A_341 = tpu.memref_slice %arg10[%dma_start3A_336, %dma_start3A_340] : memref<6x128xi32, #tpu.memory_space<vmem>> -> memref<1x128xi32, #tpu.memory_space<vmem>>
      %dma_start3A_342 = tpu.memref_squeeze %dma_start3A_341 : memref<1x128xi32, #tpu.memory_space<vmem>> -> memref<128xi32, #tpu.memory_space<vmem>>
      %dma_start3A_343 = arith.constant 0 : i32
      %dma_start3A_344 = arith.constant 0 : i32
      %dma_start3A_345 = tpu.memref_slice %arg6[%dma_start3A_343, %dma_start3A_344] : memref<100352x16xf32, #tpu.memory_space<vmem_shared>> -> memref<100352x16xf32, #tpu.memory_space<vmem_shared>>
      tpu.enqueue_indirect_dma source(%dma_start3A_339 : memref<128x16xf32, #tpu.memory_space<vmem>>) target(%dma_start3A_345 : memref<100352x16xf32, #tpu.memory_space<vmem_shared>>) offsets(%dma_start3A_342 : memref<128xi32, #tpu.memory_space<vmem>>) semaphore(%arg15 : memref<!tpu.dma_semaphore, #tpu.memory_space<semaphore_mem>>) {add = true}
      %dma_start3A_346 = arith.constant 1 : i32
      %dma_start3A_347 = arith.constant 128 : i32
      %dma_start3A_348 = arith.constant 0 : i32
      %dma_start3A_349 = tpu.memref_slice %arg12[%dma_start3A_347, %dma_start3A_348] : memref<768x16xf32, #tpu.memory_space<vmem>> -> memref<128x16xf32, #tpu.memory_space<vmem>>
      %dma_start3A_350 = arith.constant 0 : i32
      %dma_start3A_351 = tpu.memref_slice %arg10[%dma_start3A_346, %dma_start3A_350] : memref<6x128xi32, #tpu.memory_space<vmem>> -> memref<1x128xi32, #tpu.memory_space<vmem>>
      %dma_start3A_352 = tpu.memref_squeeze %dma_start3A_351 : memref<1x128xi32, #tpu.memory_space<vmem>> -> memref<128xi32, #tpu.memory_space<vmem>>
      %dma_start3A_353 = arith.constant 0 : i32
      %dma_start3A_354 = arith.constant 0 : i32
      %dma_start3A_355 = tpu.memref_slice %arg6[%dma_start3A_353, %dma_start3A_354] : memref<100352x16xf32, #tpu.memory_space<vmem_shared>> -> memref<100352x16xf32, #tpu.memory_space<vmem_shared>>
      tpu.enqueue_indirect_dma source(%dma_start3A_349 : memref<128x16xf32, #tpu.memory_space<vmem>>) target(%dma_start3A_355 : memref<100352x16xf32, #tpu.memory_space<vmem_shared>>) offsets(%dma_start3A_352 : memref<128xi32, #tpu.memory_space<vmem>>) semaphore(%arg15 : memref<!tpu.dma_semaphore, #tpu.memory_space<semaphore_mem>>) {add = true}
      %dma_start3A_356 = arith.constant 2 : i32
      %dma_start3A_357 = arith.constant 256 : i32
      %dma_start3A_358 = arith.constant 0 : i32
      %dma_start3A_359 = tpu.memref_slice %arg12[%dma_start3A_357, %dma_start3A_358] : memref<768x16xf32, #tpu.memory_space<vmem>> -> memref<128x16xf32, #tpu.memory_space<vmem>>
      %dma_start3A_360 = arith.constant 0 : i32
      %dma_start3A_361 = tpu.memref_slice %arg10[%dma_start3A_356, %dma_start3A_360] : memref<6x128xi32, #tpu.memory_space<vmem>> -> memref<1x128xi32, #tpu.memory_space<vmem>>
      %dma_start3A_362 = tpu.memref_squeeze %dma_start3A_361 : memref<1x128xi32, #tpu.memory_space<vmem>> -> memref<128xi32, #tpu.memory_space<vmem>>
      %dma_start3A_363 = arith.constant 0 : i32
      %dma_start3A_364 = arith.constant 0 : i32
      %dma_start3A_365 = tpu.memref_slice %arg6[%dma_start3A_363, %dma_start3A_364] : memref<100352x16xf32, #tpu.memory_space<vmem_shared>> -> memref<100352x16xf32, #tpu.memory_space<vmem_shared>>
      tpu.enqueue_indirect_dma source(%dma_start3A_359 : memref<128x16xf32, #tpu.memory_space<vmem>>) target(%dma_start3A_365 : memref<100352x16xf32, #tpu.memory_space<vmem_shared>>) offsets(%dma_start3A_362 : memref<128xi32, #tpu.memory_space<vmem>>) semaphore(%arg15 : memref<!tpu.dma_semaphore, #tpu.memory_space<semaphore_mem>>) {add = true}
      %dma_start3A_366 = arith.constant 3 : i32
      %dma_start3A_367 = arith.constant 384 : i32
      %dma_start3A_368 = arith.constant 0 : i32
      %dma_start3A_369 = tpu.memref_slice %arg12[%dma_start3A_367, %dma_start3A_368] : memref<768x16xf32, #tpu.memory_space<vmem>> -> memref<128x16xf32, #tpu.memory_space<vmem>>
      %dma_start3A_370 = arith.constant 0 : i32
      %dma_start3A_371 = tpu.memref_slice %arg10[%dma_start3A_366, %dma_start3A_370] : memref<6x128xi32, #tpu.memory_space<vmem>> -> memref<1x128xi32, #tpu.memory_space<vmem>>
      %dma_start3A_372 = tpu.memref_squeeze %dma_start3A_371 : memref<1x128xi32, #tpu.memory_space<vmem>> -> memref<128xi32, #tpu.memory_space<vmem>>
      %dma_start3A_373 = arith.constant 0 : i32
      %dma_start3A_374 = arith.constant 0 : i32
      %dma_start3A_375 = tpu.memref_slice %arg6[%dma_start3A_373, %dma_start3A_374] : memref<100352x16xf32, #tpu.memory_space<vmem_shared>> -> memref<100352x16xf32, #tpu.memory_space<vmem_shared>>
      tpu.enqueue_indirect_dma source(%dma_start3A_369 : memref<128x16xf32, #tpu.memory_space<vmem>>) target(%dma_start3A_375 : memref<100352x16xf32, #tpu.memory_space<vmem_shared>>) offsets(%dma_start3A_372 : memref<128xi32, #tpu.memory_space<vmem>>) semaphore(%arg15 : memref<!tpu.dma_semaphore, #tpu.memory_space<semaphore_mem>>) {add = true}
      %dma_start3A_376 = arith.constant 4 : i32
      %dma_start3A_377 = arith.constant 512 : i32
      %dma_start3A_378 = arith.constant 0 : i32
      %dma_start3A_379 = tpu.memref_slice %arg12[%dma_start3A_377, %dma_start3A_378] : memref<768x16xf32, #tpu.memory_space<vmem>> -> memref<128x16xf32, #tpu.memory_space<vmem>>
      %dma_start3A_380 = arith.constant 0 : i32
      %dma_start3A_381 = tpu.memref_slice %arg10[%dma_start3A_376, %dma_start3A_380] : memref<6x128xi32, #tpu.memory_space<vmem>> -> memref<1x128xi32, #tpu.memory_space<vmem>>
      %dma_start3A_382 = tpu.memref_squeeze %dma_start3A_381 : memref<1x128xi32, #tpu.memory_space<vmem>> -> memref<128xi32, #tpu.memory_space<vmem>>
      %dma_start3A_383 = arith.constant 0 : i32
      %dma_start3A_384 = arith.constant 0 : i32
      %dma_start3A_385 = tpu.memref_slice %arg6[%dma_start3A_383, %dma_start3A_384] : memref<100352x16xf32, #tpu.memory_space<vmem_shared>> -> memref<100352x16xf32, #tpu.memory_space<vmem_shared>>
      tpu.enqueue_indirect_dma source(%dma_start3A_379 : memref<128x16xf32, #tpu.memory_space<vmem>>) target(%dma_start3A_385 : memref<100352x16xf32, #tpu.memory_space<vmem_shared>>) offsets(%dma_start3A_382 : memref<128xi32, #tpu.memory_space<vmem>>) semaphore(%arg15 : memref<!tpu.dma_semaphore, #tpu.memory_space<semaphore_mem>>) {add = true}
      %dma_start3A_386 = arith.constant 5 : i32
      %dma_start3A_387 = arith.constant 640 : i32
      %dma_start3A_388 = arith.constant 0 : i32
      %dma_start3A_389 = tpu.memref_slice %arg12[%dma_start3A_387, %dma_start3A_388] : memref<768x16xf32, #tpu.memory_space<vmem>> -> memref<128x16xf32, #tpu.memory_space<vmem>>
      %dma_start3A_390 = arith.constant 0 : i32
      %dma_start3A_391 = tpu.memref_slice %arg10[%dma_start3A_386, %dma_start3A_390] : memref<6x128xi32, #tpu.memory_space<vmem>> -> memref<1x128xi32, #tpu.memory_space<vmem>>
      %dma_start3A_392 = tpu.memref_squeeze %dma_start3A_391 : memref<1x128xi32, #tpu.memory_space<vmem>> -> memref<128xi32, #tpu.memory_space<vmem>>
      %dma_start3A_393 = arith.constant 0 : i32
      %dma_start3A_394 = arith.constant 0 : i32
      %dma_start3A_395 = tpu.memref_slice %arg6[%dma_start3A_393, %dma_start3A_394] : memref<100352x16xf32, #tpu.memory_space<vmem_shared>> -> memref<100352x16xf32, #tpu.memory_space<vmem_shared>>
      tpu.enqueue_indirect_dma source(%dma_start3A_389 : memref<128x16xf32, #tpu.memory_space<vmem>>) target(%dma_start3A_395 : memref<100352x16xf32, #tpu.memory_space<vmem_shared>>) offsets(%dma_start3A_392 : memref<128xi32, #tpu.memory_space<vmem>>) semaphore(%arg15 : memref<!tpu.dma_semaphore, #tpu.memory_space<semaphore_mem>>) {add = true}
      %dma_wait3A_396 = arith.constant 0 : i32
      %dma_wait3A_397 = arith.constant 0 : i32
      %dma_wait3A_398 = arith.constant 0 : i32
      %dma_wait3A_399 = tpu.memref_slice %arg11[%dma_wait3A_397, %dma_wait3A_398] : memref<768x16xf32, #tpu.memory_space<vmem>> -> memref<128x16xf32, #tpu.memory_space<vmem>>
      %dma_wait3A_400 = arith.constant 0 : i32
      %dma_wait3A_401 = tpu.memref_slice %arg8[%dma_wait3A_396, %dma_wait3A_400] : memref<6x128xi32, #tpu.memory_space<vmem>> -> memref<1x128xi32, #tpu.memory_space<vmem>>
      %dma_wait3A_402 = tpu.memref_squeeze %dma_wait3A_401 : memref<1x128xi32, #tpu.memory_space<vmem>> -> memref<128xi32, #tpu.memory_space<vmem>>
      %dma_wait3A_403 = arith.constant 0 : i32
      %dma_wait3A_404 = arith.constant 0 : i32
      %dma_wait3A_405 = tpu.memref_slice %arg6[%dma_wait3A_403, %dma_wait3A_404] : memref<100352x16xf32, #tpu.memory_space<vmem_shared>> -> memref<100352x16xf32, #tpu.memory_space<vmem_shared>>
      tpu.wait_indirect_dma semaphore(%arg15 : memref<!tpu.dma_semaphore, #tpu.memory_space<semaphore_mem>>) src(%dma_wait3A_399 : memref<128x16xf32, #tpu.memory_space<vmem>>) dst(%dma_wait3A_405 : memref<100352x16xf32, #tpu.memory_space<vmem_shared>>)
      %dma_wait3A_406 = arith.constant 1 : i32
      %dma_wait3A_407 = arith.constant 128 : i32
      %dma_wait3A_408 = arith.constant 0 : i32
      %dma_wait3A_409 = tpu.memref_slice %arg11[%dma_wait3A_407, %dma_wait3A_408] : memref<768x16xf32, #tpu.memory_space<vmem>> -> memref<128x16xf32, #tpu.memory_space<vmem>>
      %dma_wait3A_410 = arith.constant 0 : i32
      %dma_wait3A_411 = tpu.memref_slice %arg8[%dma_wait3A_406, %dma_wait3A_410] : memref<6x128xi32, #tpu.memory_space<vmem>> -> memref<1x128xi32, #tpu.memory_space<vmem>>
      %dma_wait3A_412 = tpu.memref_squeeze %dma_wait3A_411 : memref<1x128xi32, #tpu.memory_space<vmem>> -> memref<128xi32, #tpu.memory_space<vmem>>
      %dma_wait3A_413 = arith.constant 0 : i32
      %dma_wait3A_414 = arith.constant 0 : i32
      %dma_wait3A_415 = tpu.memref_slice %arg6[%dma_wait3A_413, %dma_wait3A_414] : memref<100352x16xf32, #tpu.memory_space<vmem_shared>> -> memref<100352x16xf32, #tpu.memory_space<vmem_shared>>
      tpu.wait_indirect_dma semaphore(%arg15 : memref<!tpu.dma_semaphore, #tpu.memory_space<semaphore_mem>>) src(%dma_wait3A_409 : memref<128x16xf32, #tpu.memory_space<vmem>>) dst(%dma_wait3A_415 : memref<100352x16xf32, #tpu.memory_space<vmem_shared>>)
      %dma_wait3A_416 = arith.constant 2 : i32
      %dma_wait3A_417 = arith.constant 256 : i32
      %dma_wait3A_418 = arith.constant 0 : i32
      %dma_wait3A_419 = tpu.memref_slice %arg11[%dma_wait3A_417, %dma_wait3A_418] : memref<768x16xf32, #tpu.memory_space<vmem>> -> memref<128x16xf32, #tpu.memory_space<vmem>>
      %dma_wait3A_420 = arith.constant 0 : i32
      %dma_wait3A_421 = tpu.memref_slice %arg8[%dma_wait3A_416, %dma_wait3A_420] : memref<6x128xi32, #tpu.memory_space<vmem>> -> memref<1x128xi32, #tpu.memory_space<vmem>>
      %dma_wait3A_422 = tpu.memref_squeeze %dma_wait3A_421 : memref<1x128xi32, #tpu.memory_space<vmem>> -> memref<128xi32, #tpu.memory_space<vmem>>
      %dma_wait3A_423 = arith.constant 0 : i32
      %dma_wait3A_424 = arith.constant 0 : i32
      %dma_wait3A_425 = tpu.memref_slice %arg6[%dma_wait3A_423, %dma_wait3A_424] : memref<100352x16xf32, #tpu.memory_space<vmem_shared>> -> memref<100352x16xf32, #tpu.memory_space<vmem_shared>>
      tpu.wait_indirect_dma semaphore(%arg15 : memref<!tpu.dma_semaphore, #tpu.memory_space<semaphore_mem>>) src(%dma_wait3A_419 : memref<128x16xf32, #tpu.memory_space<vmem>>) dst(%dma_wait3A_425 : memref<100352x16xf32, #tpu.memory_space<vmem_shared>>)
      %dma_wait3A_426 = arith.constant 3 : i32
      %dma_wait3A_427 = arith.constant 384 : i32
      %dma_wait3A_428 = arith.constant 0 : i32
      %dma_wait3A_429 = tpu.memref_slice %arg11[%dma_wait3A_427, %dma_wait3A_428] : memref<768x16xf32, #tpu.memory_space<vmem>> -> memref<128x16xf32, #tpu.memory_space<vmem>>
      %dma_wait3A_430 = arith.constant 0 : i32
      %dma_wait3A_431 = tpu.memref_slice %arg8[%dma_wait3A_426, %dma_wait3A_430] : memref<6x128xi32, #tpu.memory_space<vmem>> -> memref<1x128xi32, #tpu.memory_space<vmem>>
      %dma_wait3A_432 = tpu.memref_squeeze %dma_wait3A_431 : memref<1x128xi32, #tpu.memory_space<vmem>> -> memref<128xi32, #tpu.memory_space<vmem>>
      %dma_wait3A_433 = arith.constant 0 : i32
      %dma_wait3A_434 = arith.constant 0 : i32
      %dma_wait3A_435 = tpu.memref_slice %arg6[%dma_wait3A_433, %dma_wait3A_434] : memref<100352x16xf32, #tpu.memory_space<vmem_shared>> -> memref<100352x16xf32, #tpu.memory_space<vmem_shared>>
      tpu.wait_indirect_dma semaphore(%arg15 : memref<!tpu.dma_semaphore, #tpu.memory_space<semaphore_mem>>) src(%dma_wait3A_429 : memref<128x16xf32, #tpu.memory_space<vmem>>) dst(%dma_wait3A_435 : memref<100352x16xf32, #tpu.memory_space<vmem_shared>>)
      %dma_wait3A_436 = arith.constant 4 : i32
      %dma_wait3A_437 = arith.constant 512 : i32
      %dma_wait3A_438 = arith.constant 0 : i32
      %dma_wait3A_439 = tpu.memref_slice %arg11[%dma_wait3A_437, %dma_wait3A_438] : memref<768x16xf32, #tpu.memory_space<vmem>> -> memref<128x16xf32, #tpu.memory_space<vmem>>
      %dma_wait3A_440 = arith.constant 0 : i32
      %dma_wait3A_441 = tpu.memref_slice %arg8[%dma_wait3A_436, %dma_wait3A_440] : memref<6x128xi32, #tpu.memory_space<vmem>> -> memref<1x128xi32, #tpu.memory_space<vmem>>
      %dma_wait3A_442 = tpu.memref_squeeze %dma_wait3A_441 : memref<1x128xi32, #tpu.memory_space<vmem>> -> memref<128xi32, #tpu.memory_space<vmem>>
      %dma_wait3A_443 = arith.constant 0 : i32
      %dma_wait3A_444 = arith.constant 0 : i32
      %dma_wait3A_445 = tpu.memref_slice %arg6[%dma_wait3A_443, %dma_wait3A_444] : memref<100352x16xf32, #tpu.memory_space<vmem_shared>> -> memref<100352x16xf32, #tpu.memory_space<vmem_shared>>
      tpu.wait_indirect_dma semaphore(%arg15 : memref<!tpu.dma_semaphore, #tpu.memory_space<semaphore_mem>>) src(%dma_wait3A_439 : memref<128x16xf32, #tpu.memory_space<vmem>>) dst(%dma_wait3A_445 : memref<100352x16xf32, #tpu.memory_space<vmem_shared>>)
      %dma_wait3A_446 = arith.constant 5 : i32
      %dma_wait3A_447 = arith.constant 640 : i32
      %dma_wait3A_448 = arith.constant 0 : i32
      %dma_wait3A_449 = tpu.memref_slice %arg11[%dma_wait3A_447, %dma_wait3A_448] : memref<768x16xf32, #tpu.memory_space<vmem>> -> memref<128x16xf32, #tpu.memory_space<vmem>>
      %dma_wait3A_450 = arith.constant 0 : i32
      %dma_wait3A_451 = tpu.memref_slice %arg8[%dma_wait3A_446, %dma_wait3A_450] : memref<6x128xi32, #tpu.memory_space<vmem>> -> memref<1x128xi32, #tpu.memory_space<vmem>>
      %dma_wait3A_452 = tpu.memref_squeeze %dma_wait3A_451 : memref<1x128xi32, #tpu.memory_space<vmem>> -> memref<128xi32, #tpu.memory_space<vmem>>
      %dma_wait3A_453 = arith.constant 0 : i32
      %dma_wait3A_454 = arith.constant 0 : i32
      %dma_wait3A_455 = tpu.memref_slice %arg6[%dma_wait3A_453, %dma_wait3A_454] : memref<100352x16xf32, #tpu.memory_space<vmem_shared>> -> memref<100352x16xf32, #tpu.memory_space<vmem_shared>>
      tpu.wait_indirect_dma semaphore(%arg15 : memref<!tpu.dma_semaphore, #tpu.memory_space<semaphore_mem>>) src(%dma_wait3A_449 : memref<128x16xf32, #tpu.memory_space<vmem>>) dst(%dma_wait3A_455 : memref<100352x16xf32, #tpu.memory_space<vmem_shared>>)
      %dma_wait3A_456 = arith.constant 0 : i32
      %dma_wait3A_457 = arith.constant 0 : i32
      %dma_wait3A_458 = arith.constant 0 : i32
      %dma_wait3A_459 = tpu.memref_slice %arg12[%dma_wait3A_457, %dma_wait3A_458] : memref<768x16xf32, #tpu.memory_space<vmem>> -> memref<128x16xf32, #tpu.memory_space<vmem>>
      %dma_wait3A_460 = arith.constant 0 : i32
      %dma_wait3A_461 = tpu.memref_slice %arg10[%dma_wait3A_456, %dma_wait3A_460] : memref<6x128xi32, #tpu.memory_space<vmem>> -> memref<1x128xi32, #tpu.memory_space<vmem>>
      %dma_wait3A_462 = tpu.memref_squeeze %dma_wait3A_461 : memref<1x128xi32, #tpu.memory_space<vmem>> -> memref<128xi32, #tpu.memory_space<vmem>>
      %dma_wait3A_463 = arith.constant 0 : i32
      %dma_wait3A_464 = arith.constant 0 : i32
      %dma_wait3A_465 = tpu.memref_slice %arg6[%dma_wait3A_463, %dma_wait3A_464] : memref<100352x16xf32, #tpu.memory_space<vmem_shared>> -> memref<100352x16xf32, #tpu.memory_space<vmem_shared>>
      tpu.wait_indirect_dma semaphore(%arg15 : memref<!tpu.dma_semaphore, #tpu.memory_space<semaphore_mem>>) src(%dma_wait3A_459 : memref<128x16xf32, #tpu.memory_space<vmem>>) dst(%dma_wait3A_465 : memref<100352x16xf32, #tpu.memory_space<vmem_shared>>)
      %dma_wait3A_466 = arith.constant 1 : i32
      %dma_wait3A_467 = arith.constant 128 : i32
      %dma_wait3A_468 = arith.constant 0 : i32
      %dma_wait3A_469 = tpu.memref_slice %arg12[%dma_wait3A_467, %dma_wait3A_468] : memref<768x16xf32, #tpu.memory_space<vmem>> -> memref<128x16xf32, #tpu.memory_space<vmem>>
      %dma_wait3A_470 = arith.constant 0 : i32
      %dma_wait3A_471 = tpu.memref_slice %arg10[%dma_wait3A_466, %dma_wait3A_470] : memref<6x128xi32, #tpu.memory_space<vmem>> -> memref<1x128xi32, #tpu.memory_space<vmem>>
      %dma_wait3A_472 = tpu.memref_squeeze %dma_wait3A_471 : memref<1x128xi32, #tpu.memory_space<vmem>> -> memref<128xi32, #tpu.memory_space<vmem>>
      %dma_wait3A_473 = arith.constant 0 : i32
      %dma_wait3A_474 = arith.constant 0 : i32
      %dma_wait3A_475 = tpu.memref_slice %arg6[%dma_wait3A_473, %dma_wait3A_474] : memref<100352x16xf32, #tpu.memory_space<vmem_shared>> -> memref<100352x16xf32, #tpu.memory_space<vmem_shared>>
      tpu.wait_indirect_dma semaphore(%arg15 : memref<!tpu.dma_semaphore, #tpu.memory_space<semaphore_mem>>) src(%dma_wait3A_469 : memref<128x16xf32, #tpu.memory_space<vmem>>) dst(%dma_wait3A_475 : memref<100352x16xf32, #tpu.memory_space<vmem_shared>>)
      %dma_wait3A_476 = arith.constant 2 : i32
      %dma_wait3A_477 = arith.constant 256 : i32
      %dma_wait3A_478 = arith.constant 0 : i32
      %dma_wait3A_479 = tpu.memref_slice %arg12[%dma_wait3A_477, %dma_wait3A_478] : memref<768x16xf32, #tpu.memory_space<vmem>> -> memref<128x16xf32, #tpu.memory_space<vmem>>
      %dma_wait3A_480 = arith.constant 0 : i32
      %dma_wait3A_481 = tpu.memref_slice %arg10[%dma_wait3A_476, %dma_wait3A_480] : memref<6x128xi32, #tpu.memory_space<vmem>> -> memref<1x128xi32, #tpu.memory_space<vmem>>
      %dma_wait3A_482 = tpu.memref_squeeze %dma_wait3A_481 : memref<1x128xi32, #tpu.memory_space<vmem>> -> memref<128xi32, #tpu.memory_space<vmem>>
      %dma_wait3A_483 = arith.constant 0 : i32
      %dma_wait3A_484 = arith.constant 0 : i32
      %dma_wait3A_485 = tpu.memref_slice %arg6[%dma_wait3A_483, %dma_wait3A_484] : memref<100352x16xf32, #tpu.memory_space<vmem_shared>> -> memref<100352x16xf32, #tpu.memory_space<vmem_shared>>
      tpu.wait_indirect_dma semaphore(%arg15 : memref<!tpu.dma_semaphore, #tpu.memory_space<semaphore_mem>>) src(%dma_wait3A_479 : memref<128x16xf32, #tpu.memory_space<vmem>>) dst(%dma_wait3A_485 : memref<100352x16xf32, #tpu.memory_space<vmem_shared>>)
      %dma_wait3A_486 = arith.constant 3 : i32
      %dma_wait3A_487 = arith.constant 384 : i32
      %dma_wait3A_488 = arith.constant 0 : i32
      %dma_wait3A_489 = tpu.memref_slice %arg12[%dma_wait3A_487, %dma_wait3A_488] : memref<768x16xf32, #tpu.memory_space<vmem>> -> memref<128x16xf32, #tpu.memory_space<vmem>>
      %dma_wait3A_490 = arith.constant 0 : i32
      %dma_wait3A_491 = tpu.memref_slice %arg10[%dma_wait3A_486, %dma_wait3A_490] : memref<6x128xi32, #tpu.memory_space<vmem>> -> memref<1x128xi32, #tpu.memory_space<vmem>>
      %dma_wait3A_492 = tpu.memref_squeeze %dma_wait3A_491 : memref<1x128xi32, #tpu.memory_space<vmem>> -> memref<128xi32, #tpu.memory_space<vmem>>
      %dma_wait3A_493 = arith.constant 0 : i32
      %dma_wait3A_494 = arith.constant 0 : i32
      %dma_wait3A_495 = tpu.memref_slice %arg6[%dma_wait3A_493, %dma_wait3A_494] : memref<100352x16xf32, #tpu.memory_space<vmem_shared>> -> memref<100352x16xf32, #tpu.memory_space<vmem_shared>>
      tpu.wait_indirect_dma semaphore(%arg15 : memref<!tpu.dma_semaphore, #tpu.memory_space<semaphore_mem>>) src(%dma_wait3A_489 : memref<128x16xf32, #tpu.memory_space<vmem>>) dst(%dma_wait3A_495 : memref<100352x16xf32, #tpu.memory_space<vmem_shared>>)
      %dma_wait3A_496 = arith.constant 4 : i32
      %dma_wait3A_497 = arith.constant 512 : i32
      %dma_wait3A_498 = arith.constant 0 : i32
      %dma_wait3A_499 = tpu.memref_slice %arg12[%dma_wait3A_497, %dma_wait3A_498] : memref<768x16xf32, #tpu.memory_space<vmem>> -> memref<128x16xf32, #tpu.memory_space<vmem>>
      %dma_wait3A_500 = arith.constant 0 : i32
      %dma_wait3A_501 = tpu.memref_slice %arg10[%dma_wait3A_496, %dma_wait3A_500] : memref<6x128xi32, #tpu.memory_space<vmem>> -> memref<1x128xi32, #tpu.memory_space<vmem>>
      %dma_wait3A_502 = tpu.memref_squeeze %dma_wait3A_501 : memref<1x128xi32, #tpu.memory_space<vmem>> -> memref<128xi32, #tpu.memory_space<vmem>>
      %dma_wait3A_503 = arith.constant 0 : i32
      %dma_wait3A_504 = arith.constant 0 : i32
      %dma_wait3A_505 = tpu.memref_slice %arg6[%dma_wait3A_503, %dma_wait3A_504] : memref<100352x16xf32, #tpu.memory_space<vmem_shared>> -> memref<100352x16xf32, #tpu.memory_space<vmem_shared>>
      tpu.wait_indirect_dma semaphore(%arg15 : memref<!tpu.dma_semaphore, #tpu.memory_space<semaphore_mem>>) src(%dma_wait3A_499 : memref<128x16xf32, #tpu.memory_space<vmem>>) dst(%dma_wait3A_505 : memref<100352x16xf32, #tpu.memory_space<vmem_shared>>)
      %dma_wait3A_506 = arith.constant 5 : i32
      %dma_wait3A_507 = arith.constant 640 : i32
      %dma_wait3A_508 = arith.constant 0 : i32
      %dma_wait3A_509 = tpu.memref_slice %arg12[%dma_wait3A_507, %dma_wait3A_508] : memref<768x16xf32, #tpu.memory_space<vmem>> -> memref<128x16xf32, #tpu.memory_space<vmem>>
      %dma_wait3A_510 = arith.constant 0 : i32
      %dma_wait3A_511 = tpu.memref_slice %arg10[%dma_wait3A_506, %dma_wait3A_510] : memref<6x128xi32, #tpu.memory_space<vmem>> -> memref<1x128xi32, #tpu.memory_space<vmem>>
      %dma_wait3A_512 = tpu.memref_squeeze %dma_wait3A_511 : memref<1x128xi32, #tpu.memory_space<vmem>> -> memref<128xi32, #tpu.memory_space<vmem>>
      %dma_wait3A_513 = arith.constant 0 : i32
      %dma_wait3A_514 = arith.constant 0 : i32
      %dma_wait3A_515 = tpu.memref_slice %arg6[%dma_wait3A_513, %dma_wait3A_514] : memref<100352x16xf32, #tpu.memory_space<vmem_shared>> -> memref<100352x16xf32, #tpu.memory_space<vmem_shared>>
      tpu.wait_indirect_dma semaphore(%arg15 : memref<!tpu.dma_semaphore, #tpu.memory_space<semaphore_mem>>) src(%dma_wait3A_509 : memref<128x16xf32, #tpu.memory_space<vmem>>) dst(%dma_wait3A_515 : memref<100352x16xf32, #tpu.memory_space<vmem_shared>>)
    }
    %scan3A_19 = arith.constant 132 : i32
    %barrier3A_20 = arith.constant 0 : index
    tpu.barrier barrier_id(%barrier3A_20)
    "tpu.region"() ({
      %run_scoped3A = tpu.sem_alloc : memref<!tpu.dma_semaphore, #tpu.memory_space<semaphore_mem>>
      %dma_start3A = arith.constant 0 : i32
      %dma_start3A_21 = tpu.memref_slice %arg5[%arg0, %mul3A_5, %dma_start3A] : memref<2x100352x16xf32, #tpu.memory_space<hbm>> -> memref<1x6272x16xf32, #tpu.memory_space<hbm>>
      %dma_start3A_22 = tpu.memref_squeeze %dma_start3A_21 : memref<1x6272x16xf32, #tpu.memory_space<hbm>> -> memref<6272x16xf32, #tpu.memory_space<hbm>>
      %dma_start3A_23 = arith.constant 0 : i32
      %dma_start3A_24 = tpu.memref_slice %arg6[%mul3A_5, %dma_start3A_23] : memref<100352x16xf32, #tpu.memory_space<vmem_shared>> -> memref<6272x16xf32, #tpu.memory_space<vmem_shared>>
      tpu.enqueue_dma source(%dma_start3A_24 : memref<6272x16xf32, #tpu.memory_space<vmem_shared>>) target(%dma_start3A_22 : memref<6272x16xf32, #tpu.memory_space<hbm>>) target_semaphore(%run_scoped3A : memref<!tpu.dma_semaphore, #tpu.memory_space<semaphore_mem>>)
      %dma_wait3A = arith.constant 0 : i32
      %dma_wait3A_25 = tpu.memref_slice %arg5[%arg0, %mul3A_5, %dma_wait3A] : memref<2x100352x16xf32, #tpu.memory_space<hbm>> -> memref<1x6272x16xf32, #tpu.memory_space<hbm>>
      %dma_wait3A_26 = tpu.memref_squeeze %dma_wait3A_25 : memref<1x6272x16xf32, #tpu.memory_space<hbm>> -> memref<6272x16xf32, #tpu.memory_space<hbm>>
      %dma_wait3A_27 = arith.constant 0 : i32
      %dma_wait3A_28 = tpu.memref_slice %arg6[%mul3A_5, %dma_wait3A_27] : memref<100352x16xf32, #tpu.memory_space<vmem_shared>> -> memref<6272x16xf32, #tpu.memory_space<vmem_shared>>
      tpu.wait_dma2 semaphore(%run_scoped3A : memref<!tpu.dma_semaphore, #tpu.memory_space<semaphore_mem>>) src(%dma_wait3A_28 : memref<6272x16xf32, #tpu.memory_space<vmem_shared>>) dst(%dma_wait3A_26 : memref<6272x16xf32, #tpu.memory_space<hbm>>)
      tpu.yield
    }) : () -> ()
    return
  }
}

module attributes {stable_mosaic.version = 14 : i64} {
  func.func @body(%arg0: i32, %arg1: memref<2x2048x16xf32, #tpu.memory_space<vmem>>, %arg2: memref<2048x8xf32, #tpu.memory_space<vmem>>) attributes {dimension_semantics = [#tpu.dimension_semantics<arbitrary>], iteration_bounds = array<i64: 49>, scalar_prefetch = 0 : i64, scratch_operands = 0 : i64, tpu.core_type = #tpu.core_type<tc>, window_params = [{transform_indices = @transform_0, window_bounds = array<i64: 2, 2048, 16>}, {transform_indices = @transform_1, window_bounds = array<i64: 2048, 8>}]} {
    %get3A = arith.constant 0 : index
    %get3A_0 = arith.constant 0 : index
    %get3A_1 = arith.constant 0 : index
    %get3A_2 = vector.load %arg1[%get3A, %get3A_0, %get3A_1] : memref<2x2048x16xf32, #tpu.memory_space<vmem>>, vector<1x2048x16xf32>
    %get3A_3 = vector.shape_cast %get3A_2 : vector<1x2048x16xf32> to vector<2048x16xf32>
    %get3A_4 = arith.constant 1 : index
    %get3A_5 = arith.constant 0 : index
    %get3A_6 = arith.constant 0 : index
    %get3A_7 = vector.load %arg1[%get3A_4, %get3A_5, %get3A_6] : memref<2x2048x16xf32, #tpu.memory_space<vmem>>, vector<1x2048x16xf32>
    %get3A_8 = vector.shape_cast %get3A_7 : vector<1x2048x16xf32> to vector<2048x16xf32>
    %add3A = arith.addf %get3A_3, %get3A_8 : vector<2048x16xf32>
    %slice3A = vector.extract_strided_slice %add3A {offsets = [0, 8], sizes = [2048, 1], strides = [1, 1]} : vector<2048x16xf32> to vector<2048x1xf32>
    %slice3A_9 = vector.extract_strided_slice %add3A {offsets = [0, 0], sizes = [2048, 8], strides = [1, 1]} : vector<2048x16xf32> to vector<2048x8xf32>
    %max3A = arith.constant 1.000000e+00 : f32
    %max3A_10 = vector.broadcast %max3A : f32 to vector<2048x1xf32>
    %max3A_11 = arith.maximumf %slice3A, %max3A_10 : vector<2048x1xf32>
    %div3A = vector.broadcast %max3A_11 : vector<2048x1xf32> to vector<2048x8xf32>
    %div3A_12 = arith.divf %slice3A_9, %div3A : vector<2048x8xf32>
    %swap3A = arith.constant 0 : index
    %swap3A_13 = arith.constant 0 : index
    %swap3A_14 = vector.load %arg2[%swap3A, %swap3A_13] : memref<2048x8xf32, #tpu.memory_space<vmem>>, vector<2048x8xf32>
    tpu.vector_store %arg2[%swap3A, %swap3A_13], %div3A_12 {strides = array<i32>} : memref<2048x8xf32, #tpu.memory_space<vmem>>, vector<2048x8xf32>,
    return
  }
  func.func @transform_0(%arg0: i32) -> (i32, i32, i32) {
    %c0_i32 = arith.constant 0 : i32
    %c0_i32_0 = arith.constant 0 : i32
    %c0_i32_1 = arith.constant 0 : i32
    return %c0_i32, %arg0, %c0_i32_0 : i32, i32, i32
  }
  func.func @transform_1(%arg0: i32) -> (i32, i32) {
    %c0_i32 = arith.constant 0 : i32
    %c0_i32_0 = arith.constant 0 : i32
    return %arg0, %c0_i32 : i32, i32
  }
}

module attributes {stable_mosaic.version = 14 : i64} {
  func.func @body(%arg0: i32, %arg1: memref<2000x8xf32, #tpu.memory_space<vmem>>, %arg2: memref<2000x8xf32, #tpu.memory_space<vmem>>, %arg3: memref<2x2000x16xf32, #tpu.memory_space<vmem>>, %arg4: memref<2x2000x8xf32, #tpu.memory_space<vmem>>, %arg5: memref<8x16xf32, #tpu.memory_space<vmem>>, %arg6: memref<8x16xf32, #tpu.memory_space<vmem>>, %arg7: memref<1x16xf32, #tpu.memory_space<vmem>>, %arg8: memref<16x8xf32, #tpu.memory_space<vmem>>, %arg9: memref<16x8xf32, #tpu.memory_space<vmem>>, %arg10: memref<1x8xf32, #tpu.memory_space<vmem>>, %arg11: memref<2000x8xf32, #tpu.memory_space<vmem>>) attributes {dimension_semantics = [#tpu.dimension_semantics<arbitrary>], iteration_bounds = array<i64: 50>, scalar_prefetch = 0 : i64, scratch_operands = 0 : i64, tpu.core_type = #tpu.core_type<tc>, window_params = [{transform_indices = @transform_0, window_bounds = array<i64: 2000, 8>}, {transform_indices = @transform_1, window_bounds = array<i64: 2000, 8>}, {transform_indices = @transform_2, window_bounds = array<i64: 2, 2000, 16>}, {transform_indices = @transform_3, window_bounds = array<i64: 2, 2000, 8>}, {pipeline_mode = #tpu.pipeline_mode<synchronous>, transform_indices = @transform_4, window_bounds = array<i64: 8, 16>}, {pipeline_mode = #tpu.pipeline_mode<synchronous>, transform_indices = @transform_5, window_bounds = array<i64: 8, 16>}, {pipeline_mode = #tpu.pipeline_mode<synchronous>, transform_indices = @transform_6, window_bounds = array<i64: 1, 16>}, {pipeline_mode = #tpu.pipeline_mode<synchronous>, transform_indices = @transform_7, window_bounds = array<i64: 16, 8>}, {pipeline_mode = #tpu.pipeline_mode<synchronous>, transform_indices = @transform_8, window_bounds = array<i64: 16, 8>}, {pipeline_mode = #tpu.pipeline_mode<synchronous>, transform_indices = @transform_9, window_bounds = array<i64: 1, 8>}, {transform_indices = @transform_10, window_bounds = array<i64: 2000, 8>}]} {
    %get3A = arith.constant 0 : index
    %get3A_0 = arith.constant 0 : index
    %get3A_1 = arith.constant 0 : index
    %get3A_2 = vector.load %arg3[%get3A, %get3A_0, %get3A_1] : memref<2x2000x16xf32, #tpu.memory_space<vmem>>, vector<1x2000x16xf32>
    %get3A_3 = vector.shape_cast %get3A_2 : vector<1x2000x16xf32> to vector<2000x16xf32>
    %get3A_4 = arith.constant 1 : index
    %get3A_5 = arith.constant 0 : index
    %get3A_6 = arith.constant 0 : index
    %get3A_7 = vector.load %arg3[%get3A_4, %get3A_5, %get3A_6] : memref<2x2000x16xf32, #tpu.memory_space<vmem>>, vector<1x2000x16xf32>
    %get3A_8 = vector.shape_cast %get3A_7 : vector<1x2000x16xf32> to vector<2000x16xf32>
    %add3A = arith.addf %get3A_3, %get3A_8 : vector<2000x16xf32>
    %slice3A = vector.extract_strided_slice %add3A {offsets = [0, 8], sizes = [2000, 1], strides = [1, 1]} : vector<2000x16xf32> to vector<2000x1xf32>
    %get3A_9 = arith.constant 0 : index
    %get3A_10 = arith.constant 0 : index
    %get3A_11 = arith.constant 0 : index
    %get3A_12 = vector.load %arg4[%get3A_9, %get3A_10, %get3A_11] : memref<2x2000x8xf32, #tpu.memory_space<vmem>>, vector<1x2000x8xf32>
    %get3A_13 = vector.shape_cast %get3A_12 : vector<1x2000x8xf32> to vector<2000x8xf32>
    %get3A_14 = arith.constant 1 : index
    %get3A_15 = arith.constant 0 : index
    %get3A_16 = arith.constant 0 : index
    %get3A_17 = vector.load %arg4[%get3A_14, %get3A_15, %get3A_16] : memref<2x2000x8xf32, #tpu.memory_space<vmem>>, vector<1x2000x8xf32>
    %get3A_18 = vector.shape_cast %get3A_17 : vector<1x2000x8xf32> to vector<2000x8xf32>
    %add3A_19 = arith.addf %get3A_13, %get3A_18 : vector<2000x8xf32>
    %max3A = arith.constant 1.000000e+00 : f32
    %max3A_20 = vector.broadcast %max3A : f32 to vector<2000x1xf32>
    %max3A_21 = arith.maximumf %slice3A, %max3A_20 : vector<2000x1xf32>
    %div3A = vector.broadcast %max3A_21 : vector<2000x1xf32> to vector<2000x8xf32>
    %div3A_22 = arith.divf %add3A_19, %div3A : vector<2000x8xf32>
    %gt3A = arith.constant 0.000000e+00 : f32
    %gt3A_23 = vector.broadcast %gt3A : f32 to vector<2000x1xf32>
    %gt3A_24 = arith.cmpf ogt, %slice3A, %gt3A_23 : vector<2000x1xf32>
    %convert_element_type3A = arith.extui %gt3A_24 : vector<2000x1xi1> to vector<2000x1xi32>
    %convert_element_type3A_25 = arith.sitofp %convert_element_type3A : vector<2000x1xi32> to vector<2000x1xf32>
    %get3A_26 = arith.constant 0 : index
    %get3A_27 = arith.constant 0 : index
    %get3A_28 = vector.load %arg2[%get3A_26, %get3A_27] : memref<2000x8xf32, #tpu.memory_space<vmem>>, vector<2000x8xf32>
    %get3A_29 = arith.constant 0 : index
    %get3A_30 = arith.constant 0 : index
    %get3A_31 = vector.load %arg5[%get3A_29, %get3A_30] : memref<8x16xf32, #tpu.memory_space<vmem>>, vector<8x16xf32>
    %dot_general3A = arith.constant dense<0.000000e+00> : vector<2000x16xf32>
    %dot_general3A_32 = tpu.matmul %get3A_28, %get3A_31, %dot_general3A {dimension_numbers = #tpu.dot_dimension_numbers<[1], [0], [0], [1], [0, 0, 1, 1], [], []>, transpose_lhs_hint = false} : vector<2000x8xf32>, vector<8x16xf32>, vector<2000x16xf32> -> vector<2000x16xf32>
    %get3A_33 = arith.constant 0 : index
    %get3A_34 = arith.constant 0 : index
    %get3A_35 = vector.load %arg7[%get3A_33, %get3A_34] : memref<1x16xf32, #tpu.memory_space<vmem>>, vector<1x16xf32>
    %add3A_36 = vector.broadcast %get3A_35 : vector<1x16xf32> to vector<2000x16xf32>
    %add3A_37 = arith.addf %dot_general3A_32, %add3A_36 : vector<2000x16xf32>
    %get3A_38 = arith.constant 0 : index
    %get3A_39 = arith.constant 0 : index
    %get3A_40 = vector.load %arg1[%get3A_38, %get3A_39] : memref<2000x8xf32, #tpu.memory_space<vmem>>, vector<2000x8xf32>
    %get3A_41 = arith.constant 0 : index
    %get3A_42 = arith.constant 0 : index
    %get3A_43 = vector.load %arg6[%get3A_41, %get3A_42] : memref<8x16xf32, #tpu.memory_space<vmem>>, vector<8x16xf32>
    %dot_general3A_44 = arith.constant dense<0.000000e+00> : vector<2000x16xf32>
    %dot_general3A_45 = tpu.matmul %get3A_40, %get3A_43, %dot_general3A_44 {dimension_numbers = #tpu.dot_dimension_numbers<[1], [0], [0], [1], [0, 0, 1, 1], [], []>, transpose_lhs_hint = false} : vector<2000x8xf32>, vector<8x16xf32>, vector<2000x16xf32> -> vector<2000x16xf32>
    %add3A_46 = arith.addf %add3A_37, %dot_general3A_45 : vector<2000x16xf32>
    %get3A_47 = arith.constant 0 : index
    %get3A_48 = arith.constant 0 : index
    %get3A_49 = vector.load %arg5[%get3A_47, %get3A_48] : memref<8x16xf32, #tpu.memory_space<vmem>>, vector<8x16xf32>
    %dot_general3A_50 = arith.constant dense<0.000000e+00> : vector<2000x16xf32>
    %dot_general3A_51 = tpu.matmul %div3A_22, %get3A_49, %dot_general3A_50 {dimension_numbers = #tpu.dot_dimension_numbers<[1], [0], [0], [1], [0, 0, 1, 1], [], []>, transpose_lhs_hint = false} : vector<2000x8xf32>, vector<8x16xf32>, vector<2000x16xf32> -> vector<2000x16xf32>
    %get3A_52 = arith.constant 0 : index
    %get3A_53 = arith.constant 0 : index
    %get3A_54 = vector.load %arg7[%get3A_52, %get3A_53] : memref<1x16xf32, #tpu.memory_space<vmem>>, vector<1x16xf32>
    %mul3A = vector.broadcast %convert_element_type3A_25 : vector<2000x1xf32> to vector<2000x16xf32>
    %mul3A_55 = vector.broadcast %get3A_54 : vector<1x16xf32> to vector<2000x16xf32>
    %mul3A_56 = arith.mulf %mul3A, %mul3A_55 : vector<2000x16xf32>
    %add3A_57 = arith.addf %dot_general3A_51, %mul3A_56 : vector<2000x16xf32>
    %get3A_58 = arith.constant 0 : index
    %get3A_59 = arith.constant 0 : index
    %get3A_60 = vector.load %arg6[%get3A_58, %get3A_59] : memref<8x16xf32, #tpu.memory_space<vmem>>, vector<8x16xf32>
    %dot_general3A_61 = arith.constant dense<0.000000e+00> : vector<2000x16xf32>
    %dot_general3A_62 = tpu.matmul %get3A_28, %get3A_60, %dot_general3A_61 {dimension_numbers = #tpu.dot_dimension_numbers<[1], [0], [0], [1], [0, 0, 1, 1], [], []>, transpose_lhs_hint = false} : vector<2000x8xf32>, vector<8x16xf32>, vector<2000x16xf32> -> vector<2000x16xf32>
    %add3A_63 = arith.addf %add3A_57, %dot_general3A_62 : vector<2000x16xf32>
    %get3A_64 = arith.constant 0 : index
    %get3A_65 = arith.constant 0 : index
    %get3A_66 = vector.load %arg8[%get3A_64, %get3A_65] : memref<16x8xf32, #tpu.memory_space<vmem>>, vector<16x8xf32>
    %dot_general3A_67 = arith.constant dense<0.000000e+00> : vector<2000x8xf32>
    %dot_general3A_68 = tpu.matmul %add3A_63, %get3A_66, %dot_general3A_67 {dimension_numbers = #tpu.dot_dimension_numbers<[1], [0], [0], [1], [0, 0, 1, 1], [], []>, transpose_lhs_hint = false} : vector<2000x16xf32>, vector<16x8xf32>, vector<2000x8xf32> -> vector<2000x8xf32>
    %get3A_69 = arith.constant 0 : index
    %get3A_70 = arith.constant 0 : index
    %get3A_71 = vector.load %arg10[%get3A_69, %get3A_70] : memref<1x8xf32, #tpu.memory_space<vmem>>, vector<1x8xf32>
    %add3A_72 = vector.broadcast %get3A_71 : vector<1x8xf32> to vector<2000x8xf32>
    %add3A_73 = arith.addf %dot_general3A_68, %add3A_72 : vector<2000x8xf32>
    %get3A_74 = arith.constant 0 : index
    %get3A_75 = arith.constant 0 : index
    %get3A_76 = vector.load %arg9[%get3A_74, %get3A_75] : memref<16x8xf32, #tpu.memory_space<vmem>>, vector<16x8xf32>
    %dot_general3A_77 = arith.constant dense<0.000000e+00> : vector<2000x8xf32>
    %dot_general3A_78 = tpu.matmul %add3A_46, %get3A_76, %dot_general3A_77 {dimension_numbers = #tpu.dot_dimension_numbers<[1], [0], [0], [1], [0, 0, 1, 1], [], []>, transpose_lhs_hint = false} : vector<2000x16xf32>, vector<16x8xf32>, vector<2000x8xf32> -> vector<2000x8xf32>
    %add3A_79 = arith.addf %add3A_73, %dot_general3A_78 : vector<2000x8xf32>
    %swap3A = arith.constant 0 : index
    %swap3A_80 = arith.constant 0 : index
    %swap3A_81 = vector.load %arg11[%swap3A, %swap3A_80] : memref<2000x8xf32, #tpu.memory_space<vmem>>, vector<2000x8xf32>
    tpu.vector_store %arg11[%swap3A, %swap3A_80], %add3A_79 {strides = array<i32>} : memref<2000x8xf32, #tpu.memory_space<vmem>>, vector<2000x8xf32>,
    return
  }
  func.func @transform_0(%arg0: i32) -> (i32, i32) {
    %c0_i32 = arith.constant 0 : i32
    %c0_i32_0 = arith.constant 0 : i32
    return %arg0, %c0_i32 : i32, i32
  }
  func.func @transform_1(%arg0: i32) -> (i32, i32) {
    %c0_i32 = arith.constant 0 : i32
    %c0_i32_0 = arith.constant 0 : i32
    return %arg0, %c0_i32 : i32, i32
  }
  func.func @transform_2(%arg0: i32) -> (i32, i32, i32) {
    %c0_i32 = arith.constant 0 : i32
    %c0_i32_0 = arith.constant 0 : i32
    %c0_i32_1 = arith.constant 0 : i32
    return %c0_i32, %arg0, %c0_i32_0 : i32, i32, i32
  }
  func.func @transform_3(%arg0: i32) -> (i32, i32, i32) {
    %c0_i32 = arith.constant 0 : i32
    %c0_i32_0 = arith.constant 0 : i32
    %c0_i32_1 = arith.constant 0 : i32
    return %c0_i32, %arg0, %c0_i32_0 : i32, i32, i32
  }
  func.func @transform_4(%arg0: i32) -> (i32, i32) {
    %c0_i32 = arith.constant 0 : i32
    %c0_i32_0 = arith.constant 0 : i32
    %c0_i32_1 = arith.constant 0 : i32
    return %c0_i32, %c0_i32_0 : i32, i32
  }
  func.func @transform_5(%arg0: i32) -> (i32, i32) {
    %c0_i32 = arith.constant 0 : i32
    %c0_i32_0 = arith.constant 0 : i32
    %c0_i32_1 = arith.constant 0 : i32
    return %c0_i32, %c0_i32_0 : i32, i32
  }
  func.func @transform_6(%arg0: i32) -> (i32, i32) {
    %c0_i32 = arith.constant 0 : i32
    %c0_i32_0 = arith.constant 0 : i32
    %c0_i32_1 = arith.constant 0 : i32
    return %c0_i32, %c0_i32_0 : i32, i32
  }
  func.func @transform_7(%arg0: i32) -> (i32, i32) {
    %c0_i32 = arith.constant 0 : i32
    %c0_i32_0 = arith.constant 0 : i32
    %c0_i32_1 = arith.constant 0 : i32
    return %c0_i32, %c0_i32_0 : i32, i32
  }
  func.func @transform_8(%arg0: i32) -> (i32, i32) {
    %c0_i32 = arith.constant 0 : i32
    %c0_i32_0 = arith.constant 0 : i32
    %c0_i32_1 = arith.constant 0 : i32
    return %c0_i32, %c0_i32_0 : i32, i32
  }
  func.func @transform_9(%arg0: i32) -> (i32, i32) {
    %c0_i32 = arith.constant 0 : i32
    %c0_i32_0 = arith.constant 0 : i32
    %c0_i32_1 = arith.constant 0 : i32
    return %c0_i32, %c0_i32_0 : i32, i32
  }
  func.func @transform_10(%arg0: i32) -> (i32, i32) {
    %c0_i32 = arith.constant 0 : i32
    %c0_i32_0 = arith.constant 0 : i32
    return %arg0, %c0_i32 : i32, i32
  }
}

</mosaic_0001>

<sc_bundles>
// kernel: kernel.6.cloned.1.call-start
scs
__scs_entry_jumppad:
0x0: {  	(pc) =	sbr.rel $0x88, $3  }
0x1: {  	(tag) =	ssettag $0x0;
	lr =	simm.s32 $0x1  }
0x2: {  	[smem:$0x3F99] =	sst lr;
	_ =	strace $0xD0000000  }
0x3: {  	_ = 	snop  }
0x4: {  	_ = 	snop  }
0x5: {  	_ = 	snop  }
0x6: {  	_ = 	snop  }
0x7: {  	_ = 	snop  }
__scs_overlays_trampoline_lowered:
0x8: {  	[smem:$0x3FA8] =	sst s0  }
0x9: {  	[smem:$0x3FA9] =	sst s1  }
0xa: {  	[smem:$0x3FAA] =	sst s2  }
0xb: {  	[smem:$0x3FAB] =	sst s3  }
0xc: {  	[smem:$0x3FAC] =	sst s4  }
0xd: {  	[smem:$0x3FAD] =	sst s5  }
0xe: {  	[smem:$0x3FAE] =	sst s6  }
0xf: {  	[smem:$0x3FAF] =	sst s7  }
0x10: {  	[smem:$0x3FB0] =	sst s8  }
0x11: {  	[smem:$0x3FB1] =	sst s9;
	s0 =	simm.s32 @!p0 $0x0  }
0x12: {  	s1 =	sld [smem:$0x3F97];
	s0 =	simm.s32 @p0 $0x1  }
0x13: {  	[smem:$0x3FB2] =	sst s0;
	s0 =	simm.s32 @!p1 $0x0  }
0x14: {  	s2 =	sld [smem:$0x3F96];
	s0 =	simm.s32 @p1 $0x1  }
0x15: {  	[smem:$0x3FB3] =	sst s0;
	s0 =	simm.s32 @!p2 $0x0  }
0x16: {  	s3 =	sld [smem:$0x3FDB];
	s0 =	simm.s32 @p2 $0x1  }
0x17: {  	s4 =	simm.s32 $0x1BF5;
	[smem:$0x3FB5] =	sst s0  }
0x18: {  	s0 =	sld [smem:$0x3F98];
	_ =	swait.ge [sflag:s4], $0x0  }
0x19: {  	s7 =	sld [smem:$0x3F99]  }
0x1a: {  	s8 =	sadd.s32 $0xFFFFE003, lr  }
0x1b: {  	s9 =	sadd.s32 $0xFFFFFEF7, lr;
	s5 =	simm.s32 $0xFFFFFFFF;
	p2 =	slt.u32 s8, $0xFFFFF086  }
0x1c: {  	p1 =	slt.u32 s9, $0xF7A;
	s5 =	simm.s32 @!p2 $0x0  }
0x1d: {  	s5 =	simm.s32 @p1 $0x1;
	p0 =	seq.s32 s7, s2  }
0x1e: {  	s7 =	smul.u32 @!p0 $0xF7A, s2;
	p2 =	seq.s32 @!p0 s5, $0x0  }
0x1f: {  	s9 =	smul.u32 $0xF7A, s1;
	s8 =	simm.s32 @!p0 $0x1BF5;
	p2 =	por !p2, p0  }
0x20: {  	[sflag:s8] =	ssyncset.s32 @!p0 $0xFFFFF086;
	s6 =	sadd.s32 @!p0 s3, s7;
	s7 =	simm.s32 @!p0 $0x108  }
0x21: {  	s3 =	sadd.s32 s3, s9;
	s6 =	sadd.s32 @!p0 $0x88, s6;
	s7 =	simm.s32 @p2 $0x1082  }
0x22: {  	[simem:s7], [sflag:s8] =	dma.local @!p0 [hbm:s6], $0xF7A  }
0x23: {  	s9 =	sor.u32 $0xD0000000, s2;
	s6 =	simm.s32 $0x108;
	_ =	swait.ge @!p0 [sflag:s8], $0x0  }
0x24: {  	s3 =	sadd.s32 $0x88, s3;
	s6 =	simm.s32 @!p1 $0x1082;
	[sflag:s4] =	ssyncset.s32 $0xFFFFF086  }
0x25: {  	[simem:s6], [sflag:s4] =	dma.local [hbm:s3], $0xF7A  }
0x26: {  	[smem:$0x3F99] =	sst s1;
	(tag) =	ssettag s2;
	_ =	strace s9  }
0x27: {  	s1 =	sld [smem:$0x3FA9]  }
0x28: {  	s2 =	sld [smem:$0x3FAA]  }
0x29: {  	s4 =	sld [smem:$0x3FAC]  }
0x2a: {  	p0 =	seq.s32 s5, $0x0;
	s5 =	sld [smem:$0x3FAD]  }
0x2b: {  	s6 =	sld [smem:$0x3FAE]  }
0x2c: {  	s7 =	sld [smem:$0x3FAF]  }
0x2d: {  	s3 =	simm.s32 $0x108;
	s8 =	sld [smem:$0x3FB0]  }
0x2e: {  	s3 =	simm.s32 @!p0 $0x1082;
	s9 =	sld [smem:$0x3FB1]  }
0x2f: {  	lr =	sadd.s32 s0, s3;
	s0 =	sld [smem:$0x3FA8]  }
0x30: {  	s3 =	sld [smem:$0x3FAB]  }
0x31: {  	[smem:$0x3FB4] =	sst s10  }
0x32: {  	s10 =	sld [smem:$0x3FB2];
	_ =	sdelay $0x3  }
0x33: {  	p0 =	seq.s32 s10, $0x1;
	s10 =	sld [smem:$0x3FB4];
	_ =	sdelay $0x3  }
0x34: {  	[smem:$0x3FB4] =	sst s10  }
0x35: {  	s10 =	sld [smem:$0x3FB3];
	_ =	sdelay $0x3  }
0x36: {  	p1 =	seq.s32 s10, $0x1;
	s10 =	sld [smem:$0x3FB4];
	_ =	sdelay $0x3  }
0x37: {  	[smem:$0x3FB4] =	sst s10  }
0x38: {  	s10 =	sld [smem:$0x3FB5]  }
0x39: {  	_ = 	snop;
	(pc) =	sbr.ind lr, $3  }
0x3a: {  	_ = 	snop  }
0x3b: {  	_ = 	snop  }
0x3c: {  	p2 =	seq.s32 s10, $0x1;
	s10 =	sld [smem:$0x3FB4]  }
0x3d: {  	_ =	shalt  }
0x3e: {  	_ =	shalt  }
0x3f: {  	_ =	shalt  }
0x40: {  	_ =	shalt  }
0x41: {  	_ =	shalt  }
0x42: {  	_ =	shalt  }
0x43: {  	_ =	shalt  }
0x44: {  	_ =	shalt  }
0x45: {  	_ =	shalt  }
0x46: {  	_ =	shalt  }
0x47: {  	_ =	shalt  }
0x48: {  	_ =	shalt  }
0x49: {  	_ =	shalt  }
0x4a: {  	_ =	shalt  }
0x4b: {  	_ =	shalt  }
0x4c: {  	_ =	shalt  }
0x4d: {  	_ =	shalt  }
0x4e: {  	_ =	shalt  }
0x4f: {  	_ =	shalt  }
0x50: {  	_ =	shalt  }
0x51: {  	_ =	shalt  }
0x52: {  	_ =	shalt  }
0x53: {  	_ =	shalt  }
0x54: {  	_ =	shalt  }
0x55: {  	_ =	shalt  }
0x56: {  	_ =	shalt  }
0x57: {  	_ =	shalt  }
0x58: {  	_ =	shalt  }
0x59: {  	_ =	shalt  }
0x5a: {  	_ =	shalt  }
0x5b: {  	_ =	shalt  }
0x5c: {  	_ =	shalt  }
0x5d: {  	_ =	shalt  }
0x5e: {  	_ =	shalt  }
0x5f: {  	_ =	shalt  }
0x60: {  	_ =	shalt  }
0x61: {  	_ =	shalt  }
0x62: {  	_ =	shalt  }
0x63: {  	_ =	shalt  }
0x64: {  	_ =	shalt  }
0x65: {  	_ =	shalt  }
0x66: {  	_ =	shalt  }
0x67: {  	_ =	shalt  }
0x68: {  	_ =	shalt  }
0x69: {  	_ =	shalt  }
0x6a: {  	_ =	shalt  }
0x6b: {  	_ =	shalt  }
0x6c: {  	_ =	shalt  }
0x6d: {  	_ =	shalt  }
0x6e: {  	_ =	shalt  }
0x6f: {  	_ =	shalt  }
0x70: {  	_ =	shalt  }
0x71: {  	_ =	shalt  }
0x72: {  	_ =	shalt  }
0x73: {  	_ =	shalt  }
0x74: {  	_ =	shalt  }
0x75: {  	_ =	shalt  }
0x76: {  	_ =	shalt  }
0x77: {  	_ =	shalt  }
0x78: {  	_ =	shalt  }
0x79: {  	_ =	shalt  }
0x7a: {  	_ =	shalt  }
0x7b: {  	_ =	shalt  }
0x7c: {  	_ =	shalt  }
0x7d: {  	_ =	shalt  }
0x7e: {  	_ =	shalt  }
0x7f: {  	_ =	shalt  }
0x80: {  	_ =	shalt  }
0x81: {  	_ =	shalt  }
0x82: {  	_ =	shalt  }
0x83: {  	_ =	shalt  }
0x84: {  	_ =	shalt  }
0x85: {  	_ =	shalt  }
0x86: {  	_ =	shalt  }
0x87: {  	_ =	shalt  }
.Lfunc_end0:
.L_simem_size_0:
called_computation_lowered:
.L_overlay_start_0:
0x88: {  	s2 =	sld [smem:$0x3FD9]  }
0x89: {  	s3 =	sld [smem:$0x3FFE];
	_ =	sdelay $0x1  }
0x8a: {  	s1 =	srdreg.scid  }
0x8b: {  	s0 =	sand.u32 $0x1, s1  }
0x8c: {  	s16 =	sshll.u32 s0, $0xA;
	s2 =	sadd.s32 s3, s2  }
0x8d: {  	s2 =	sadd.s32 s2, s16  }
0x8e: {  	[smem:$0x3FC0] =	sst s2  }
0x8f: {  	_ = 	snop  }
0x90: {  	(tm) =	ssettm $0x1  }
0x91: {  	s17 =	sld [smem:$0x3FFB];
	_ =	sdelay $0x3  }
0x92: {  	_ =	strace s17  }
0x93: {  	s2 =	sld [smem:$0x3FFC];
	_ =	sdelay $0x3  }
0x94: {  	_ =	strace s2  }
0x95: {  	s2 =	sld [smem:$0x3FFD];
	_ =	sdelay $0x3  }
0x96: {  	_ =	strace s2  }
0x97: {  	_ =	strace $0x8FFFFFFF  }
0x98: {  	s18 =	sld [smem:$0x3FDB];
	_ =	sdelay $0x1  }
0x99: {  	s19 =	simm.s32 $_scs_section_size  }
0x9a: {  	s4 =	simm.s32 $_size__tile_overlayer_lowered;
	s5 =	simm.s32 $_tile_overlayer_lowered  }
0x9b: {  	s22 =	simm.s32 $0x1BFF;
	s21 =	sshll.u32 s5, $0x1;
	s2 =	sadd.s32 s19, s18  }
0x9c: {  	s6 =	simm.s32 $0x0;
	s20 =	sshll.u32 s4, $0x1;
	s4 =	sadd.s32 s21, s2  }
0x9d: {  	[timem:s6], [sflag:s22] =	dma.local [hbm:s4], s20  }
0x9e: {  	_ =	swait.ge [sflag:s22], s20  }
0x9f: {  	s3 =	ssub.s32 $0x0, s20;
	[sflag:s22] =	ssyncset.done $0x0  }
0xa0: {  	[sflag:s22] =	ssyncadd.s32 s3;
	_ =	sdelay $0x1  }
0xa1: {  	s23 =	simm.s32 $0x1B8B  }
0xa2: {  	_ =	swait.ge [sflag:s23], $0x1  }
0xa3: {  	[sflag:s23] =	ssyncset.done $0x0  }
0xa4: {  	s25 =	simm.s32 $0x1B8E;
	s24 =	sld [smem:$0x3FFE];
	[sflag:s23] =	ssyncadd.s32 $0xFFFFFFFF  }
0xa5: {  	s26 =	simm.s32 $execute0_lowered;
	[smem:$0x3FD2] =	sst s25  }
0xa6: {  	s4 =	sshll.u32 s26, $0x1;
	_ =	strace $0x80000046;
	[dreg:$0x1] =	wrdreg $0xFFFFFFFF  }
0xa7: {  	s28 =	simm.s32 $_size_execute0_lowered;
	s2 =	sadd.s32 s2, s4;
	[dreg:$0x0] =	wrdreg $0x0  }
0xa8: {  	s4 =	sshll.u32 s28, $0x1;
	[dreg:$0x2] =	wrdreg s2  }
0xa9: {  	[dreg:$0x3] =	wrdreg s4  }
0xaa: {  	[dreg:$0x4] =	wrdreg $0xC0  }
0xab: {  	_ =	task [dreg:s6], $0x5FFFF  }
0xac: {  	[dreg:$0x1] =	wrdreg $0xFFFFFFFF  }
0xad: {  	[dreg:$0x0] =	wrdreg $0x60  }
0xae: {  	[dreg:$0x2] =	wrdreg s24  }
0xaf: {  	[dreg:$0x3] =	wrdreg $0x0  }
0xb0: {  	[dreg:$0x4] =	wrdreg $0x9  }
0xb1: {  	_ =	task.clear_ibuf [dreg:s6], $0x5FFFF;
	_ =	strace $0x90000046  }
0xb2: {  	s29 =	simm.s32 $0x9;
	_ =	strace $0x80000048  }
0xb3: {  	_ =	swait.ge [sflag:s29], $0x1  }
0xb4: {  	[sflag:s29] =	ssyncadd.s32 $0xFFFFFFFF  }
0xb5: {  	_ =	strace $0x90000048  }
0xb6: {  	_ =	sfence  }
0xb7: {  	s30 =	sld [smem:$0x0];
	_ =	sdelay $0x2  }
0xb8: {  	s31 =	sshll.u32 s1, $0xD;
	s1 =	sshrl.u32 s1, $0x2  }
0xb9: {  	s3 =	sand.u32 $0x4000, s31;
	s1 =	sadd.s32 s1, s30  }
0xba: {  	s0 =	sor.u32 s3, s0;
	s1 =	sshll.u32 s1, $0x11  }
0xbb: {  	s0 =	sor.u32 s1, s0  }
0xbc: {  	s0 =	sadd.s32 $0x8F2B, s0  }
0xbd: {  	[sflag:s0] =	ssyncadd.remote.s32 $0x1  }
0xbe: {  	_ =	sfence.sel $0xFFFF  }
0xbf: {  	[dreg:$0x0] =	wrdreg $0xFFFFFFFF;
	(pc) =	sbr.abs _section_cstart, $3  }
0xc0: {  	[dreg:$0x1] =	wrdreg $0xFFFFFFFF  }
0xc1: {  	_ =	task.clear_ibuf [dreg:s6], $0x2FFFF;
	_ =	strace $0x9FFFFFFF  }
0xc2: {  	(tm) =	ssettm $0x7FFFFFFF  }
0xc3: {  	_ =	shalt  }
tec
execute0_lowered:
.L_overlay_start_1:
0x0: {  	(tag) =	ssettag $0x1  }
0x1: {  	s0 =	rddreg [dreg:$0x0];
	s2 =	srdreg.scid  }
0x2: {  	s1 =	rddreg [dreg:$0x1];
	s3 =	simm.s32 $0x0;
	s9 =	stileid.u32  }
0x3: {  	s10 =	simm.s32 $0x18980;
	s11 =	simm.s32 $0x18A00;
	s12 =	simm.s32 $0x18A80  }
0x4: {  	s13 =	simm.s32 $0x18B80;
	s14 =	simm.s32 $0x18C00;
	s15 =	simm.s32 $0x18C80  }
0x5: {  	s16 =	simm.s32 $0x18D00;
	s17 =	simm.s32 $0x18D80;
	s18 =	simm.s32 $0x18E80  }
0x6: {  	s19 =	simm.s32 $0x18F00;
	s20 =	simm.s32 $0x18F80;
	[smem:$0x7FF] =	sst s3  }
0x7: {  	s21 =	simm.s32 $0x19000;
	_ =	strace $0x80000047;
	[dreg:$0x7] =	wrdreg s10  }
0x8: {  	s22 =	simm.s32 $0x19080;
	s28 =	simm.s32 $0x1E400;
	[dreg:$0x8] =	wrdreg s11  }
0x9: {  	s29 =	simm.s32 $0x1EC00;
	s6 =	smul.u32 $0x18800, s9;
	[dreg:$0x9] =	wrdreg s12  }
0xa: {  	s30 =	simm.s32 $0x19300;
	s8 =	smul.u32 $0x6300, s9;
	[dreg:$0xa] =	wrdreg s13  }
0xb: {  	s2 =	sand.u32 $0x1, s2;
	s26 =	smul.u32 $0x62000, s9;
	[dreg:$0xb] =	wrdreg s14  }
0xc: {  	s31 =	simm.s32 $0x19380;
	s4 =	smul.u32 $0x63000, s2;
	[dreg:$0xc] =	wrdreg s15  }
0xd: {  	s5 =	smul.u32 $0x188000, s2;
	s2 =	ssub.s32 $0x2, s2;
	[dreg:$0xd] =	wrdreg s16  }
0xe: {  	s10 =	simm.s32 $0x18800;
	s11 =	simm.s32 $0x18B00;
	[dreg:$0xe] =	wrdreg s17  }
0xf: {  	s12 =	simm.s32 $0x80;
	s13 =	simm.s32 $0x19400;
	[dreg:$0xf] =	wrdreg s18  }
0x10: {  	s14 =	simm.s32 $0x19C00;
	s15 =	simm.s32 $0x1A400;
	[dreg:$0x10] =	wrdreg s19  }
0x11: {  	s16 =	simm.s32 $0x1AC00;
	s17 =	simm.s32 $0x1B400;
	[dreg:$0x11] =	wrdreg s20  }
0x12: {  	s18 =	simm.s32 $0x1BC00;
	[dreg:$0x12] =	wrdreg s21;
	s19 =	simm.s32 $0x18E00  }
0x13: {  	[dreg:$0x13] =	wrdreg s22;
	s20 =	simm.s32 $0x19100;
	s21 =	simm.s32 $0x1  }
0x14: {  	s22 =	simm.s32 $0x1C400;
	s23 =	sshrl.u32 s2, $0x1;
	s9 =	sshrl.u32 s26, $0x2  }
0x15: {  	s7 =	sadd.s32 s4, s0;
	s5 =	sadd.s32 s6, s5;
	s4 =	sadd.s32 $0x188200, s0  }
0x16: {  	s2 =	ssub.s32 s2, s23;
	s23 =	simm.s32 $0x19180;
	s5 =	sshrl.u32 s5, $0x3  }
0x17: {  	s7 =	sadd.s32 s8, s7;
	s2 =	smax.u32 s2, $0x1;
	[dreg:$0x14] =	wrdreg s23  }
0x18: {  	s8 =	simm.s32 $0x18900;
	s23 =	simm.s32 $0x1CC00;
	[dreg:$0x18] =	wrdreg s2  }
0x19: {  	s0 =	sadd.s32 s5, s0;
	s24 =	sadd.s32 $0x1800, s7;
	[dreg:$0x6] =	wrdreg s8  }
0x1a: {  	s5 =	sadd.s32 s6, s1;
	s25 =	sadd.s32 $0x1B9000, s7;
	[dreg:$0x3] =	wrdreg s24  }
0x1b: {  	s7 =	simm.s32 $0x18880;
	s2 =	simm.s32 $0x1F400;
	[dreg:$0x4] =	wrdreg s25  }
0x1c: {  	s0 =	sadd.s32 $0xC7800, s0;
	[dreg:$0x5] =	wrdreg s7;
	s7 =	sadd.s32 s9, s1  }
0x1d: {  	s9 =	simm.s32 $0x3;
	s24 =	simm.s32 $0x19200;
	[dreg:$0x17] =	wrdreg s0  }
0x1e: {  	s25 =	simm.s32 $0x19280;
	s26 =	sshrl.u32 s5, $0x3;
	[dreg:$0x15] =	wrdreg s24  }
0x1f: {  	s5 =	simm.s32 $0x0;
	[dreg:$0x16] =	wrdreg s25;
	s24 =	simm.s32 $0x1D400  }
0x20: {  	v0 =	vimm.f32 $0.0e+00;
	[dreg:$0x19] =	wrdreg s26;
	s26 =	simm.s32 $0x1DC00;
	s0 =	simm.s32 $0x2  }
.LBB2_1:
0x21: {  	[dreg:$0x1a] =	wrdreg s5;
	s5 =	simm.s32 $0x0  }
.LBB2_2:
0x22: {  	p0 =	sne.s32 s5, $0x1BC0  }
.Ltmp0:
0x23: {  	_ = 	snop;
	(pc) =	sbr.rel @p0 .LBB2_2-.Ltmp0, $3  }
0x24: {  	_ =	sdelay $0x1  }
0x25: {  	s6 =	sshra.s32 s5, $0x2  }
0x26: {  	s5 =	sadd.s32 $0x40, s5;
	[tilespmem:s6+$0x1F400] =	vst v0  }
0x27: {  	s5 =	sadd.s32 $0x0, s7  }
0x28: {  	[spmem:s5] =	stream.linear.scatter [tilespmem:s2], [sflag:$0x3], $0x700, $0x38;
	[tilespmem:$0x1FB00] =	vst v63  }
0x29: {  	s5 =	simm.s32 $0x1C00;
	_ =	swait.ge [sflag:s9], $0x700  }
.LBB2_4:
0x2a: {  	s6 =	sshra.s32 s5, $0x2;
	[sflag:s9] =	ssyncset.done $0x0;
	p0 =	sne.s32 s5, $0x60400  }
.Ltmp1:
0x2b: {  	s6 =	sadd.s32 s6, s7;
	[sflag:s9] =	ssyncadd.s32 $0xFFFFF900;
	(pc) =	sbr.rel @p0 .LBB2_4-.Ltmp1, $3  }
0x2c: {  	[spmem:s6] =	stream.linear.scatter [tilespmem:s2], [sflag:$0x3], $0x700, $0x38;
	[tilespmem:$0x1FB00] =	vst v63  }
0x2d: {  	s5 =	sadd.s32 $0x1C00, s5;
	_ =	sdelay $0x1  }
0x2e: {  	_ =	swait.ge [sflag:s9], $0x700  }
0x2f: {  	[sflag:s9] =	ssyncset.done $0x0  }
0x30: {  	[sflag:s9] =	ssyncadd.s32 $0xFFFFF900  }
0x31: {  	[bflag:$0x0] =	sbarrier.arrive $0xFFFF  }
0x32: {  	s5 =	rddreg [dreg:$0x3]  }
0x33: {  	s5 =	sadd.s32 $0x0, s5  }
0x34: {  	[tilespmem:s10], [sflag:$0x3] =	stream.linear.gather [hbm4b:s5+s3], $0x300, $0x38;
	[tilespmem:$0x1FB00] =	vst v63  }
0x35: {  	_ =	swait.ge [sflag:s9], $0x300  }
0x36: {  	s6 =	rddreg [dreg:$0x4];
	[sflag:s9] =	ssyncset.done $0x0  }
0x37: {  	[sflag:s9] =	ssyncadd.s32 $0xFFFFFD00;
	s6 =	sadd.s32 $0x0, s6  }
0x38: {  	[tilespmem:s11], [sflag:$0x3] =	stream.linear.gather [hbm4b:s6+s3], $0x300, $0x38;
	[tilespmem:$0x1FB00] =	vst v63  }
0x39: {  	_ =	swait.ge [sflag:s9], $0x300  }
0x3a: {  	[sflag:s9] =	ssyncset.done $0x0  }
0x3b: {  	[sflag:s9] =	ssyncadd.s32 $0xFFFFFD00  }
0x3c: {  	[tilespmem:s13], [sflag:$0x1] =	stream.indirect.gather [hbm4b:s4+s12], $0x10, s10, s12, $0xb8;
	[tilespmem:$0x1FB00] =	vst v63  }
0x3d: {  	s25 =	rddreg [dreg:$0x5]  }
0x3e: {  	[tilespmem:s14], [sflag:$0x1] =	stream.indirect.gather [hbm4b:s4+s12], $0x10, s25, s12, $0xb8;
	[tilespmem:$0x1FB00] =	vst v63  }
0x3f: {  	s2 =	rddreg [dreg:$0x6]  }
0x40: {  	[tilespmem:s15], [sflag:$0x1] =	stream.indirect.gather [hbm4b:s4+s12], $0x10, s2, s12, $0xb8;
	[tilespmem:$0x1FB00] =	vst v63  }
0x41: {  	s8 =	rddreg [dreg:$0x7]  }
0x42: {  	[tilespmem:s16], [sflag:$0x1] =	stream.indirect.gather [hbm4b:s4+s12], $0x10, s8, s12, $0xb8;
	[tilespmem:$0x1FB00] =	vst v63  }
0x43: {  	s2 =	rddreg [dreg:$0x8]  }
0x44: {  	[tilespmem:s17], [sflag:$0x1] =	stream.indirect.gather [hbm4b:s4+s12], $0x10, s2, s12, $0xb8;
	[tilespmem:$0x1FB00] =	vst v63  }
0x45: {  	s8 =	rddreg [dreg:$0x9]  }
0x46: {  	[tilespmem:s18], [sflag:$0x1] =	stream.indirect.gather [hbm4b:s4+s12], $0x10, s8, s12, $0xb8;
	[tilespmem:$0x1FB00] =	vst v63  }
0x47: {  	s8 =	sadd.s32 $0x60, s5  }
0x48: {  	[tilespmem:s19], [sflag:$0x3] =	stream.linear.gather [hbm4b:s8+s3], $0x300, $0x38;
	[tilespmem:$0x1FB00] =	vst v63  }
0x49: {  	_ =	swait.ge [sflag:s9], $0x300  }
0x4a: {  	[sflag:s9] =	ssyncset.done $0x0  }
0x4b: {  	s25 =	sadd.s32 $0x60, s6;
	[sflag:s9] =	ssyncadd.s32 $0xFFFFFD00  }
0x4c: {  	[tilespmem:s20], [sflag:$0x3] =	stream.linear.gather [hbm4b:s25+s3], $0x300, $0x38;
	[tilespmem:$0x1FB00] =	vst v63  }
0x4d: {  	_ =	swait.ge [sflag:s9], $0x300  }
0x4e: {  	[sflag:s9] =	ssyncset.done $0x0  }
0x4f: {  	[sflag:s9] =	ssyncadd.s32 $0xFFFFFD00  }
0x50: {  	_ =	swait.ge [sflag:s21], $0x800  }
0x51: {  	[sflag:s21] =	ssyncset.done $0x0  }
0x52: {  	[sflag:s21] =	ssyncadd.s32 $0xFFFFF800  }
0x53: {  	_ =	swait.ge [sflag:s21], $0x800  }
0x54: {  	[sflag:s21] =	ssyncset.done $0x0  }
0x55: {  	[sflag:s21] =	ssyncadd.s32 $0xFFFFF800  }
0x56: {  	_ =	swait.ge [sflag:s21], $0x800  }
0x57: {  	[sflag:s21] =	ssyncset.done $0x0  }
0x58: {  	[sflag:s21] =	ssyncadd.s32 $0xFFFFF800  }
0x59: {  	_ =	swait.ge [sflag:s21], $0x800  }
0x5a: {  	[sflag:s21] =	ssyncset.done $0x0  }
0x5b: {  	[sflag:s21] =	ssyncadd.s32 $0xFFFFF800  }
0x5c: {  	_ =	swait.ge [sflag:s21], $0x800  }
0x5d: {  	[sflag:s21] =	ssyncset.done $0x0  }
0x5e: {  	[sflag:s21] =	ssyncadd.s32 $0xFFFFF800  }
0x5f: {  	_ =	swait.ge [sflag:s21], $0x800  }
0x60: {  	[sflag:s21] =	ssyncset.done $0x0  }
0x61: {  	[sflag:s21] =	ssyncadd.s32 $0xFFFFF800  }
0x62: {  	[spmem:s1] =	stream.indirect.scatter.add.f32 [tilespmem:s13], [sflag:$0x2], $0x10, s11, s12, $0xb8;
	[tilespmem:$0x1FB00] =	vst v63  }
0x63: {  	s5 =	rddreg [dreg:$0xa]  }
0x64: {  	[spmem:s1] =	stream.indirect.scatter.add.f32 [tilespmem:s14], [sflag:$0x2], $0x10, s5, s12, $0xb8;
	[tilespmem:$0x1FB00] =	vst v63  }
0x65: {  	s6 =	rddreg [dreg:$0xb]  }
0x66: {  	[spmem:s1] =	stream.indirect.scatter.add.f32 [tilespmem:s15], [sflag:$0x2], $0x10, s6, s12, $0xb8;
	[tilespmem:$0x1FB00] =	vst v63  }
0x67: {  	s8 =	rddreg [dreg:$0xc]  }
0x68: {  	[spmem:s1] =	stream.indirect.scatter.add.f32 [tilespmem:s16], [sflag:$0x2], $0x10, s8, s12, $0xb8;
	[tilespmem:$0x1FB00] =	vst v63  }
0x69: {  	s25 =	rddreg [dreg:$0xd]  }
0x6a: {  	[spmem:s1] =	stream.indirect.scatter.add.f32 [tilespmem:s17], [sflag:$0x2], $0x10, s25, s12, $0xb8;
	[tilespmem:$0x1FB00] =	vst v63  }
0x6b: {  	s6 =	rddreg [dreg:$0xe]  }
0x6c: {  	[spmem:s1] =	stream.indirect.scatter.add.f32 [tilespmem:s18], [sflag:$0x2], $0x10, s6, s12, $0xb8;
	[tilespmem:$0x1FB00] =	vst v63  }
0x6d: {  	_ = 	snop  }
0x6e: {  	[tilespmem:s22], [sflag:$0x1] =	stream.indirect.gather [hbm4b:s4+s12], $0x10, s19, s12, $0xb8;
	[tilespmem:$0x1FB00] =	vst v63  }
0x6f: {  	s8 =	rddreg [dreg:$0xf]  }
0x70: {  	[tilespmem:s23], [sflag:$0x1] =	stream.indirect.gather [hbm4b:s4+s12], $0x10, s8, s12, $0xb8;
	[tilespmem:$0x1FB00] =	vst v63  }
0x71: {  	s25 =	rddreg [dreg:$0x10]  }
0x72: {  	[tilespmem:s24], [sflag:$0x1] =	stream.indirect.gather [hbm4b:s4+s12], $0x10, s25, s12, $0xb8;
	[tilespmem:$0x1FB00] =	vst v63  }
0x73: {  	s6 =	rddreg [dreg:$0x11]  }
0x74: {  	[tilespmem:s26], [sflag:$0x1] =	stream.indirect.gather [hbm4b:s4+s12], $0x10, s6, s12, $0xb8;
	[tilespmem:$0x1FB00] =	vst v63  }
0x75: {  	s8 =	rddreg [dreg:$0x12]  }
0x76: {  	[tilespmem:s28], [sflag:$0x1] =	stream.indirect.gather [hbm4b:s4+s12], $0x10, s8, s12, $0xb8;
	[tilespmem:$0x1FB00] =	vst v63  }
0x77: {  	s25 =	rddreg [dreg:$0x13]  }
0x78: {  	[tilespmem:s29], [sflag:$0x1] =	stream.indirect.gather [hbm4b:s4+s12], $0x10, s25, s12, $0xb8;
	[tilespmem:$0x1FB00] =	vst v63  }
0x79: {  	_ =	swait.ge [sflag:s21], $0x800  }
0x7a: {  	[sflag:s21] =	ssyncset.done $0x0  }
0x7b: {  	[sflag:s21] =	ssyncadd.s32 $0xFFFFF800  }
0x7c: {  	_ =	swait.ge [sflag:s21], $0x800  }
0x7d: {  	[sflag:s21] =	ssyncset.done $0x0  }
0x7e: {  	[sflag:s21] =	ssyncadd.s32 $0xFFFFF800  }
0x7f: {  	_ =	swait.ge [sflag:s21], $0x800  }
0x80: {  	[sflag:s21] =	ssyncset.done $0x0  }
0x81: {  	[sflag:s21] =	ssyncadd.s32 $0xFFFFF800  }
0x82: {  	_ =	swait.ge [sflag:s21], $0x800  }
0x83: {  	[sflag:s21] =	ssyncset.done $0x0  }
0x84: {  	[sflag:s21] =	ssyncadd.s32 $0xFFFFF800  }
0x85: {  	_ =	swait.ge [sflag:s21], $0x800  }
0x86: {  	[sflag:s21] =	ssyncset.done $0x0  }
0x87: {  	[sflag:s21] =	ssyncadd.s32 $0xFFFFF800  }
0x88: {  	_ =	swait.ge [sflag:s21], $0x800  }
0x89: {  	[sflag:s21] =	ssyncset.done $0x0  }
0x8a: {  	[sflag:s21] =	ssyncadd.s32 $0xFFFFF800  }
0x8b: {  	[spmem:s1] =	stream.indirect.scatter.add.f32 [tilespmem:s22], [sflag:$0x2], $0x10, s20, s12, $0xb8;
	[tilespmem:$0x1FB00] =	vst v63  }
0x8c: {  	s6 =	rddreg [dreg:$0x14]  }
0x8d: {  	[spmem:s1] =	stream.indirect.scatter.add.f32 [tilespmem:s23], [sflag:$0x2], $0x10, s6, s12, $0xb8;
	[tilespmem:$0x1FB00] =	vst v63  }
0x8e: {  	s8 =	rddreg [dreg:$0x15]  }
0x8f: {  	[spmem:s1] =	stream.indirect.scatter.add.f32 [tilespmem:s24], [sflag:$0x2], $0x10, s8, s12, $0xb8;
	[tilespmem:$0x1FB00] =	vst v63  }
0x90: {  	s25 =	rddreg [dreg:$0x16]  }
0x91: {  	[spmem:s1] =	stream.indirect.scatter.add.f32 [tilespmem:s26], [sflag:$0x2], $0x10, s25, s12, $0xb8;
	[tilespmem:$0x1FB00] =	vst v63  }
0x92: {  	_ = 	snop  }
0x93: {  	[spmem:s1] =	stream.indirect.scatter.add.f32 [tilespmem:s28], [sflag:$0x2], $0x10, s30, s12, $0xb8;
	[tilespmem:$0x1FB00] =	vst v63  }
0x94: {  	_ = 	snop  }
0x95: {  	[spmem:s1] =	stream.indirect.scatter.add.f32 [tilespmem:s29], [sflag:$0x2], $0x10, s31, s12, $0xb8;
	[tilespmem:$0x1FB00] =	vst v63  }
0x96: {  	_ =	swait.ge [sflag:s0], $0x800  }
0x97: {  	[sflag:s0] =	ssyncset.done $0x0  }
0x98: {  	[sflag:s0] =	ssyncadd.s32 $0xFFFFF800  }
0x99: {  	_ =	swait.ge [sflag:s0], $0x800  }
0x9a: {  	[sflag:s0] =	ssyncset.done $0x0  }
0x9b: {  	[sflag:s0] =	ssyncadd.s32 $0xFFFFF800  }
0x9c: {  	_ =	swait.ge [sflag:s0], $0x800  }
0x9d: {  	[sflag:s0] =	ssyncset.done $0x0  }
0x9e: {  	[sflag:s0] =	ssyncadd.s32 $0xFFFFF800  }
0x9f: {  	_ =	swait.ge [sflag:s0], $0x800  }
0xa0: {  	[sflag:s0] =	ssyncset.done $0x0  }
0xa1: {  	[sflag:s0] =	ssyncadd.s32 $0xFFFFF800  }
0xa2: {  	_ =	swait.ge [sflag:s0], $0x800  }
0xa3: {  	[sflag:s0] =	ssyncset.done $0x0  }
0xa4: {  	[sflag:s0] =	ssyncadd.s32 $0xFFFFF800  }
0xa5: {  	_ =	swait.ge [sflag:s0], $0x800  }
0xa6: {  	[sflag:s0] =	ssyncset.done $0x0  }
0xa7: {  	[sflag:s0] =	ssyncadd.s32 $0xFFFFF800  }
0xa8: {  	_ =	swait.ge [sflag:s0], $0x800  }
0xa9: {  	[sflag:s0] =	ssyncset.done $0x0  }
0xaa: {  	[sflag:s0] =	ssyncadd.s32 $0xFFFFF800  }
0xab: {  	_ =	swait.ge [sflag:s0], $0x800  }
0xac: {  	[sflag:s0] =	ssyncset.done $0x0  }
0xad: {  	[sflag:s0] =	ssyncadd.s32 $0xFFFFF800  }
0xae: {  	_ =	swait.ge [sflag:s0], $0x800  }
0xaf: {  	[sflag:s0] =	ssyncset.done $0x0  }
0xb0: {  	[sflag:s0] =	ssyncadd.s32 $0xFFFFF800  }
0xb1: {  	_ =	swait.ge [sflag:s0], $0x800  }
0xb2: {  	[sflag:s0] =	ssyncset.done $0x0  }
0xb3: {  	[sflag:s0] =	ssyncadd.s32 $0xFFFFF800  }
0xb4: {  	_ =	swait.ge [sflag:s0], $0x800  }
0xb5: {  	[sflag:s0] =	ssyncset.done $0x0  }
0xb6: {  	[sflag:s0] =	ssyncadd.s32 $0xFFFFF800  }
0xb7: {  	s5 =	simm.s32 $0xC0;
	_ =	swait.ge [sflag:s0], $0x800  }
0xb8: {  	s6 =	simm.s32 $0x180;
	s25 =	rddreg [dreg:$0x3];
	[sflag:s0] =	ssyncset.done $0x0  }
.LBB2_6:
0xb9: {  	[sflag:s0] =	ssyncadd.s32 $0xFFFFF800;
	s25 =	sadd.s32 s5, s25  }
0xba: {  	[tilespmem:s10], [sflag:$0x3] =	stream.linear.gather [hbm4b:s25+s3], $0x300, $0x38;
	[tilespmem:$0x1FB00] =	vst v63  }
0xbb: {  	_ =	swait.ge [sflag:s9], $0x300  }
0xbc: {  	s8 =	rddreg [dreg:$0x4];
	[sflag:s9] =	ssyncset.done $0x0  }
0xbd: {  	[sflag:s9] =	ssyncadd.s32 $0xFFFFFD00;
	s8 =	sadd.s32 s5, s8  }
0xbe: {  	[tilespmem:s11], [sflag:$0x3] =	stream.linear.gather [hbm4b:s8+s3], $0x300, $0x38;
	[tilespmem:$0x1FB00] =	vst v63  }
0xbf: {  	_ =	swait.ge [sflag:s9], $0x300  }
0xc0: {  	[sflag:s9] =	ssyncset.done $0x0  }
0xc1: {  	s2 =	smov.u32 s6;
	[sflag:s9] =	ssyncadd.s32 $0xFFFFFD00  }
0xc2: {  	[tilespmem:s13], [sflag:$0x1] =	stream.indirect.gather [hbm4b:s4+s12], $0x10, s10, s12, $0xb8;
	[tilespmem:$0x1FB00] =	vst v63  }
0xc3: {  	s5 =	smov.u32 s2;
	s2 =	rddreg [dreg:$0x5]  }
0xc4: {  	[tilespmem:s14], [sflag:$0x1] =	stream.indirect.gather [hbm4b:s4+s12], $0x10, s2, s12, $0xb8;
	[tilespmem:$0x1FB00] =	vst v63  }
0xc5: {  	s30 =	rddreg [dreg:$0x6]  }
0xc6: {  	[tilespmem:s15], [sflag:$0x1] =	stream.indirect.gather [hbm4b:s4+s12], $0x10, s30, s12, $0xb8;
	[tilespmem:$0x1FB00] =	vst v63  }
0xc7: {  	s2 =	rddreg [dreg:$0x7]  }
0xc8: {  	[tilespmem:s16], [sflag:$0x1] =	stream.indirect.gather [hbm4b:s4+s12], $0x10, s2, s12, $0xb8;
	[tilespmem:$0x1FB00] =	vst v63  }
0xc9: {  	s30 =	rddreg [dreg:$0x8]  }
0xca: {  	[tilespmem:s17], [sflag:$0x1] =	stream.indirect.gather [hbm4b:s4+s12], $0x10, s30, s12, $0xb8;
	[tilespmem:$0x1FB00] =	vst v63  }
0xcb: {  	s2 =	rddreg [dreg:$0x9]  }
0xcc: {  	[tilespmem:s18], [sflag:$0x1] =	stream.indirect.gather [hbm4b:s4+s12], $0x10, s2, s12, $0xb8;
	[tilespmem:$0x1FB00] =	vst v63  }
0xcd: {  	s25 =	sadd.s32 $0x60, s25  }
0xce: {  	[tilespmem:s19], [sflag:$0x3] =	stream.linear.gather [hbm4b:s25+s3], $0x300, $0x38;
	[tilespmem:$0x1FB00] =	vst v63  }
0xcf: {  	_ =	swait.ge [sflag:s9], $0x300  }
0xd0: {  	[sflag:s9] =	ssyncset.done $0x0  }
0xd1: {  	s8 =	sadd.s32 $0x60, s8;
	[sflag:s9] =	ssyncadd.s32 $0xFFFFFD00  }
0xd2: {  	[tilespmem:s20], [sflag:$0x3] =	stream.linear.gather [hbm4b:s8+s3], $0x300, $0x38;
	[tilespmem:$0x1FB00] =	vst v63  }
0xd3: {  	_ =	swait.ge [sflag:s9], $0x300  }
0xd4: {  	[sflag:s9] =	ssyncset.done $0x0  }
0xd5: {  	[sflag:s9] =	ssyncadd.s32 $0xFFFFFD00  }
0xd6: {  	_ =	swait.ge [sflag:s21], $0x800  }
0xd7: {  	[sflag:s21] =	ssyncset.done $0x0  }
0xd8: {  	[sflag:s21] =	ssyncadd.s32 $0xFFFFF800  }
0xd9: {  	_ =	swait.ge [sflag:s21], $0x800  }
0xda: {  	[sflag:s21] =	ssyncset.done $0x0  }
0xdb: {  	[sflag:s21] =	ssyncadd.s32 $0xFFFFF800  }
0xdc: {  	_ =	swait.ge [sflag:s21], $0x800  }
0xdd: {  	[sflag:s21] =	ssyncset.done $0x0  }
0xde: {  	[sflag:s21] =	ssyncadd.s32 $0xFFFFF800  }
0xdf: {  	_ =	swait.ge [sflag:s21], $0x800  }
0xe0: {  	[sflag:s21] =	ssyncset.done $0x0  }
0xe1: {  	[sflag:s21] =	ssyncadd.s32 $0xFFFFF800  }
0xe2: {  	_ =	swait.ge [sflag:s21], $0x800  }
0xe3: {  	[sflag:s21] =	ssyncset.done $0x0  }
0xe4: {  	[sflag:s21] =	ssyncadd.s32 $0xFFFFF800  }
0xe5: {  	_ =	swait.ge [sflag:s21], $0x800  }
0xe6: {  	[sflag:s21] =	ssyncset.done $0x0  }
0xe7: {  	[sflag:s21] =	ssyncadd.s32 $0xFFFFF800  }
0xe8: {  	[spmem:s1] =	stream.indirect.scatter.add.f32 [tilespmem:s13], [sflag:$0x2], $0x10, s11, s12, $0xb8;
	[tilespmem:$0x1FB00] =	vst v63  }
0xe9: {  	s25 =	rddreg [dreg:$0xa]  }
0xea: {  	[spmem:s1] =	stream.indirect.scatter.add.f32 [tilespmem:s14], [sflag:$0x2], $0x10, s25, s12, $0xb8;
	[tilespmem:$0x1FB00] =	vst v63  }
0xeb: {  	s8 =	rddreg [dreg:$0xb]  }
0xec: {  	[spmem:s1] =	stream.indirect.scatter.add.f32 [tilespmem:s15], [sflag:$0x2], $0x10, s8, s12, $0xb8;
	[tilespmem:$0x1FB00] =	vst v63  }
0xed: {  	s25 =	rddreg [dreg:$0xc]  }
0xee: {  	[spmem:s1] =	stream.indirect.scatter.add.f32 [tilespmem:s16], [sflag:$0x2], $0x10, s25, s12, $0xb8;
	[tilespmem:$0x1FB00] =	vst v63  }
0xef: {  	s8 =	rddreg [dreg:$0xd]  }
0xf0: {  	[spmem:s1] =	stream.indirect.scatter.add.f32 [tilespmem:s17], [sflag:$0x2], $0x10, s8, s12, $0xb8;
	[tilespmem:$0x1FB00] =	vst v63  }
0xf1: {  	s25 =	rddreg [dreg:$0xe]  }
0xf2: {  	[spmem:s1] =	stream.indirect.scatter.add.f32 [tilespmem:s18], [sflag:$0x2], $0x10, s25, s12, $0xb8;
	[tilespmem:$0x1FB00] =	vst v63  }
0xf3: {  	_ = 	snop  }
0xf4: {  	[tilespmem:s22], [sflag:$0x1] =	stream.indirect.gather [hbm4b:s4+s12], $0x10, s19, s12, $0xb8;
	[tilespmem:$0x1FB00] =	vst v63  }
0xf5: {  	s25 =	rddreg [dreg:$0xf]  }
0xf6: {  	[tilespmem:s23], [sflag:$0x1] =	stream.indirect.gather [hbm4b:s4+s12], $0x10, s25, s12, $0xb8;
	[tilespmem:$0x1FB00] =	vst v63  }
0xf7: {  	s8 =	rddreg [dreg:$0x10]  }
0xf8: {  	[tilespmem:s24], [sflag:$0x1] =	stream.indirect.gather [hbm4b:s4+s12], $0x10, s8, s12, $0xb8;
	[tilespmem:$0x1FB00] =	vst v63  }
0xf9: {  	s25 =	rddreg [dreg:$0x11]  }
0xfa: {  	[tilespmem:s26], [sflag:$0x1] =	stream.indirect.gather [hbm4b:s4+s12], $0x10, s25, s12, $0xb8;
	[tilespmem:$0x1FB00] =	vst v63  }
0xfb: {  	s8 =	rddreg [dreg:$0x12]  }
0xfc: {  	[tilespmem:s28], [sflag:$0x1] =	stream.indirect.gather [hbm4b:s4+s12], $0x10, s8, s12, $0xb8;
	[tilespmem:$0x1FB00] =	vst v63  }
0xfd: {  	s25 =	rddreg [dreg:$0x13]  }
0xfe: {  	[tilespmem:s29], [sflag:$0x1] =	stream.indirect.gather [hbm4b:s4+s12], $0x10, s25, s12, $0xb8;
	[tilespmem:$0x1FB00] =	vst v63  }
0xff: {  	_ =	swait.ge [sflag:s21], $0x800  }
0x100: {  	[sflag:s21] =	ssyncset.done $0x0  }
0x101: {  	[sflag:s21] =	ssyncadd.s32 $0xFFFFF800  }
0x102: {  	_ =	swait.ge [sflag:s21], $0x800  }
0x103: {  	[sflag:s21] =	ssyncset.done $0x0  }
0x104: {  	[sflag:s21] =	ssyncadd.s32 $0xFFFFF800  }
0x105: {  	_ =	swait.ge [sflag:s21], $0x800  }
0x106: {  	[sflag:s21] =	ssyncset.done $0x0  }
0x107: {  	[sflag:s21] =	ssyncadd.s32 $0xFFFFF800  }
0x108: {  	_ =	swait.ge [sflag:s21], $0x800  }
0x109: {  	[sflag:s21] =	ssyncset.done $0x0  }
0x10a: {  	[sflag:s21] =	ssyncadd.s32 $0xFFFFF800  }
0x10b: {  	_ =	swait.ge [sflag:s21], $0x800  }
0x10c: {  	[sflag:s21] =	ssyncset.done $0x0  }
0x10d: {  	[sflag:s21] =	ssyncadd.s32 $0xFFFFF800  }
0x10e: {  	_ =	swait.ge [sflag:s21], $0x800  }
0x10f: {  	[sflag:s21] =	ssyncset.done $0x0  }
0x110: {  	[sflag:s21] =	ssyncadd.s32 $0xFFFFF800  }
0x111: {  	[spmem:s1] =	stream.indirect.scatter.add.f32 [tilespmem:s22], [sflag:$0x2], $0x10, s20, s12, $0xb8;
	[tilespmem:$0x1FB00] =	vst v63  }
0x112: {  	s25 =	rddreg [dreg:$0x14]  }
0x113: {  	[spmem:s1] =	stream.indirect.scatter.add.f32 [tilespmem:s23], [sflag:$0x2], $0x10, s25, s12, $0xb8;
	[tilespmem:$0x1FB00] =	vst v63  }
0x114: {  	s8 =	rddreg [dreg:$0x15]  }
0x115: {  	[spmem:s1] =	stream.indirect.scatter.add.f32 [tilespmem:s24], [sflag:$0x2], $0x10, s8, s12, $0xb8;
	[tilespmem:$0x1FB00] =	vst v63  }
0x116: {  	s25 =	rddreg [dreg:$0x16]  }
0x117: {  	[spmem:s1] =	stream.indirect.scatter.add.f32 [tilespmem:s26], [sflag:$0x2], $0x10, s25, s12, $0xb8;
	[tilespmem:$0x1FB00] =	vst v63  }
0x118: {  	s30 =	simm.s32 $0x19300  }
0x119: {  	[spmem:s1] =	stream.indirect.scatter.add.f32 [tilespmem:s28], [sflag:$0x2], $0x10, s30, s12, $0xb8;
	[tilespmem:$0x1FB00] =	vst v63  }
0x11a: {  	_ = 	snop  }
0x11b: {  	[spmem:s1] =	stream.indirect.scatter.add.f32 [tilespmem:s29], [sflag:$0x2], $0x10, s31, s12, $0xb8;
	[tilespmem:$0x1FB00] =	vst v63  }
0x11c: {  	_ =	swait.ge [sflag:s0], $0x800  }
0x11d: {  	[sflag:s0] =	ssyncset.done $0x0  }
0x11e: {  	[sflag:s0] =	ssyncadd.s32 $0xFFFFF800  }
0x11f: {  	_ =	swait.ge [sflag:s0], $0x800  }
0x120: {  	[sflag:s0] =	ssyncset.done $0x0  }
0x121: {  	[sflag:s0] =	ssyncadd.s32 $0xFFFFF800  }
0x122: {  	_ =	swait.ge [sflag:s0], $0x800  }
0x123: {  	[sflag:s0] =	ssyncset.done $0x0  }
0x124: {  	[sflag:s0] =	ssyncadd.s32 $0xFFFFF800  }
0x125: {  	_ =	swait.ge [sflag:s0], $0x800  }
0x126: {  	[sflag:s0] =	ssyncset.done $0x0  }
0x127: {  	[sflag:s0] =	ssyncadd.s32 $0xFFFFF800  }
0x128: {  	_ =	swait.ge [sflag:s0], $0x800  }
0x129: {  	[sflag:s0] =	ssyncset.done $0x0  }
0x12a: {  	[sflag:s0] =	ssyncadd.s32 $0xFFFFF800  }
0x12b: {  	_ =	swait.ge [sflag:s0], $0x800  }
0x12c: {  	[sflag:s0] =	ssyncset.done $0x0  }
0x12d: {  	[sflag:s0] =	ssyncadd.s32 $0xFFFFF800  }
0x12e: {  	_ =	swait.ge [sflag:s0], $0x800  }
0x12f: {  	[sflag:s0] =	ssyncset.done $0x0  }
0x130: {  	[sflag:s0] =	ssyncadd.s32 $0xFFFFF800  }
0x131: {  	_ =	swait.ge [sflag:s0], $0x800  }
0x132: {  	[sflag:s0] =	ssyncset.done $0x0  }
0x133: {  	[sflag:s0] =	ssyncadd.s32 $0xFFFFF800  }
0x134: {  	_ =	swait.ge [sflag:s0], $0x800  }
0x135: {  	[sflag:s0] =	ssyncset.done $0x0  }
0x136: {  	[sflag:s0] =	ssyncadd.s32 $0xFFFFF800  }
0x137: {  	_ =	swait.ge [sflag:s0], $0x800  }
0x138: {  	[sflag:s0] =	ssyncset.done $0x0  }
0x139: {  	p0 =	sne.s32 s6, $0x6240;
	[sflag:s0] =	ssyncadd.s32 $0xFFFFF800  }
.Ltmp2:
0x13a: {  	_ =	swait.ge [sflag:s0], $0x800;
	(pc) =	sbr.rel @p0 .LBB2_6-.Ltmp2, $4  }
0x13b: {  	[sflag:s0] =	ssyncset.done $0x0  }
0x13c: {  	[sflag:s0] =	ssyncadd.s32 $0xFFFFF800  }
0x13d: {  	_ =	swait.ge [sflag:s0], $0x800  }
0x13e: {  	s6 =	sadd.s32 $0xC0, s6;
	s25 =	rddreg [dreg:$0x3];
	[sflag:s0] =	ssyncset.done $0x0  }
0x13f: {  	[sflag:s0] =	ssyncadd.s32 $0xFFFFF800;
	s2 =	sadd.s32 s5, s25  }
0x140: {  	[tilespmem:s10], [sflag:$0x3] =	stream.linear.gather [hbm4b:s2+s3], $0x300, $0x38;
	[tilespmem:$0x1FB00] =	vst v63  }
0x141: {  	_ =	swait.ge [sflag:s9], $0x300  }
0x142: {  	s6 =	rddreg [dreg:$0x4];
	[sflag:s9] =	ssyncset.done $0x0  }
0x143: {  	[sflag:s9] =	ssyncadd.s32 $0xFFFFFD00;
	s5 =	sadd.s32 s5, s6  }
0x144: {  	[tilespmem:s11], [sflag:$0x3] =	stream.linear.gather [hbm4b:s5+s3], $0x300, $0x38;
	[tilespmem:$0x1FB00] =	vst v63  }
0x145: {  	_ =	swait.ge [sflag:s9], $0x300  }
0x146: {  	[sflag:s9] =	ssyncset.done $0x0  }
0x147: {  	[sflag:s9] =	ssyncadd.s32 $0xFFFFFD00  }
0x148: {  	[tilespmem:s13], [sflag:$0x1] =	stream.indirect.gather [hbm4b:s4+s12], $0x10, s10, s12, $0xb8;
	[tilespmem:$0x1FB00] =	vst v63  }
0x149: {  	s25 =	rddreg [dreg:$0x5]  }
0x14a: {  	[tilespmem:s14], [sflag:$0x1] =	stream.indirect.gather [hbm4b:s4+s12], $0x10, s25, s12, $0xb8;
	[tilespmem:$0x1FB00] =	vst v63  }
0x14b: {  	s8 =	rddreg [dreg:$0x6]  }
0x14c: {  	[tilespmem:s15], [sflag:$0x1] =	stream.indirect.gather [hbm4b:s4+s12], $0x10, s8, s12, $0xb8;
	[tilespmem:$0x1FB00] =	vst v63  }
0x14d: {  	s25 =	rddreg [dreg:$0x7]  }
0x14e: {  	[tilespmem:s16], [sflag:$0x1] =	stream.indirect.gather [hbm4b:s4+s12], $0x10, s25, s12, $0xb8;
	[tilespmem:$0x1FB00] =	vst v63  }
0x14f: {  	s8 =	rddreg [dreg:$0x8]  }
0x150: {  	[tilespmem:s17], [sflag:$0x1] =	stream.indirect.gather [hbm4b:s4+s12], $0x10, s8, s12, $0xb8;
	[tilespmem:$0x1FB00] =	vst v63  }
0x151: {  	s25 =	rddreg [dreg:$0x9]  }
0x152: {  	[tilespmem:s18], [sflag:$0x1] =	stream.indirect.gather [hbm4b:s4+s12], $0x10, s25, s12, $0xb8;
	[tilespmem:$0x1FB00] =	vst v63  }
0x153: {  	s2 =	sadd.s32 $0x60, s2  }
0x154: {  	[tilespmem:s19], [sflag:$0x3] =	stream.linear.gather [hbm4b:s2+s3], $0x300, $0x38;
	[tilespmem:$0x1FB00] =	vst v63  }
0x155: {  	_ =	swait.ge [sflag:s9], $0x300  }
0x156: {  	[sflag:s9] =	ssyncset.done $0x0  }
0x157: {  	s25 =	sadd.s32 $0x60, s5;
	[sflag:s9] =	ssyncadd.s32 $0xFFFFFD00  }
0x158: {  	[tilespmem:s20], [sflag:$0x3] =	stream.linear.gather [hbm4b:s25+s3], $0x300, $0x38;
	[tilespmem:$0x1FB00] =	vst v63  }
0x159: {  	_ =	swait.ge [sflag:s9], $0x300  }
0x15a: {  	[sflag:s9] =	ssyncset.done $0x0  }
0x15b: {  	[sflag:s9] =	ssyncadd.s32 $0xFFFFFD00  }
0x15c: {  	_ =	swait.ge [sflag:s21], $0x800  }
0x15d: {  	[sflag:s21] =	ssyncset.done $0x0  }
0x15e: {  	[sflag:s21] =	ssyncadd.s32 $0xFFFFF800  }
0x15f: {  	_ =	swait.ge [sflag:s21], $0x800  }
0x160: {  	[sflag:s21] =	ssyncset.done $0x0  }
0x161: {  	[sflag:s21] =	ssyncadd.s32 $0xFFFFF800  }
0x162: {  	_ =	swait.ge [sflag:s21], $0x800  }
0x163: {  	[sflag:s21] =	ssyncset.done $0x0  }
0x164: {  	[sflag:s21] =	ssyncadd.s32 $0xFFFFF800  }
0x165: {  	_ =	swait.ge [sflag:s21], $0x800  }
0x166: {  	[sflag:s21] =	ssyncset.done $0x0  }
0x167: {  	[sflag:s21] =	ssyncadd.s32 $0xFFFFF800  }
0x168: {  	_ =	swait.ge [sflag:s21], $0x800  }
0x169: {  	[sflag:s21] =	ssyncset.done $0x0  }
0x16a: {  	[sflag:s21] =	ssyncadd.s32 $0xFFFFF800  }
0x16b: {  	_ =	swait.ge [sflag:s21], $0x800  }
0x16c: {  	[sflag:s21] =	ssyncset.done $0x0  }
0x16d: {  	[sflag:s21] =	ssyncadd.s32 $0xFFFFF800  }
0x16e: {  	[spmem:s1] =	stream.indirect.scatter.add.f32 [tilespmem:s13], [sflag:$0x2], $0x10, s11, s12, $0xb8;
	[tilespmem:$0x1FB00] =	vst v63  }
0x16f: {  	s5 =	rddreg [dreg:$0xa]  }
0x170: {  	[spmem:s1] =	stream.indirect.scatter.add.f32 [tilespmem:s14], [sflag:$0x2], $0x10, s5, s12, $0xb8;
	[tilespmem:$0x1FB00] =	vst v63  }
0x171: {  	s6 =	rddreg [dreg:$0xb]  }
0x172: {  	[spmem:s1] =	stream.indirect.scatter.add.f32 [tilespmem:s15], [sflag:$0x2], $0x10, s6, s12, $0xb8;
	[tilespmem:$0x1FB00] =	vst v63  }
0x173: {  	s8 =	rddreg [dreg:$0xc]  }
0x174: {  	[spmem:s1] =	stream.indirect.scatter.add.f32 [tilespmem:s16], [sflag:$0x2], $0x10, s8, s12, $0xb8;
	[tilespmem:$0x1FB00] =	vst v63  }
0x175: {  	s25 =	rddreg [dreg:$0xd]  }
0x176: {  	[spmem:s1] =	stream.indirect.scatter.add.f32 [tilespmem:s17], [sflag:$0x2], $0x10, s25, s12, $0xb8;
	[tilespmem:$0x1FB00] =	vst v63  }
0x177: {  	s6 =	rddreg [dreg:$0xe]  }
0x178: {  	[spmem:s1] =	stream.indirect.scatter.add.f32 [tilespmem:s18], [sflag:$0x2], $0x10, s6, s12, $0xb8;
	[tilespmem:$0x1FB00] =	vst v63  }
0x179: {  	_ = 	snop  }
0x17a: {  	[tilespmem:s22], [sflag:$0x1] =	stream.indirect.gather [hbm4b:s4+s12], $0x10, s19, s12, $0xb8;
	[tilespmem:$0x1FB00] =	vst v63  }
0x17b: {  	s8 =	rddreg [dreg:$0xf]  }
0x17c: {  	[tilespmem:s23], [sflag:$0x1] =	stream.indirect.gather [hbm4b:s4+s12], $0x10, s8, s12, $0xb8;
	[tilespmem:$0x1FB00] =	vst v63  }
0x17d: {  	s25 =	rddreg [dreg:$0x10]  }
0x17e: {  	[tilespmem:s24], [sflag:$0x1] =	stream.indirect.gather [hbm4b:s4+s12], $0x10, s25, s12, $0xb8;
	[tilespmem:$0x1FB00] =	vst v63  }
0x17f: {  	s6 =	rddreg [dreg:$0x11]  }
0x180: {  	[tilespmem:s26], [sflag:$0x1] =	stream.indirect.gather [hbm4b:s4+s12], $0x10, s6, s12, $0xb8;
	[tilespmem:$0x1FB00] =	vst v63  }
0x181: {  	s8 =	rddreg [dreg:$0x12]  }
0x182: {  	[tilespmem:s28], [sflag:$0x1] =	stream.indirect.gather [hbm4b:s4+s12], $0x10, s8, s12, $0xb8;
	[tilespmem:$0x1FB00] =	vst v63  }
0x183: {  	s25 =	rddreg [dreg:$0x13]  }
0x184: {  	[tilespmem:s29], [sflag:$0x1] =	stream.indirect.gather [hbm4b:s4+s12], $0x10, s25, s12, $0xb8;
	[tilespmem:$0x1FB00] =	vst v63  }
0x185: {  	_ =	swait.ge [sflag:s21], $0x800  }
0x186: {  	[sflag:s21] =	ssyncset.done $0x0  }
0x187: {  	[sflag:s21] =	ssyncadd.s32 $0xFFFFF800  }
0x188: {  	_ =	swait.ge [sflag:s21], $0x800  }
0x189: {  	[sflag:s21] =	ssyncset.done $0x0  }
0x18a: {  	[sflag:s21] =	ssyncadd.s32 $0xFFFFF800  }
0x18b: {  	_ =	swait.ge [sflag:s21], $0x800  }
0x18c: {  	[sflag:s21] =	ssyncset.done $0x0  }
0x18d: {  	[sflag:s21] =	ssyncadd.s32 $0xFFFFF800  }
0x18e: {  	_ =	swait.ge [sflag:s21], $0x800  }
0x18f: {  	[sflag:s21] =	ssyncset.done $0x0  }
0x190: {  	[sflag:s21] =	ssyncadd.s32 $0xFFFFF800  }
0x191: {  	_ =	swait.ge [sflag:s21], $0x800  }
0x192: {  	[sflag:s21] =	ssyncset.done $0x0  }
0x193: {  	[sflag:s21] =	ssyncadd.s32 $0xFFFFF800  }
0x194: {  	_ =	swait.ge [sflag:s21], $0x800  }
0x195: {  	[sflag:s21] =	ssyncset.done $0x0  }
0x196: {  	[sflag:s21] =	ssyncadd.s32 $0xFFFFF800  }
0x197: {  	[spmem:s1] =	stream.indirect.scatter.add.f32 [tilespmem:s22], [sflag:$0x2], $0x10, s20, s12, $0xb8;
	[tilespmem:$0x1FB00] =	vst v63  }
0x198: {  	s6 =	rddreg [dreg:$0x14]  }
0x199: {  	[spmem:s1] =	stream.indirect.scatter.add.f32 [tilespmem:s23], [sflag:$0x2], $0x10, s6, s12, $0xb8;
	[tilespmem:$0x1FB00] =	vst v63  }
0x19a: {  	s8 =	rddreg [dreg:$0x15]  }
0x19b: {  	[spmem:s1] =	stream.indirect.scatter.add.f32 [tilespmem:s24], [sflag:$0x2], $0x10, s8, s12, $0xb8;
	[tilespmem:$0x1FB00] =	vst v63  }
0x19c: {  	s25 =	rddreg [dreg:$0x16]  }
0x19d: {  	[spmem:s1] =	stream.indirect.scatter.add.f32 [tilespmem:s26], [sflag:$0x2], $0x10, s25, s12, $0xb8;
	[tilespmem:$0x1FB00] =	vst v63  }
0x19e: {  	_ = 	snop  }
0x19f: {  	[spmem:s1] =	stream.indirect.scatter.add.f32 [tilespmem:s28], [sflag:$0x2], $0x10, s30, s12, $0xb8;
	[tilespmem:$0x1FB00] =	vst v63  }
0x1a0: {  	_ = 	snop  }
0x1a1: {  	[spmem:s1] =	stream.indirect.scatter.add.f32 [tilespmem:s29], [sflag:$0x2], $0x10, s31, s12, $0xb8;
	[tilespmem:$0x1FB00] =	vst v63  }
0x1a2: {  	_ =	swait.ge [sflag:s0], $0x800  }
0x1a3: {  	[sflag:s0] =	ssyncset.done $0x0  }
0x1a4: {  	[sflag:s0] =	ssyncadd.s32 $0xFFFFF800  }
0x1a5: {  	_ =	swait.ge [sflag:s0], $0x800  }
0x1a6: {  	[sflag:s0] =	ssyncset.done $0x0  }
0x1a7: {  	[sflag:s0] =	ssyncadd.s32 $0xFFFFF800  }
0x1a8: {  	_ =	swait.ge [sflag:s0], $0x800  }
0x1a9: {  	[sflag:s0] =	ssyncset.done $0x0  }
0x1aa: {  	[sflag:s0] =	ssyncadd.s32 $0xFFFFF800  }
0x1ab: {  	_ =	swait.ge [sflag:s0], $0x800  }
0x1ac: {  	[sflag:s0] =	ssyncset.done $0x0  }
0x1ad: {  	[sflag:s0] =	ssyncadd.s32 $0xFFFFF800  }
0x1ae: {  	_ =	swait.ge [sflag:s0], $0x800  }
0x1af: {  	[sflag:s0] =	ssyncset.done $0x0  }
0x1b0: {  	[sflag:s0] =	ssyncadd.s32 $0xFFFFF800  }
0x1b1: {  	_ =	swait.ge [sflag:s0], $0x800  }
0x1b2: {  	[sflag:s0] =	ssyncset.done $0x0  }
0x1b3: {  	[sflag:s0] =	ssyncadd.s32 $0xFFFFF800  }
0x1b4: {  	_ =	swait.ge [sflag:s0], $0x800  }
0x1b5: {  	[sflag:s0] =	ssyncset.done $0x0  }
0x1b6: {  	[sflag:s0] =	ssyncadd.s32 $0xFFFFF800  }
0x1b7: {  	_ =	swait.ge [sflag:s0], $0x800  }
0x1b8: {  	[sflag:s0] =	ssyncset.done $0x0  }
0x1b9: {  	[sflag:s0] =	ssyncadd.s32 $0xFFFFF800  }
0x1ba: {  	_ =	swait.ge [sflag:s0], $0x800  }
0x1bb: {  	[sflag:s0] =	ssyncset.done $0x0  }
0x1bc: {  	[sflag:s0] =	ssyncadd.s32 $0xFFFFF800  }
0x1bd: {  	_ =	swait.ge [sflag:s0], $0x800  }
0x1be: {  	[sflag:s0] =	ssyncset.done $0x0  }
0x1bf: {  	[sflag:s0] =	ssyncadd.s32 $0xFFFFF800  }
0x1c0: {  	_ =	swait.ge [sflag:s0], $0x800  }
0x1c1: {  	[sflag:s0] =	ssyncset.done $0x0  }
0x1c2: {  	[sflag:s0] =	ssyncadd.s32 $0xFFFFF800  }
0x1c3: {  	_ =	swait.ge [sflag:s0], $0x800  }
0x1c4: {  	[sflag:s0] =	ssyncset.done $0x0  }
0x1c5: {  	[sflag:s0] =	ssyncadd.s32 $0xFFFFF800  }
0x1c6: {  	s6 =	stileid.u32;
	[bflag:$0x0] =	sbarrier.arrive $0xFFFF  }
0x1c7: {  	s2 =	sshll.u32 s6, $0x6;
	s8 =	rddreg [dreg:$0x17]  }
0x1c8: {  	s2 =	sor.u32 $0x1C03, s2;
	s25 =	rddreg [dreg:$0x19]  }
0x1c9: {  	[hbm:s8], [sflag:s2] =	dma.local [spmem:s25], $0x3100  }
0x1ca: {  	_ =	swait.ge [sflag:s9], $0x3100  }
0x1cb: {  	s8 =	rddreg [dreg:$0x1a]  }
0x1cc: {  	s25 =	rddreg [dreg:$0x18];
	s5 =	sadd.s32 $0x1, s8  }
0x1cd: {  	p0 =	sne.s32 s5, s25  }
.Ltmp3:
0x1ce: {  	_ = 	snop;
	(pc) =	sbr.rel @p0 .LBB2_1-.Ltmp3, $3  }
0x1cf: {  	_ =	sdelay $0x1  }
0x1d0: {  	[sflag:s9] =	ssyncset.done $0x0  }
0x1d1: {  	s2 =	simm.s32 $0x1F400;
	[sflag:s9] =	ssyncadd.s32 $0xFFFFCF00  }
0x1d2: {  	_ =	sfence.sel $0x180000  }
0x1d3: {  	[bflag:$0x0] =	sbarrier.arrive $0xFFFF  }
0x1d4: {  	_ =	strace $0x90000047  }
0x1d5: {  	s0 =	stileid.u32;
	[bflag:$0x2] =	sbarrier.arrive $0xFFFF  }
0x1d6: {  	p0 =	sne.s32 s0, $0x0;
	s0 =	rddreg [dreg:$0x2]  }
0x1d7: {  	s0 =	sadd.s32 @!p0 $0x100000, s0  }
0x1d8: {  	[sflag:s0] =	ssyncadd.tile.s32 @!p0 $0x1;
	_ =	shalt  }
.Lfunc_end2:
_tile_overlayer_lowered:
.L_overlay_start_2:
0x1d9: {  	(tag) =	ssettag $0x2  }
0x1da: {  	s0 =	rddreg [dreg:$0x0];
	s2 =	stileid.u32  }
0x1db: {  	s1 =	rddreg [dreg:$0x1];
	p0 =	sne.s32 s2, $0x0  }
0x1dc: {  	s3 =	rddreg [dreg:$0x2];
	[bflag:$0x3] =	sbarrier.arrive $0xFFFF;
	s2 =	simm.s32 @!p0 $0x1C03  }
0x1dd: {  	[timem:s3], [sflag:s2] =	dma.local @!p0 [hbm:s0], s1  }
0x1de: {  	s0 =	simm.s32 @!p0 $0x3  }
0x1df: {  	_ =	swait.ge @!p0 [sflag:s0], s1  }
0x1e0: {  	s1 =	ssub.s32 @!p0 $0x0, s1;
	[sflag:s0] =	ssyncset.done @!p0 $0x0  }
0x1e1: {  	[sflag:s0] =	ssyncadd.s32 @!p0 s1  }
0x1e2: {  	[bflag:$0x3] =	sbarrier.arrive $0xFFFF  }
0x1e3: {  	_ =	shalt  }

// kernel: kernel.9.cloned.1.call-start
scs
__scs_entry_jumppad:
0x0: {  	(pc) =	sbr.rel $0x88, $3  }
0x1: {  	(tag) =	ssettag $0x0;
	lr =	simm.s32 $0x1  }
0x2: {  	[smem:$0x3F99] =	sst lr;
	_ =	strace $0xD0000000  }
0x3: {  	_ = 	snop  }
0x4: {  	_ = 	snop  }
0x5: {  	_ = 	snop  }
0x6: {  	_ = 	snop  }
0x7: {  	_ = 	snop  }
__scs_overlays_trampoline_lowered:
0x8: {  	[smem:$0x3FA8] =	sst s0  }
0x9: {  	[smem:$0x3FA9] =	sst s1  }
0xa: {  	[smem:$0x3FAA] =	sst s2  }
0xb: {  	[smem:$0x3FAB] =	sst s3  }
0xc: {  	[smem:$0x3FAC] =	sst s4  }
0xd: {  	[smem:$0x3FAD] =	sst s5  }
0xe: {  	[smem:$0x3FAE] =	sst s6  }
0xf: {  	[smem:$0x3FAF] =	sst s7  }
0x10: {  	[smem:$0x3FB0] =	sst s8  }
0x11: {  	[smem:$0x3FB1] =	sst s9;
	s0 =	simm.s32 @!p0 $0x0  }
0x12: {  	s1 =	sld [smem:$0x3F97];
	s0 =	simm.s32 @p0 $0x1  }
0x13: {  	[smem:$0x3FB2] =	sst s0;
	s0 =	simm.s32 @!p1 $0x0  }
0x14: {  	s2 =	sld [smem:$0x3F96];
	s0 =	simm.s32 @p1 $0x1  }
0x15: {  	[smem:$0x3FB3] =	sst s0;
	s0 =	simm.s32 @!p2 $0x0  }
0x16: {  	s3 =	sld [smem:$0x3FDB];
	s0 =	simm.s32 @p2 $0x1  }
0x17: {  	s4 =	simm.s32 $0x1BF5;
	[smem:$0x3FB5] =	sst s0  }
0x18: {  	s0 =	sld [smem:$0x3F98];
	_ =	swait.ge [sflag:s4], $0x0  }
0x19: {  	s7 =	sld [smem:$0x3F99]  }
0x1a: {  	s8 =	sadd.s32 $0xFFFFE003, lr  }
0x1b: {  	s9 =	sadd.s32 $0xFFFFFEF7, lr;
	s5 =	simm.s32 $0xFFFFFFFF;
	p2 =	slt.u32 s8, $0xFFFFF086  }
0x1c: {  	p1 =	slt.u32 s9, $0xF7A;
	s5 =	simm.s32 @!p2 $0x0  }
0x1d: {  	s5 =	simm.s32 @p1 $0x1;
	p0 =	seq.s32 s7, s2  }
0x1e: {  	s7 =	smul.u32 @!p0 $0xF7A, s2;
	p2 =	seq.s32 @!p0 s5, $0x0  }
0x1f: {  	s9 =	smul.u32 $0xF7A, s1;
	s8 =	simm.s32 @!p0 $0x1BF5;
	p2 =	por !p2, p0  }
0x20: {  	[sflag:s8] =	ssyncset.s32 @!p0 $0xFFFFF086;
	s6 =	sadd.s32 @!p0 s3, s7;
	s7 =	simm.s32 @!p0 $0x108  }
0x21: {  	s3 =	sadd.s32 s3, s9;
	s6 =	sadd.s32 @!p0 $0x88, s6;
	s7 =	simm.s32 @p2 $0x1082  }
0x22: {  	[simem:s7], [sflag:s8] =	dma.local @!p0 [hbm:s6], $0xF7A  }
0x23: {  	s9 =	sor.u32 $0xD0000000, s2;
	s6 =	simm.s32 $0x108;
	_ =	swait.ge @!p0 [sflag:s8], $0x0  }
0x24: {  	s3 =	sadd.s32 $0x88, s3;
	s6 =	simm.s32 @!p1 $0x1082;
	[sflag:s4] =	ssyncset.s32 $0xFFFFF086  }
0x25: {  	[simem:s6], [sflag:s4] =	dma.local [hbm:s3], $0xF7A  }
0x26: {  	[smem:$0x3F99] =	sst s1;
	(tag) =	ssettag s2;
	_ =	strace s9  }
0x27: {  	s1 =	sld [smem:$0x3FA9]  }
0x28: {  	s2 =	sld [smem:$0x3FAA]  }
0x29: {  	s4 =	sld [smem:$0x3FAC]  }
0x2a: {  	p0 =	seq.s32 s5, $0x0;
	s5 =	sld [smem:$0x3FAD]  }
0x2b: {  	s6 =	sld [smem:$0x3FAE]  }
0x2c: {  	s7 =	sld [smem:$0x3FAF]  }
0x2d: {  	s3 =	simm.s32 $0x108;
	s8 =	sld [smem:$0x3FB0]  }
0x2e: {  	s3 =	simm.s32 @!p0 $0x1082;
	s9 =	sld [smem:$0x3FB1]  }
0x2f: {  	lr =	sadd.s32 s0, s3;
	s0 =	sld [smem:$0x3FA8]  }
0x30: {  	s3 =	sld [smem:$0x3FAB]  }
0x31: {  	[smem:$0x3FB4] =	sst s10  }
0x32: {  	s10 =	sld [smem:$0x3FB2];
	_ =	sdelay $0x3  }
0x33: {  	p0 =	seq.s32 s10, $0x1;
	s10 =	sld [smem:$0x3FB4];
	_ =	sdelay $0x3  }
0x34: {  	[smem:$0x3FB4] =	sst s10  }
0x35: {  	s10 =	sld [smem:$0x3FB3];
	_ =	sdelay $0x3  }
0x36: {  	p1 =	seq.s32 s10, $0x1;
	s10 =	sld [smem:$0x3FB4];
	_ =	sdelay $0x3  }
0x37: {  	[smem:$0x3FB4] =	sst s10  }
0x38: {  	s10 =	sld [smem:$0x3FB5]  }
0x39: {  	_ = 	snop;
	(pc) =	sbr.ind lr, $3  }
0x3a: {  	_ = 	snop  }
0x3b: {  	_ = 	snop  }
0x3c: {  	p2 =	seq.s32 s10, $0x1;
	s10 =	sld [smem:$0x3FB4]  }
0x3d: {  	_ =	shalt  }
0x3e: {  	_ =	shalt  }
0x3f: {  	_ =	shalt  }
0x40: {  	_ =	shalt  }
0x41: {  	_ =	shalt  }
0x42: {  	_ =	shalt  }
0x43: {  	_ =	shalt  }
0x44: {  	_ =	shalt  }
0x45: {  	_ =	shalt  }
0x46: {  	_ =	shalt  }
0x47: {  	_ =	shalt  }
0x48: {  	_ =	shalt  }
0x49: {  	_ =	shalt  }
0x4a: {  	_ =	shalt  }
0x4b: {  	_ =	shalt  }
0x4c: {  	_ =	shalt  }
0x4d: {  	_ =	shalt  }
0x4e: {  	_ =	shalt  }
0x4f: {  	_ =	shalt  }
0x50: {  	_ =	shalt  }
0x51: {  	_ =	shalt  }
0x52: {  	_ =	shalt  }
0x53: {  	_ =	shalt  }
0x54: {  	_ =	shalt  }
0x55: {  	_ =	shalt  }
0x56: {  	_ =	shalt  }
0x57: {  	_ =	shalt  }
0x58: {  	_ =	shalt  }
0x59: {  	_ =	shalt  }
0x5a: {  	_ =	shalt  }
0x5b: {  	_ =	shalt  }
0x5c: {  	_ =	shalt  }
0x5d: {  	_ =	shalt  }
0x5e: {  	_ =	shalt  }
0x5f: {  	_ =	shalt  }
0x60: {  	_ =	shalt  }
0x61: {  	_ =	shalt  }
0x62: {  	_ =	shalt  }
0x63: {  	_ =	shalt  }
0x64: {  	_ =	shalt  }
0x65: {  	_ =	shalt  }
0x66: {  	_ =	shalt  }
0x67: {  	_ =	shalt  }
0x68: {  	_ =	shalt  }
0x69: {  	_ =	shalt  }
0x6a: {  	_ =	shalt  }
0x6b: {  	_ =	shalt  }
0x6c: {  	_ =	shalt  }
0x6d: {  	_ =	shalt  }
0x6e: {  	_ =	shalt  }
0x6f: {  	_ =	shalt  }
0x70: {  	_ =	shalt  }
0x71: {  	_ =	shalt  }
0x72: {  	_ =	shalt  }
0x73: {  	_ =	shalt  }
0x74: {  	_ =	shalt  }
0x75: {  	_ =	shalt  }
0x76: {  	_ =	shalt  }
0x77: {  	_ =	shalt  }
0x78: {  	_ =	shalt  }
0x79: {  	_ =	shalt  }
0x7a: {  	_ =	shalt  }
0x7b: {  	_ =	shalt  }
0x7c: {  	_ =	shalt  }
0x7d: {  	_ =	shalt  }
0x7e: {  	_ =	shalt  }
0x7f: {  	_ =	shalt  }
0x80: {  	_ =	shalt  }
0x81: {  	_ =	shalt  }
0x82: {  	_ =	shalt  }
0x83: {  	_ =	shalt  }
0x84: {  	_ =	shalt  }
0x85: {  	_ =	shalt  }
0x86: {  	_ =	shalt  }
0x87: {  	_ =	shalt  }
.Lfunc_end0:
.L_simem_size_0:
called_computation.1_lowered:
.L_overlay_start_0:
0x88: {  	s2 =	sld [smem:$0x3FD9]  }
0x89: {  	s3 =	sld [smem:$0x3FFE];
	_ =	sdelay $0x1  }
0x8a: {  	s1 =	srdreg.scid  }
0x8b: {  	s0 =	sand.u32 $0x1, s1  }
0x8c: {  	s16 =	sshll.u32 s0, $0xA;
	s2 =	sadd.s32 s3, s2  }
0x8d: {  	s2 =	sadd.s32 s2, s16  }
0x8e: {  	[smem:$0x3FC0] =	sst s2  }
0x8f: {  	_ = 	snop  }
0x90: {  	(tm) =	ssettm $0x1  }
0x91: {  	s17 =	sld [smem:$0x3FFB];
	_ =	sdelay $0x3  }
0x92: {  	_ =	strace s17  }
0x93: {  	s2 =	sld [smem:$0x3FFC];
	_ =	sdelay $0x3  }
0x94: {  	_ =	strace s2  }
0x95: {  	s2 =	sld [smem:$0x3FFD];
	_ =	sdelay $0x3  }
0x96: {  	_ =	strace s2  }
0x97: {  	_ =	strace $0x8FFFFFFF  }
0x98: {  	s18 =	sld [smem:$0x3FDB];
	_ =	sdelay $0x1  }
0x99: {  	s19 =	simm.s32 $_scs_section_size  }
0x9a: {  	s4 =	simm.s32 $_size__tile_overlayer_lowered;
	s5 =	simm.s32 $_tile_overlayer_lowered  }
0x9b: {  	s22 =	simm.s32 $0x1BFF;
	s21 =	sshll.u32 s5, $0x1;
	s2 =	sadd.s32 s19, s18  }
0x9c: {  	s6 =	simm.s32 $0x0;
	s20 =	sshll.u32 s4, $0x1;
	s4 =	sadd.s32 s21, s2  }
0x9d: {  	[timem:s6], [sflag:s22] =	dma.local [hbm:s4], s20  }
0x9e: {  	_ =	swait.ge [sflag:s22], s20  }
0x9f: {  	s3 =	ssub.s32 $0x0, s20;
	[sflag:s22] =	ssyncset.done $0x0  }
0xa0: {  	[sflag:s22] =	ssyncadd.s32 s3;
	_ =	sdelay $0x1  }
0xa1: {  	s23 =	simm.s32 $0x1B8B  }
0xa2: {  	_ =	swait.ge [sflag:s23], $0x1  }
0xa3: {  	[sflag:s23] =	ssyncset.done $0x0  }
0xa4: {  	s25 =	simm.s32 $0x1B8E;
	s24 =	sld [smem:$0x3FFE];
	[sflag:s23] =	ssyncadd.s32 $0xFFFFFFFF  }
0xa5: {  	s26 =	simm.s32 $execute0_lowered;
	[smem:$0x3FD2] =	sst s25  }
0xa6: {  	s4 =	sshll.u32 s26, $0x1;
	_ =	strace $0x80000049;
	[dreg:$0x1] =	wrdreg $0xFFFFFFFF  }
0xa7: {  	s28 =	simm.s32 $_size_execute0_lowered;
	s2 =	sadd.s32 s2, s4;
	[dreg:$0x0] =	wrdreg $0x0  }
0xa8: {  	s4 =	sshll.u32 s28, $0x1;
	[dreg:$0x2] =	wrdreg s2  }
0xa9: {  	[dreg:$0x3] =	wrdreg s4  }
0xaa: {  	[dreg:$0x4] =	wrdreg $0xC0  }
0xab: {  	_ =	task [dreg:s6], $0x5FFFF  }
0xac: {  	[dreg:$0x1] =	wrdreg $0xFFFFFFFF  }
0xad: {  	[dreg:$0x0] =	wrdreg $0x60  }
0xae: {  	[dreg:$0x2] =	wrdreg s24  }
0xaf: {  	[dreg:$0x3] =	wrdreg $0xC4000  }
0xb0: {  	[dreg:$0x4] =	wrdreg $0x0  }
0xb1: {  	[dreg:$0x5] =	wrdreg $0x9  }
0xb2: {  	_ =	task.clear_ibuf [dreg:s6], $0x6FFFF;
	_ =	strace $0x90000049  }
0xb3: {  	s29 =	simm.s32 $0x9;
	_ =	strace $0x8000004B  }
0xb4: {  	_ =	swait.ge [sflag:s29], $0x1  }
0xb5: {  	[sflag:s29] =	ssyncadd.s32 $0xFFFFFFFF  }
0xb6: {  	_ =	strace $0x9000004B  }
0xb7: {  	_ =	sfence  }
0xb8: {  	s30 =	sld [smem:$0x0];
	_ =	sdelay $0x2  }
0xb9: {  	s31 =	sshll.u32 s1, $0xD;
	s1 =	sshrl.u32 s1, $0x2  }
0xba: {  	s3 =	sand.u32 $0x4000, s31;
	s1 =	sadd.s32 s1, s30  }
0xbb: {  	s0 =	sor.u32 s3, s0;
	s1 =	sshll.u32 s1, $0x11  }
0xbc: {  	s0 =	sor.u32 s1, s0  }
0xbd: {  	s0 =	sadd.s32 $0x8F2B, s0  }
0xbe: {  	[sflag:s0] =	ssyncadd.remote.s32 $0x1  }
0xbf: {  	_ =	sfence.sel $0xFFFF  }
0xc0: {  	[dreg:$0x0] =	wrdreg $0xFFFFFFFF;
	(pc) =	sbr.abs _section_cstart, $3  }
0xc1: {  	[dreg:$0x1] =	wrdreg $0xFFFFFFFF  }
0xc2: {  	_ =	task.clear_ibuf [dreg:s6], $0x2FFFF;
	_ =	strace $0x9FFFFFFF  }
0xc3: {  	(tm) =	ssettm $0x7FFFFFFF  }
tec
execute0_lowered:
.L_overlay_start_1:
0x0: {  	(tag) =	ssettag $0x1  }
0x1: {  	s0 =	rddreg [dreg:$0x0]  }
0x2: {  	s2 =	rddreg [dreg:$0x1]  }
0x3: {  	s3 =	rddreg [dreg:$0x2];
	s4 =	simm.s32 $0x0  }
0x4: {  	s1 =	srdreg.scid;
	s14 =	simm.s32 $0x18880;
	[smem:$0x7FF] =	sst s4  }
0x5: {  	s16 =	simm.s32 $0x18900;
	_ =	strace $0x8000004A;
	[dreg:$0x8] =	wrdreg s14  }
0x6: {  	s13 =	stileid.u32;
	s17 =	simm.s32 $0x18980;
	[dreg:$0x9] =	wrdreg s16  }
0x7: {  	s18 =	simm.s32 $0x18A00;
	s19 =	simm.s32 $0x18A80;
	[dreg:$0xa] =	wrdreg s17  }
0x8: {  	s21 =	simm.s32 $0x18B00;
	s22 =	simm.s32 $0x18B80;
	[dreg:$0xb] =	wrdreg s18  }
0x9: {  	s23 =	simm.s32 $0x18C80;
	s24 =	simm.s32 $0x18D00;
	[dreg:$0xc] =	wrdreg s19  }
0xa: {  	s25 =	simm.s32 $0x18D80;
	s28 =	simm.s32 $0x1B800;
	[dreg:$0xd] =	wrdreg s21  }
0xb: {  	s29 =	simm.s32 $0x1BC00;
	s30 =	simm.s32 $0x1C000;
	[dreg:$0xe] =	wrdreg s22  }
0xc: {  	s31 =	simm.s32 $0x1C400;
	s6 =	smul.u32 $0xC6, s13;
	[dreg:$0xf] =	wrdreg s23  }
0xd: {  	s1 =	sand.u32 $0x1, s1;
	s7 =	smul.u32 $0x1880, s13;
	[dreg:$0x10] =	wrdreg s24  }
0xe: {  	s26 =	sadd.s32 $0x1800, s0;
	[dreg:$0x11] =	wrdreg s25;
	s16 =	simm.s32 $0x19200  }
0xf: {  	s9 =	sadd.s32 $0x1B9000, s0;
	s17 =	simm.s32 $0x19280;
	[dreg:$0x19] =	wrdreg s16  }
0x10: {  	s12 =	smul.u32 $0x6300, s13;
	s18 =	simm.s32 $0x19300;
	[dreg:$0x1a] =	wrdreg s17  }
0x11: {  	s5 =	smul.u32 $0xC60, s1;
	s19 =	simm.s32 $0x19380;
	[dreg:$0x1b] =	wrdreg s18  }
0x12: {  	s8 =	smul.u32 $0xC4000, s1;
	s21 =	simm.s32 $0x19500;
	[dreg:$0x1c] =	wrdreg s19  }
0x13: {  	s11 =	smul.u32 $0x63000, s1;
	s22 =	simm.s32 $0x19580;
	[dreg:$0x1e] =	wrdreg s21  }
0x14: {  	s1 =	ssub.s32 $0x2, s1;
	s23 =	simm.s32 $0x19600;
	[dreg:$0x1f] =	wrdreg s22  }
0x15: {  	s24 =	simm.s32 $0x19680;
	s25 =	simm.s32 $0x19700;
	[smem:$0x7F7] =	sst s23  }
0x16: {  	s20 =	sshrl.u32 s1, $0x1;
	[smem:$0x7F8] =	sst s24;
	s22 =	simm.s32 $0x1B400  }
0x17: {  	[smem:$0x7F9] =	sst s25;
	s23 =	simm.s32 $0x19000;
	s24 =	simm.s32 $0x19400  }
0x18: {  	s25 =	simm.s32 $0x2;
	s17 =	simm.s32 $0x19C00;
	s18 =	simm.s32 $0x1A000  }
0x19: {  	s19 =	simm.s32 $0x1A400;
	s21 =	simm.s32 $0x1AC00;
	s5 =	sadd.s32 s6, s5  }
0x1a: {  	s6 =	sadd.s32 s11, s26;
	s1 =	ssub.s32 s1, s20;
	s20 =	simm.s32 $0x19480  }
0x1b: {  	s5 =	sshll.u32 s5, $0x7;
	s1 =	smax.u32 s1, $0x1;
	[dreg:$0x1d] =	wrdreg s20  }
0x1c: {  	s20 =	simm.s32 $0x1A800;
	s10 =	sadd.s32 s5, s26;
	s5 =	sadd.s32 s5, s9  }
0x1d: {  	s9 =	sadd.s32 s11, s9;
	s11 =	sadd.s32 s12, s6;
	[smem:$0x7F5] =	sst s1  }
0x1e: {  	s26 =	smul.u32 $0x31000, s13;
	s10 =	sadd.s32 $0x80, s10;
	[dreg:$0x7] =	wrdreg s11  }
0x1f: {  	s1 =	simm.s32 $0x1CC00;
	s5 =	sadd.s32 $0x80, s5;
	[dreg:$0x4] =	wrdreg s10  }
0x20: {  	s9 =	sadd.s32 s12, s9;
	s12 =	sadd.s32 s7, s0;
	[dreg:$0x5] =	wrdreg s5  }
0x21: {  	s11 =	simm.s32 $0x19080;
	s10 =	smul.u32 $0xC400, s13;
	[dreg:$0x6] =	wrdreg s9  }
0x22: {  	s6 =	sadd.s32 $0xC7800, s12;
	s5 =	sshrl.u32 s26, $0x2;
	[dreg:$0x16] =	wrdreg s11  }
0x23: {  	s9 =	simm.s32 $0x18F00;
	s12 =	simm.s32 $0x19100;
	[smem:$0x7F6] =	sst s6  }
0x24: {  	s11 =	simm.s32 $0x3;
	s26 =	simm.s32 $0x19780;
	[dreg:$0x14] =	wrdreg s9  }
0x25: {  	s13 =	sadd.s32 s5, s2;
	s14 =	sadd.s32 s5, s3;
	[dreg:$0x17] =	wrdreg s12  }
0x26: {  	s9 =	simm.s32 $0x1D800;
	[smem:$0x7FA] =	sst s26;
	s26 =	simm.s32 $0x1  }
0x27: {  	s5 =	simm.s32 $0x1D000;
	s6 =	simm.s32 $0x1D400;
	[smem:$0x7FC] =	sst s13  }
0x28: {  	s15 =	sadd.s32 s10, s8;
	s8 =	simm.s32 $0x18E80;
	[smem:$0x7FD] =	sst s14  }
0x29: {  	s7 =	sshrl.u32 s15, $0x3;
	[dreg:$0x13] =	wrdreg s8;
	s15 =	simm.s32 $0x19180  }
0x2a: {  	s0 =	sadd.s32 s7, s0;
	s7 =	simm.s32 $0x18E00;
	[dreg:$0x18] =	wrdreg s15  }
0x2b: {  	s8 =	simm.s32 $0x0;
	s0 =	sadd.s32 $0xE0000, s0;
	[dreg:$0x12] =	wrdreg s7  }
0x2c: {  	[smem:$0x7F4] =	sst s0;
	s0 =	sadd.s32 s10, s3;
	s10 =	simm.s32 $0x18F80  }
0x2d: {  	s15 =	simm.s32 $0x80;
	[dreg:$0x15] =	wrdreg s10;
	s0 =	sshrl.u32 s0, $0x3  }
0x2e: {  	v0 =	vimm.f32 $0.0e+00;
	s10 =	simm.s32 $0x19800;
	[smem:$0x7FB] =	sst s0;
	s0 =	simm.s32 $0x1C800  }
.LBB2_1:
0x2f: {  	[smem:$0x7F3] =	sst s8;
	s7 =	simm.s32 $0x0  }
.LBB2_2:
0x30: {  	p0 =	sne.s32 s7, $0xDE0  }
.Ltmp0:
0x31: {  	_ = 	snop;
	(pc) =	sbr.rel @p0 .LBB2_2-.Ltmp0, $3  }
0x32: {  	_ =	sdelay $0x1  }
0x33: {  	s8 =	sshra.s32 s7, $0x2  }
0x34: {  	s7 =	sadd.s32 $0x20, s7;
	[tilespmem:s8+$0x1D800] =	vst.msk $0xff, v0  }
0x35: {  	s8 =	sld [smem:$0x7F6];
	_ =	sdelay $0x2  }
0x36: {  	[tilespmem:s10], [sflag:$0x3] =	stream.linear.gather [hbm4b:s8+s4], $0x380, $0x38;
	[tilespmem:$0x1DB80] =	vst v63  }
0x37: {  	_ =	swait.ge [sflag:s11], $0x380  }
0x38: {  	[sflag:s11] =	ssyncset.done $0x0  }
0x39: {  	s7 =	sadd.s32 $0x0, s13;
	[sflag:s11] =	ssyncadd.s32 $0xFFFFFC80  }
0x3a: {  	[spmem:s7] =	stream.linear.scatter [tilespmem:s10], [sflag:$0x3], $0x380, $0x38;
	[tilespmem:$0x1DB80] =	vst v63  }
0x3b: {  	_ =	swait.ge [sflag:s11], $0x380  }
0x3c: {  	[sflag:s11] =	ssyncset.done $0x0  }
0x3d: {  	s16 =	sadd.s32 $0x0, s14;
	[sflag:s11] =	ssyncadd.s32 $0xFFFFFC80  }
0x3e: {  	[spmem:s16] =	stream.linear.scatter [tilespmem:s9], [sflag:$0x3], $0x380, $0x38;
	[tilespmem:$0x1DB80] =	vst v63  }
0x3f: {  	_ =	swait.ge [sflag:s11], $0x380  }
0x40: {  	s7 =	simm.s32 $0xE00;
	s16 =	simm.s32 $0x1D800;
	[sflag:s11] =	ssyncset.done $0x0  }
.LBB2_4:
0x41: {  	p0 =	sne.s32 s7, $0x30200;
	[sflag:s11] =	ssyncadd.s32 $0xFFFFFC80;
	s8 =	sadd.s32 $0x70, s8  }
0x42: {  	[tilespmem:s10], [sflag:$0x3] =	stream.linear.gather [hbm4b:s8+s4], $0x380, $0x38;
	[tilespmem:$0x1DB80] =	vst v63  }
0x43: {  	s9 =	smov.u32 s7;
	s7 =	sadd.s32 $0xE00, s7;
	_ =	swait.ge [sflag:s11], $0x380  }
0x44: {  	s9 =	sshra.s32 s9, $0x2;
	[sflag:s11] =	ssyncset.done $0x0  }
0x45: {  	s12 =	sadd.s32 s9, s13;
	[sflag:s11] =	ssyncadd.s32 $0xFFFFFC80  }
0x46: {  	[spmem:s12] =	stream.linear.scatter [tilespmem:s10], [sflag:$0x3], $0x380, $0x38;
	[tilespmem:$0x1DB80] =	vst v63  }
0x47: {  	_ =	swait.ge [sflag:s11], $0x380  }
.Ltmp1:
0x48: {  	[sflag:s11] =	ssyncset.done $0x0;
	(pc) =	sbr.rel @p0 .LBB2_4-.Ltmp1, $4  }
0x49: {  	s9 =	sadd.s32 s9, s14;
	[sflag:s11] =	ssyncadd.s32 $0xFFFFFC80  }
0x4a: {  	[spmem:s9] =	stream.linear.scatter [tilespmem:s16], [sflag:$0x3], $0x380, $0x38;
	[tilespmem:$0x1DB80] =	vst v63  }
0x4b: {  	_ =	swait.ge [sflag:s11], $0x380  }
0x4c: {  	[sflag:s11] =	ssyncset.done $0x0  }
0x4d: {  	[sflag:s11] =	ssyncadd.s32 $0xFFFFFC80  }
0x4e: {  	[bflag:$0x0] =	sbarrier.arrive $0xFFFF  }
0x4f: {  	s7 =	rddreg [dreg:$0x7]  }
0x50: {  	s16 =	simm.s32 $0x18800;
	s7 =	sadd.s32 $0x0, s7  }
0x51: {  	[tilespmem:s16], [sflag:$0x3] =	stream.linear.gather [hbm4b:s7+s4], $0x400, $0x38;
	[tilespmem:$0x1DB80] =	vst v63  }
0x52: {  	_ =	swait.ge [sflag:s11], $0x400  }
0x53: {  	s9 =	rddreg [dreg:$0x6];
	[sflag:s11] =	ssyncset.done $0x0  }
0x54: {  	s13 =	simm.s32 $0x18C00;
	[sflag:s11] =	ssyncadd.s32 $0xFFFFFC00;
	s7 =	sadd.s32 $0x0, s9  }
0x55: {  	[tilespmem:s13], [sflag:$0x3] =	stream.linear.gather [hbm4b:s7+s4], $0x400, $0x38;
	[tilespmem:$0x1DB80] =	vst v63  }
0x56: {  	_ =	swait.ge [sflag:s11], $0x400  }
0x57: {  	[sflag:s11] =	ssyncset.done $0x0  }
0x58: {  	s7 =	rddreg [dreg:$0x4];
	[sflag:s11] =	ssyncadd.s32 $0xFFFFFC00  }
0x59: {  	[tilespmem:s10], [sflag:$0x1] =	stream.indirect.gather [spmem:s2], $0x8, s16, s15, $0xb8;
	[tilespmem:$0x1DB80] =	vst v63  }
0x5a: {  	s8 =	rddreg [dreg:$0x8]  }
0x5b: {  	[tilespmem:s17], [sflag:$0x1] =	stream.indirect.gather [spmem:s2], $0x8, s8, s15, $0xb8;
	[tilespmem:$0x1DB80] =	vst v63  }
0x5c: {  	s9 =	rddreg [dreg:$0x9]  }
0x5d: {  	[tilespmem:s18], [sflag:$0x1] =	stream.indirect.gather [spmem:s2], $0x8, s9, s15, $0xb8;
	[tilespmem:$0x1DB80] =	vst v63  }
0x5e: {  	s12 =	rddreg [dreg:$0xa]  }
0x5f: {  	[tilespmem:s19], [sflag:$0x1] =	stream.indirect.gather [spmem:s2], $0x8, s12, s15, $0xb8;
	[tilespmem:$0x1DB80] =	vst v63  }
0x60: {  	s14 =	rddreg [dreg:$0xb]  }
0x61: {  	[tilespmem:s20], [sflag:$0x1] =	stream.indirect.gather [spmem:s2], $0x8, s14, s15, $0xb8;
	[tilespmem:$0x1DB80] =	vst v63  }
0x62: {  	s12 =	rddreg [dreg:$0xc]  }
0x63: {  	[tilespmem:s21], [sflag:$0x1] =	stream.indirect.gather [spmem:s2], $0x8, s12, s15, $0xb8;
	[tilespmem:$0x1DB80] =	vst v63  }
0x64: {  	s9 =	rddreg [dreg:$0xd];
	s12 =	simm.s32 $0x1B000  }
0x65: {  	[tilespmem:s12], [sflag:$0x1] =	stream.indirect.gather [spmem:s2], $0x8, s9, s15, $0xb8;
	[tilespmem:$0x1DB80] =	vst v63  }
0x66: {  	s14 =	rddreg [dreg:$0xe]  }
0x67: {  	[tilespmem:s22], [sflag:$0x1] =	stream.indirect.gather [spmem:s2], $0x8, s14, s15, $0xb8;
	[tilespmem:$0x1DB80] =	vst v63  }
0x68: {  	s7 =	sadd.s32 $0x0, s7  }
0x69: {  	[tilespmem:s23], [sflag:$0x3] =	stream.linear.gather [hbm4b:s7+s4], $0x400, $0x38;
	[tilespmem:$0x1DB80] =	vst v63  }
0x6a: {  	_ =	swait.ge [sflag:s11], $0x400  }
0x6b: {  	s8 =	rddreg [dreg:$0x5];
	[sflag:s11] =	ssyncset.done $0x0  }
0x6c: {  	[sflag:s11] =	ssyncadd.s32 $0xFFFFFC00;
	s7 =	sadd.s32 $0x0, s8  }
0x6d: {  	[tilespmem:s24], [sflag:$0x3] =	stream.linear.gather [hbm4b:s7+s4], $0x400, $0x38;
	[tilespmem:$0x1DB80] =	vst v63  }
0x6e: {  	_ =	swait.ge [sflag:s11], $0x400  }
0x6f: {  	[sflag:s11] =	ssyncset.done $0x0  }
0x70: {  	[sflag:s11] =	ssyncadd.s32 $0xFFFFFC00  }
0x71: {  	_ =	swait.ge [sflag:s26], $0x400  }
0x72: {  	[sflag:s26] =	ssyncset.done $0x0  }
0x73: {  	[sflag:s26] =	ssyncadd.s32 $0xFFFFFC00  }
0x74: {  	_ =	swait.ge [sflag:s26], $0x400  }
0x75: {  	[sflag:s26] =	ssyncset.done $0x0  }
0x76: {  	[sflag:s26] =	ssyncadd.s32 $0xFFFFFC00  }
0x77: {  	_ =	swait.ge [sflag:s26], $0x400  }
0x78: {  	[sflag:s26] =	ssyncset.done $0x0  }
0x79: {  	[sflag:s26] =	ssyncadd.s32 $0xFFFFFC00  }
0x7a: {  	_ =	swait.ge [sflag:s26], $0x400  }
0x7b: {  	[sflag:s26] =	ssyncset.done $0x0  }
0x7c: {  	[sflag:s26] =	ssyncadd.s32 $0xFFFFFC00  }
0x7d: {  	_ =	swait.ge [sflag:s26], $0x400  }
0x7e: {  	[sflag:s26] =	ssyncset.done $0x0  }
0x7f: {  	[sflag:s26] =	ssyncadd.s32 $0xFFFFFC00  }
0x80: {  	_ =	swait.ge [sflag:s26], $0x400  }
0x81: {  	[sflag:s26] =	ssyncset.done $0x0  }
0x82: {  	[sflag:s26] =	ssyncadd.s32 $0xFFFFFC00  }
0x83: {  	_ =	swait.ge [sflag:s26], $0x400  }
0x84: {  	[sflag:s26] =	ssyncset.done $0x0  }
0x85: {  	[sflag:s26] =	ssyncadd.s32 $0xFFFFFC00  }
0x86: {  	_ =	swait.ge [sflag:s26], $0x400  }
0x87: {  	[sflag:s26] =	ssyncset.done $0x0  }
0x88: {  	[sflag:s26] =	ssyncadd.s32 $0xFFFFFC00  }
0x89: {  	[spmem:s3] =	stream.indirect.scatter.add.f32 [tilespmem:s10], [sflag:$0x2], $0x8, s13, s15, $0xb8;
	[tilespmem:$0x1DB80] =	vst v63  }
0x8a: {  	s9 =	rddreg [dreg:$0xf]  }
0x8b: {  	[spmem:s3] =	stream.indirect.scatter.add.f32 [tilespmem:s17], [sflag:$0x2], $0x8, s9, s15, $0xb8;
	[tilespmem:$0x1DB80] =	vst v63  }
0x8c: {  	s14 =	rddreg [dreg:$0x10]  }
0x8d: {  	[spmem:s3] =	stream.indirect.scatter.add.f32 [tilespmem:s18], [sflag:$0x2], $0x8, s14, s15, $0xb8;
	[tilespmem:$0x1DB80] =	vst v63  }
0x8e: {  	s9 =	rddreg [dreg:$0x11]  }
0x8f: {  	[spmem:s3] =	stream.indirect.scatter.add.f32 [tilespmem:s19], [sflag:$0x2], $0x8, s9, s15, $0xb8;
	[tilespmem:$0x1DB80] =	vst v63  }
0x90: {  	s14 =	rddreg [dreg:$0x12]  }
0x91: {  	[spmem:s3] =	stream.indirect.scatter.add.f32 [tilespmem:s20], [sflag:$0x2], $0x8, s14, s15, $0xb8;
	[tilespmem:$0x1DB80] =	vst v63  }
0x92: {  	s9 =	rddreg [dreg:$0x13]  }
0x93: {  	[spmem:s3] =	stream.indirect.scatter.add.f32 [tilespmem:s21], [sflag:$0x2], $0x8, s9, s15, $0xb8;
	[tilespmem:$0x1DB80] =	vst v63  }
0x94: {  	s14 =	rddreg [dreg:$0x14]  }
0x95: {  	[spmem:s3] =	stream.indirect.scatter.add.f32 [tilespmem:s12], [sflag:$0x2], $0x8, s14, s15, $0xb8;
	[tilespmem:$0x1DB80] =	vst v63  }
0x96: {  	s9 =	rddreg [dreg:$0x15]  }
0x97: {  	[spmem:s3] =	stream.indirect.scatter.add.f32 [tilespmem:s22], [sflag:$0x2], $0x8, s9, s15, $0xb8;
	[tilespmem:$0x1DB80] =	vst v63  }
0x98: {  	_ = 	snop  }
0x99: {  	[tilespmem:s28], [sflag:$0x1] =	stream.indirect.gather [spmem:s2], $0x8, s23, s15, $0xb8;
	[tilespmem:$0x1DB80] =	vst v63  }
0x9a: {  	s14 =	rddreg [dreg:$0x16]  }
0x9b: {  	[tilespmem:s29], [sflag:$0x1] =	stream.indirect.gather [spmem:s2], $0x8, s14, s15, $0xb8;
	[tilespmem:$0x1DB80] =	vst v63  }
0x9c: {  	s22 =	rddreg [dreg:$0x17]  }
0x9d: {  	[tilespmem:s30], [sflag:$0x1] =	stream.indirect.gather [spmem:s2], $0x8, s22, s15, $0xb8;
	[tilespmem:$0x1DB80] =	vst v63  }
0x9e: {  	s9 =	rddreg [dreg:$0x18]  }
0x9f: {  	[tilespmem:s31], [sflag:$0x1] =	stream.indirect.gather [spmem:s2], $0x8, s9, s15, $0xb8;
	[tilespmem:$0x1DB80] =	vst v63  }
0xa0: {  	s12 =	rddreg [dreg:$0x19]  }
0xa1: {  	[tilespmem:s0], [sflag:$0x1] =	stream.indirect.gather [spmem:s2], $0x8, s12, s15, $0xb8;
	[tilespmem:$0x1DB80] =	vst v63  }
0xa2: {  	s14 =	rddreg [dreg:$0x1a]  }
0xa3: {  	[tilespmem:s1], [sflag:$0x1] =	stream.indirect.gather [spmem:s2], $0x8, s14, s15, $0xb8;
	[tilespmem:$0x1DB80] =	vst v63  }
0xa4: {  	s22 =	rddreg [dreg:$0x1b]  }
0xa5: {  	[tilespmem:s5], [sflag:$0x1] =	stream.indirect.gather [spmem:s2], $0x8, s22, s15, $0xb8;
	[tilespmem:$0x1DB80] =	vst v63  }
0xa6: {  	s9 =	rddreg [dreg:$0x1c]  }
0xa7: {  	[tilespmem:s6], [sflag:$0x1] =	stream.indirect.gather [spmem:s2], $0x8, s9, s15, $0xb8;
	[tilespmem:$0x1DB80] =	vst v63  }
0xa8: {  	_ =	swait.ge [sflag:s26], $0x400  }
0xa9: {  	[sflag:s26] =	ssyncset.done $0x0  }
0xaa: {  	[sflag:s26] =	ssyncadd.s32 $0xFFFFFC00  }
0xab: {  	_ =	swait.ge [sflag:s26], $0x400  }
0xac: {  	[sflag:s26] =	ssyncset.done $0x0  }
0xad: {  	[sflag:s26] =	ssyncadd.s32 $0xFFFFFC00  }
0xae: {  	_ =	swait.ge [sflag:s26], $0x400  }
0xaf: {  	[sflag:s26] =	ssyncset.done $0x0  }
0xb0: {  	[sflag:s26] =	ssyncadd.s32 $0xFFFFFC00  }
0xb1: {  	_ =	swait.ge [sflag:s26], $0x400  }
0xb2: {  	[sflag:s26] =	ssyncset.done $0x0  }
0xb3: {  	[sflag:s26] =	ssyncadd.s32 $0xFFFFFC00  }
0xb4: {  	_ =	swait.ge [sflag:s26], $0x400  }
0xb5: {  	[sflag:s26] =	ssyncset.done $0x0  }
0xb6: {  	[sflag:s26] =	ssyncadd.s32 $0xFFFFFC00  }
0xb7: {  	_ =	swait.ge [sflag:s26], $0x400  }
0xb8: {  	[sflag:s26] =	ssyncset.done $0x0  }
0xb9: {  	[sflag:s26] =	ssyncadd.s32 $0xFFFFFC00  }
0xba: {  	_ =	swait.ge [sflag:s26], $0x400  }
0xbb: {  	[sflag:s26] =	ssyncset.done $0x0  }
0xbc: {  	[sflag:s26] =	ssyncadd.s32 $0xFFFFFC00  }
0xbd: {  	_ =	swait.ge [sflag:s26], $0x400  }
0xbe: {  	[sflag:s26] =	ssyncset.done $0x0  }
0xbf: {  	s12 =	rddreg [dreg:$0x1d];
	[sflag:s26] =	ssyncadd.s32 $0xFFFFFC00  }
0xc0: {  	[spmem:s3] =	stream.indirect.scatter.add.f32 [tilespmem:s28], [sflag:$0x2], $0x8, s24, s15, $0xb8;
	[tilespmem:$0x1DB80] =	vst v63  }
0xc1: {  	s14 =	rddreg [dreg:$0x1e]  }
0xc2: {  	[spmem:s3] =	stream.indirect.scatter.add.f32 [tilespmem:s29], [sflag:$0x2], $0x8, s12, s15, $0xb8;
	[tilespmem:$0x1DB80] =	vst v63  }
0xc3: {  	s22 =	rddreg [dreg:$0x1f]  }
0xc4: {  	[spmem:s3] =	stream.indirect.scatter.add.f32 [tilespmem:s30], [sflag:$0x2], $0x8, s14, s15, $0xb8;
	[tilespmem:$0x1DB80] =	vst v63  }
0xc5: {  	s9 =	sld [smem:$0x7F7]  }
0xc6: {  	[spmem:s3] =	stream.indirect.scatter.add.f32 [tilespmem:s31], [sflag:$0x2], $0x8, s22, s15, $0xb8;
	[tilespmem:$0x1DB80] =	vst v63  }
0xc7: {  	s12 =	sld [smem:$0x7F8]  }
0xc8: {  	[spmem:s3] =	stream.indirect.scatter.add.f32 [tilespmem:s0], [sflag:$0x2], $0x8, s9, s15, $0xb8;
	[tilespmem:$0x1DB80] =	vst v63  }
0xc9: {  	s14 =	sld [smem:$0x7F9]  }
0xca: {  	[spmem:s3] =	stream.indirect.scatter.add.f32 [tilespmem:s1], [sflag:$0x2], $0x8, s12, s15, $0xb8;
	[tilespmem:$0x1DB80] =	vst v63  }
0xcb: {  	s22 =	sld [smem:$0x7FA]  }
0xcc: {  	[spmem:s3] =	stream.indirect.scatter.add.f32 [tilespmem:s5], [sflag:$0x2], $0x8, s14, s15, $0xb8;
	[tilespmem:$0x1DB80] =	vst v63  }
0xcd: {  	_ = 	snop  }
0xce: {  	[spmem:s3] =	stream.indirect.scatter.add.f32 [tilespmem:s6], [sflag:$0x2], $0x8, s22, s15, $0xb8;
	[tilespmem:$0x1DB80] =	vst v63  }
0xcf: {  	_ =	swait.ge [sflag:s25], $0x400  }
0xd0: {  	[sflag:s25] =	ssyncset.done $0x0  }
0xd1: {  	[sflag:s25] =	ssyncadd.s32 $0xFFFFFC00  }
0xd2: {  	_ =	swait.ge [sflag:s25], $0x400  }
0xd3: {  	[sflag:s25] =	ssyncset.done $0x0  }
0xd4: {  	[sflag:s25] =	ssyncadd.s32 $0xFFFFFC00  }
0xd5: {  	_ =	swait.ge [sflag:s25], $0x400  }
0xd6: {  	[sflag:s25] =	ssyncset.done $0x0  }
0xd7: {  	[sflag:s25] =	ssyncadd.s32 $0xFFFFFC00  }
0xd8: {  	_ =	swait.ge [sflag:s25], $0x400  }
0xd9: {  	[sflag:s25] =	ssyncset.done $0x0  }
0xda: {  	[sflag:s25] =	ssyncadd.s32 $0xFFFFFC00  }
0xdb: {  	_ =	swait.ge [sflag:s25], $0x400  }
0xdc: {  	[sflag:s25] =	ssyncset.done $0x0  }
0xdd: {  	[sflag:s25] =	ssyncadd.s32 $0xFFFFFC00  }
0xde: {  	_ =	swait.ge [sflag:s25], $0x400  }
0xdf: {  	[sflag:s25] =	ssyncset.done $0x0  }
0xe0: {  	[sflag:s25] =	ssyncadd.s32 $0xFFFFFC00  }
0xe1: {  	_ =	swait.ge [sflag:s25], $0x400  }
0xe2: {  	[sflag:s25] =	ssyncset.done $0x0  }
0xe3: {  	[sflag:s25] =	ssyncadd.s32 $0xFFFFFC00  }
0xe4: {  	_ =	swait.ge [sflag:s25], $0x400  }
0xe5: {  	[sflag:s25] =	ssyncset.done $0x0  }
0xe6: {  	[sflag:s25] =	ssyncadd.s32 $0xFFFFFC00  }
0xe7: {  	_ =	swait.ge [sflag:s25], $0x400  }
0xe8: {  	[sflag:s25] =	ssyncset.done $0x0  }
0xe9: {  	[sflag:s25] =	ssyncadd.s32 $0xFFFFFC00  }
0xea: {  	_ =	swait.ge [sflag:s25], $0x400  }
0xeb: {  	[sflag:s25] =	ssyncset.done $0x0  }
0xec: {  	[sflag:s25] =	ssyncadd.s32 $0xFFFFFC00  }
0xed: {  	_ =	swait.ge [sflag:s25], $0x400  }
0xee: {  	[sflag:s25] =	ssyncset.done $0x0  }
0xef: {  	[sflag:s25] =	ssyncadd.s32 $0xFFFFFC00  }
0xf0: {  	_ =	swait.ge [sflag:s25], $0x400  }
0xf1: {  	[sflag:s25] =	ssyncset.done $0x0  }
0xf2: {  	[sflag:s25] =	ssyncadd.s32 $0xFFFFFC00  }
0xf3: {  	_ =	swait.ge [sflag:s25], $0x400  }
0xf4: {  	[sflag:s25] =	ssyncset.done $0x0  }
0xf5: {  	[sflag:s25] =	ssyncadd.s32 $0xFFFFFC00  }
0xf6: {  	_ =	swait.ge [sflag:s25], $0x400  }
0xf7: {  	[sflag:s25] =	ssyncset.done $0x0  }
0xf8: {  	[sflag:s25] =	ssyncadd.s32 $0xFFFFFC00  }
0xf9: {  	_ =	swait.ge [sflag:s25], $0x400  }
0xfa: {  	[sflag:s25] =	ssyncset.done $0x0  }
0xfb: {  	[sflag:s25] =	ssyncadd.s32 $0xFFFFFC00  }
0xfc: {  	s7 =	simm.s32 $0x100;
	_ =	swait.ge [sflag:s25], $0x400  }
0xfd: {  	s12 =	simm.s32 $0x200;
	s9 =	rddreg [dreg:$0x7];
	[sflag:s25] =	ssyncset.done $0x0  }
.LBB2_6:
0xfe: {  	[sflag:s25] =	ssyncadd.s32 $0xFFFFFC00;
	s9 =	sadd.s32 s7, s9  }
0xff: {  	[tilespmem:s16], [sflag:$0x3] =	stream.linear.gather [hbm4b:s9+s4], $0x400, $0x38;
	[tilespmem:$0x1DB80] =	vst v63  }
0x100: {  	_ =	swait.ge [sflag:s11], $0x400  }
0x101: {  	s22 =	rddreg [dreg:$0x6];
	[sflag:s11] =	ssyncset.done $0x0  }
0x102: {  	[sflag:s11] =	ssyncadd.s32 $0xFFFFFC00;
	s9 =	sadd.s32 s7, s22  }
0x103: {  	[tilespmem:s13], [sflag:$0x3] =	stream.linear.gather [hbm4b:s9+s4], $0x400, $0x38;
	[tilespmem:$0x1DB80] =	vst v63  }
0x104: {  	_ =	swait.ge [sflag:s11], $0x400  }
0x105: {  	[sflag:s11] =	ssyncset.done $0x0  }
0x106: {  	s9 =	rddreg [dreg:$0x4];
	[sflag:s11] =	ssyncadd.s32 $0xFFFFFC00  }
0x107: {  	[tilespmem:s10], [sflag:$0x1] =	stream.indirect.gather [spmem:s2], $0x8, s16, s15, $0xb8;
	[tilespmem:$0x1DB80] =	vst v63  }
0x108: {  	s13 =	rddreg [dreg:$0x8]  }
0x109: {  	[tilespmem:s17], [sflag:$0x1] =	stream.indirect.gather [spmem:s2], $0x8, s13, s15, $0xb8;
	[tilespmem:$0x1DB80] =	vst v63  }
0x10a: {  	s14 =	rddreg [dreg:$0x9]  }
0x10b: {  	[tilespmem:s18], [sflag:$0x1] =	stream.indirect.gather [spmem:s2], $0x8, s14, s15, $0xb8;
	[tilespmem:$0x1DB80] =	vst v63  }
0x10c: {  	s13 =	rddreg [dreg:$0xa]  }
0x10d: {  	[tilespmem:s19], [sflag:$0x1] =	stream.indirect.gather [spmem:s2], $0x8, s13, s15, $0xb8;
	[tilespmem:$0x1DB80] =	vst v63  }
0x10e: {  	s14 =	rddreg [dreg:$0xb]  }
0x10f: {  	[tilespmem:s20], [sflag:$0x1] =	stream.indirect.gather [spmem:s2], $0x8, s14, s15, $0xb8;
	[tilespmem:$0x1DB80] =	vst v63  }
0x110: {  	s13 =	rddreg [dreg:$0xc]  }
0x111: {  	[tilespmem:s21], [sflag:$0x1] =	stream.indirect.gather [spmem:s2], $0x8, s13, s15, $0xb8;
	[tilespmem:$0x1DB80] =	vst v63  }
0x112: {  	s22 =	simm.s32 $0x1B000;
	s14 =	rddreg [dreg:$0xd]  }
0x113: {  	[tilespmem:s22], [sflag:$0x1] =	stream.indirect.gather [spmem:s2], $0x8, s14, s15, $0xb8;
	[tilespmem:$0x1DB80] =	vst v63  }
0x114: {  	s13 =	rddreg [dreg:$0xe];
	s22 =	simm.s32 $0x1B400  }
0x115: {  	[tilespmem:s22], [sflag:$0x1] =	stream.indirect.gather [spmem:s2], $0x8, s13, s15, $0xb8;
	[tilespmem:$0x1DB80] =	vst v63  }
0x116: {  	s9 =	sadd.s32 s7, s9  }
0x117: {  	[tilespmem:s23], [sflag:$0x3] =	stream.linear.gather [hbm4b:s9+s4], $0x400, $0x38;
	[tilespmem:$0x1DB80] =	vst v63  }
0x118: {  	_ =	swait.ge [sflag:s11], $0x400  }
0x119: {  	s9 =	rddreg [dreg:$0x5];
	[sflag:s11] =	ssyncset.done $0x0  }
0x11a: {  	[sflag:s11] =	ssyncadd.s32 $0xFFFFFC00;
	s9 =	sadd.s32 s7, s9  }
0x11b: {  	[tilespmem:s24], [sflag:$0x3] =	stream.linear.gather [hbm4b:s9+s4], $0x400, $0x38;
	[tilespmem:$0x1DB80] =	vst v63  }
0x11c: {  	_ =	swait.ge [sflag:s11], $0x400  }
0x11d: {  	[sflag:s11] =	ssyncset.done $0x0  }
0x11e: {  	[sflag:s11] =	ssyncadd.s32 $0xFFFFFC00  }
0x11f: {  	_ =	swait.ge [sflag:s26], $0x400  }
0x120: {  	[sflag:s26] =	ssyncset.done $0x0  }
0x121: {  	[sflag:s26] =	ssyncadd.s32 $0xFFFFFC00  }
0x122: {  	_ =	swait.ge [sflag:s26], $0x400  }
0x123: {  	[sflag:s26] =	ssyncset.done $0x0  }
0x124: {  	[sflag:s26] =	ssyncadd.s32 $0xFFFFFC00  }
0x125: {  	_ =	swait.ge [sflag:s26], $0x400  }
0x126: {  	[sflag:s26] =	ssyncset.done $0x0  }
0x127: {  	[sflag:s26] =	ssyncadd.s32 $0xFFFFFC00  }
0x128: {  	_ =	swait.ge [sflag:s26], $0x400  }
0x129: {  	[sflag:s26] =	ssyncset.done $0x0  }
0x12a: {  	[sflag:s26] =	ssyncadd.s32 $0xFFFFFC00  }
0x12b: {  	_ =	swait.ge [sflag:s26], $0x400  }
0x12c: {  	[sflag:s26] =	ssyncset.done $0x0  }
0x12d: {  	[sflag:s26] =	ssyncadd.s32 $0xFFFFFC00  }
0x12e: {  	_ =	swait.ge [sflag:s26], $0x400  }
0x12f: {  	[sflag:s26] =	ssyncset.done $0x0  }
0x130: {  	[sflag:s26] =	ssyncadd.s32 $0xFFFFFC00  }
0x131: {  	_ =	swait.ge [sflag:s26], $0x400  }
0x132: {  	[sflag:s26] =	ssyncset.done $0x0  }
0x133: {  	[sflag:s26] =	ssyncadd.s32 $0xFFFFFC00  }
0x134: {  	_ =	swait.ge [sflag:s26], $0x400  }
0x135: {  	[sflag:s26] =	ssyncset.done $0x0  }
0x136: {  	s8 =	smov.u32 s12;
	s13 =	simm.s32 $0x18C00;
	[sflag:s26] =	ssyncadd.s32 $0xFFFFFC00  }
0x137: {  	[spmem:s3] =	stream.indirect.scatter.add.f32 [tilespmem:s10], [sflag:$0x2], $0x8, s13, s15, $0xb8;
	[tilespmem:$0x1DB80] =	vst v63  }
0x138: {  	s7 =	smov.u32 s8;
	s8 =	rddreg [dreg:$0xf]  }
0x139: {  	[spmem:s3] =	stream.indirect.scatter.add.f32 [tilespmem:s17], [sflag:$0x2], $0x8, s8, s15, $0xb8;
	[tilespmem:$0x1DB80] =	vst v63  }
0x13a: {  	s9 =	rddreg [dreg:$0x10]  }
0x13b: {  	[spmem:s3] =	stream.indirect.scatter.add.f32 [tilespmem:s18], [sflag:$0x2], $0x8, s9, s15, $0xb8;
	[tilespmem:$0x1DB80] =	vst v63  }
0x13c: {  	s8 =	rddreg [dreg:$0x11]  }
0x13d: {  	[spmem:s3] =	stream.indirect.scatter.add.f32 [tilespmem:s19], [sflag:$0x2], $0x8, s8, s15, $0xb8;
	[tilespmem:$0x1DB80] =	vst v63  }
0x13e: {  	s9 =	rddreg [dreg:$0x12]  }
0x13f: {  	[spmem:s3] =	stream.indirect.scatter.add.f32 [tilespmem:s20], [sflag:$0x2], $0x8, s9, s15, $0xb8;
	[tilespmem:$0x1DB80] =	vst v63  }
0x140: {  	s8 =	rddreg [dreg:$0x13]  }
0x141: {  	[spmem:s3] =	stream.indirect.scatter.add.f32 [tilespmem:s21], [sflag:$0x2], $0x8, s8, s15, $0xb8;
	[tilespmem:$0x1DB80] =	vst v63  }
0x142: {  	s14 =	simm.s32 $0x1B000;
	s9 =	rddreg [dreg:$0x14]  }
0x143: {  	[spmem:s3] =	stream.indirect.scatter.add.f32 [tilespmem:s14], [sflag:$0x2], $0x8, s9, s15, $0xb8;
	[tilespmem:$0x1DB80] =	vst v63  }
0x144: {  	s8 =	rddreg [dreg:$0x15]  }
0x145: {  	[spmem:s3] =	stream.indirect.scatter.add.f32 [tilespmem:s22], [sflag:$0x2], $0x8, s8, s15, $0xb8;
	[tilespmem:$0x1DB80] =	vst v63  }
0x146: {  	_ = 	snop  }
0x147: {  	[tilespmem:s28], [sflag:$0x1] =	stream.indirect.gather [spmem:s2], $0x8, s23, s15, $0xb8;
	[tilespmem:$0x1DB80] =	vst v63  }
0x148: {  	s8 =	rddreg [dreg:$0x16]  }
0x149: {  	[tilespmem:s29], [sflag:$0x1] =	stream.indirect.gather [spmem:s2], $0x8, s8, s15, $0xb8;
	[tilespmem:$0x1DB80] =	vst v63  }
0x14a: {  	s9 =	rddreg [dreg:$0x17]  }
0x14b: {  	[tilespmem:s30], [sflag:$0x1] =	stream.indirect.gather [spmem:s2], $0x8, s9, s15, $0xb8;
	[tilespmem:$0x1DB80] =	vst v63  }
0x14c: {  	s8 =	rddreg [dreg:$0x18]  }
0x14d: {  	[tilespmem:s31], [sflag:$0x1] =	stream.indirect.gather [spmem:s2], $0x8, s8, s15, $0xb8;
	[tilespmem:$0x1DB80] =	vst v63  }
0x14e: {  	s9 =	rddreg [dreg:$0x19]  }
0x14f: {  	[tilespmem:s0], [sflag:$0x1] =	stream.indirect.gather [spmem:s2], $0x8, s9, s15, $0xb8;
	[tilespmem:$0x1DB80] =	vst v63  }
0x150: {  	s8 =	rddreg [dreg:$0x1a]  }
0x151: {  	[tilespmem:s1], [sflag:$0x1] =	stream.indirect.gather [spmem:s2], $0x8, s8, s15, $0xb8;
	[tilespmem:$0x1DB80] =	vst v63  }
0x152: {  	s9 =	rddreg [dreg:$0x1b]  }
0x153: {  	[tilespmem:s5], [sflag:$0x1] =	stream.indirect.gather [spmem:s2], $0x8, s9, s15, $0xb8;
	[tilespmem:$0x1DB80] =	vst v63  }
0x154: {  	s8 =	rddreg [dreg:$0x1c]  }
0x155: {  	[tilespmem:s6], [sflag:$0x1] =	stream.indirect.gather [spmem:s2], $0x8, s8, s15, $0xb8;
	[tilespmem:$0x1DB80] =	vst v63  }
0x156: {  	_ =	swait.ge [sflag:s26], $0x400  }
0x157: {  	[sflag:s26] =	ssyncset.done $0x0  }
0x158: {  	[sflag:s26] =	ssyncadd.s32 $0xFFFFFC00  }
0x159: {  	_ =	swait.ge [sflag:s26], $0x400  }
0x15a: {  	[sflag:s26] =	ssyncset.done $0x0  }
0x15b: {  	[sflag:s26] =	ssyncadd.s32 $0xFFFFFC00  }
0x15c: {  	_ =	swait.ge [sflag:s26], $0x400  }
0x15d: {  	[sflag:s26] =	ssyncset.done $0x0  }
0x15e: {  	[sflag:s26] =	ssyncadd.s32 $0xFFFFFC00  }
0x15f: {  	_ =	swait.ge [sflag:s26], $0x400  }
0x160: {  	[sflag:s26] =	ssyncset.done $0x0  }
0x161: {  	[sflag:s26] =	ssyncadd.s32 $0xFFFFFC00  }
0x162: {  	_ =	swait.ge [sflag:s26], $0x400  }
0x163: {  	[sflag:s26] =	ssyncset.done $0x0  }
0x164: {  	[sflag:s26] =	ssyncadd.s32 $0xFFFFFC00  }
0x165: {  	_ =	swait.ge [sflag:s26], $0x400  }
0x166: {  	[sflag:s26] =	ssyncset.done $0x0  }
0x167: {  	[sflag:s26] =	ssyncadd.s32 $0xFFFFFC00  }
0x168: {  	_ =	swait.ge [sflag:s26], $0x400  }
0x169: {  	[sflag:s26] =	ssyncset.done $0x0  }
0x16a: {  	[sflag:s26] =	ssyncadd.s32 $0xFFFFFC00  }
0x16b: {  	_ =	swait.ge [sflag:s26], $0x400  }
0x16c: {  	[sflag:s26] =	ssyncset.done $0x0  }
0x16d: {  	s8 =	rddreg [dreg:$0x1d];
	[sflag:s26] =	ssyncadd.s32 $0xFFFFFC00  }
0x16e: {  	[spmem:s3] =	stream.indirect.scatter.add.f32 [tilespmem:s28], [sflag:$0x2], $0x8, s24, s15, $0xb8;
	[tilespmem:$0x1DB80] =	vst v63  }
0x16f: {  	s9 =	rddreg [dreg:$0x1e]  }
0x170: {  	[spmem:s3] =	stream.indirect.scatter.add.f32 [tilespmem:s29], [sflag:$0x2], $0x8, s8, s15, $0xb8;
	[tilespmem:$0x1DB80] =	vst v63  }
0x171: {  	s8 =	rddreg [dreg:$0x1f]  }
0x172: {  	[spmem:s3] =	stream.indirect.scatter.add.f32 [tilespmem:s30], [sflag:$0x2], $0x8, s9, s15, $0xb8;
	[tilespmem:$0x1DB80] =	vst v63  }
0x173: {  	s9 =	sld [smem:$0x7F7]  }
0x174: {  	[spmem:s3] =	stream.indirect.scatter.add.f32 [tilespmem:s31], [sflag:$0x2], $0x8, s8, s15, $0xb8;
	[tilespmem:$0x1DB80] =	vst v63  }
0x175: {  	s8 =	sld [smem:$0x7F8]  }
0x176: {  	[spmem:s3] =	stream.indirect.scatter.add.f32 [tilespmem:s0], [sflag:$0x2], $0x8, s9, s15, $0xb8;
	[tilespmem:$0x1DB80] =	vst v63  }
0x177: {  	s9 =	sld [smem:$0x7F9]  }
0x178: {  	[spmem:s3] =	stream.indirect.scatter.add.f32 [tilespmem:s1], [sflag:$0x2], $0x8, s8, s15, $0xb8;
	[tilespmem:$0x1DB80] =	vst v63  }
0x179: {  	s8 =	sld [smem:$0x7FA]  }
0x17a: {  	[spmem:s3] =	stream.indirect.scatter.add.f32 [tilespmem:s5], [sflag:$0x2], $0x8, s9, s15, $0xb8;
	[tilespmem:$0x1DB80] =	vst v63  }
0x17b: {  	_ = 	snop  }
0x17c: {  	[spmem:s3] =	stream.indirect.scatter.add.f32 [tilespmem:s6], [sflag:$0x2], $0x8, s8, s15, $0xb8;
	[tilespmem:$0x1DB80] =	vst v63  }
0x17d: {  	_ =	swait.ge [sflag:s25], $0x400  }
0x17e: {  	[sflag:s25] =	ssyncset.done $0x0  }
0x17f: {  	[sflag:s25] =	ssyncadd.s32 $0xFFFFFC00  }
0x180: {  	_ =	swait.ge [sflag:s25], $0x400  }
0x181: {  	[sflag:s25] =	ssyncset.done $0x0  }
0x182: {  	[sflag:s25] =	ssyncadd.s32 $0xFFFFFC00  }
0x183: {  	_ =	swait.ge [sflag:s25], $0x400  }
0x184: {  	[sflag:s25] =	ssyncset.done $0x0  }
0x185: {  	[sflag:s25] =	ssyncadd.s32 $0xFFFFFC00  }
0x186: {  	_ =	swait.ge [sflag:s25], $0x400  }
0x187: {  	[sflag:s25] =	ssyncset.done $0x0  }
0x188: {  	[sflag:s25] =	ssyncadd.s32 $0xFFFFFC00  }
0x189: {  	_ =	swait.ge [sflag:s25], $0x400  }
0x18a: {  	[sflag:s25] =	ssyncset.done $0x0  }
0x18b: {  	[sflag:s25] =	ssyncadd.s32 $0xFFFFFC00  }
0x18c: {  	_ =	swait.ge [sflag:s25], $0x400  }
0x18d: {  	[sflag:s25] =	ssyncset.done $0x0  }
0x18e: {  	[sflag:s25] =	ssyncadd.s32 $0xFFFFFC00  }
0x18f: {  	_ =	swait.ge [sflag:s25], $0x400  }
0x190: {  	[sflag:s25] =	ssyncset.done $0x0  }
0x191: {  	[sflag:s25] =	ssyncadd.s32 $0xFFFFFC00  }
0x192: {  	_ =	swait.ge [sflag:s25], $0x400  }
0x193: {  	[sflag:s25] =	ssyncset.done $0x0  }
0x194: {  	[sflag:s25] =	ssyncadd.s32 $0xFFFFFC00  }
0x195: {  	_ =	swait.ge [sflag:s25], $0x400  }
0x196: {  	[sflag:s25] =	ssyncset.done $0x0  }
0x197: {  	[sflag:s25] =	ssyncadd.s32 $0xFFFFFC00  }
0x198: {  	_ =	swait.ge [sflag:s25], $0x400  }
0x199: {  	[sflag:s25] =	ssyncset.done $0x0  }
0x19a: {  	[sflag:s25] =	ssyncadd.s32 $0xFFFFFC00  }
0x19b: {  	_ =	swait.ge [sflag:s25], $0x400  }
0x19c: {  	[sflag:s25] =	ssyncset.done $0x0  }
0x19d: {  	[sflag:s25] =	ssyncadd.s32 $0xFFFFFC00  }
0x19e: {  	_ =	swait.ge [sflag:s25], $0x400  }
0x19f: {  	[sflag:s25] =	ssyncset.done $0x0  }
0x1a0: {  	[sflag:s25] =	ssyncadd.s32 $0xFFFFFC00  }
0x1a1: {  	_ =	swait.ge [sflag:s25], $0x400  }
0x1a2: {  	[sflag:s25] =	ssyncset.done $0x0  }
0x1a3: {  	[sflag:s25] =	ssyncadd.s32 $0xFFFFFC00  }
0x1a4: {  	_ =	swait.ge [sflag:s25], $0x400  }
0x1a5: {  	[sflag:s25] =	ssyncset.done $0x0  }
0x1a6: {  	p0 =	sne.s32 s12, $0x6200;
	[sflag:s25] =	ssyncadd.s32 $0xFFFFFC00  }
.Ltmp2:
0x1a7: {  	_ =	swait.ge [sflag:s25], $0x400;
	(pc) =	sbr.rel @p0 .LBB2_6-.Ltmp2, $4  }
0x1a8: {  	[sflag:s25] =	ssyncset.done $0x0  }
0x1a9: {  	[sflag:s25] =	ssyncadd.s32 $0xFFFFFC00  }
0x1aa: {  	_ =	swait.ge [sflag:s25], $0x400  }
0x1ab: {  	s12 =	sadd.s32 $0x100, s12;
	s9 =	rddreg [dreg:$0x7];
	[sflag:s25] =	ssyncset.done $0x0  }
0x1ac: {  	[sflag:s25] =	ssyncadd.s32 $0xFFFFFC00;
	s8 =	sadd.s32 s7, s9  }
0x1ad: {  	[tilespmem:s16], [sflag:$0x3] =	stream.linear.gather [hbm4b:s8+s4], $0x400, $0x38;
	[tilespmem:$0x1DB80] =	vst v63  }
0x1ae: {  	_ =	swait.ge [sflag:s11], $0x400  }
0x1af: {  	s9 =	rddreg [dreg:$0x6];
	[sflag:s11] =	ssyncset.done $0x0  }
0x1b0: {  	[sflag:s11] =	ssyncadd.s32 $0xFFFFFC00;
	s8 =	sadd.s32 s7, s9  }
0x1b1: {  	[tilespmem:s13], [sflag:$0x3] =	stream.linear.gather [hbm4b:s8+s4], $0x400, $0x38;
	[tilespmem:$0x1DB80] =	vst v63  }
0x1b2: {  	_ =	swait.ge [sflag:s11], $0x400  }
0x1b3: {  	[sflag:s11] =	ssyncset.done $0x0  }
0x1b4: {  	s12 =	rddreg [dreg:$0x8];
	[sflag:s11] =	ssyncadd.s32 $0xFFFFFC00  }
0x1b5: {  	[tilespmem:s10], [sflag:$0x1] =	stream.indirect.gather [spmem:s2], $0x8, s16, s15, $0xb8;
	[tilespmem:$0x1DB80] =	vst v63  }
0x1b6: {  	s16 =	rddreg [dreg:$0x9]  }
0x1b7: {  	[tilespmem:s17], [sflag:$0x1] =	stream.indirect.gather [spmem:s2], $0x8, s12, s15, $0xb8;
	[tilespmem:$0x1DB80] =	vst v63  }
0x1b8: {  	s12 =	rddreg [dreg:$0xa]  }
0x1b9: {  	[tilespmem:s18], [sflag:$0x1] =	stream.indirect.gather [spmem:s2], $0x8, s16, s15, $0xb8;
	[tilespmem:$0x1DB80] =	vst v63  }
0x1ba: {  	s16 =	rddreg [dreg:$0xb]  }
0x1bb: {  	[tilespmem:s19], [sflag:$0x1] =	stream.indirect.gather [spmem:s2], $0x8, s12, s15, $0xb8;
	[tilespmem:$0x1DB80] =	vst v63  }
0x1bc: {  	s12 =	rddreg [dreg:$0xc]  }
0x1bd: {  	[tilespmem:s20], [sflag:$0x1] =	stream.indirect.gather [spmem:s2], $0x8, s16, s15, $0xb8;
	[tilespmem:$0x1DB80] =	vst v63  }
0x1be: {  	s16 =	rddreg [dreg:$0xd]  }
0x1bf: {  	[tilespmem:s21], [sflag:$0x1] =	stream.indirect.gather [spmem:s2], $0x8, s12, s15, $0xb8;
	[tilespmem:$0x1DB80] =	vst v63  }
0x1c0: {  	s12 =	rddreg [dreg:$0xe]  }
0x1c1: {  	[tilespmem:s14], [sflag:$0x1] =	stream.indirect.gather [spmem:s2], $0x8, s16, s15, $0xb8;
	[tilespmem:$0x1DB80] =	vst v63  }
0x1c2: {  	s16 =	rddreg [dreg:$0x4]  }
0x1c3: {  	[tilespmem:s22], [sflag:$0x1] =	stream.indirect.gather [spmem:s2], $0x8, s12, s15, $0xb8;
	[tilespmem:$0x1DB80] =	vst v63  }
0x1c4: {  	s12 =	sadd.s32 s7, s16  }
0x1c5: {  	[tilespmem:s23], [sflag:$0x3] =	stream.linear.gather [hbm4b:s12+s4], $0x400, $0x38;
	[tilespmem:$0x1DB80] =	vst v63  }
0x1c6: {  	_ =	swait.ge [sflag:s11], $0x400  }
0x1c7: {  	s16 =	rddreg [dreg:$0x5];
	[sflag:s11] =	ssyncset.done $0x0  }
0x1c8: {  	[sflag:s11] =	ssyncadd.s32 $0xFFFFFC00;
	s9 =	sadd.s32 s7, s16  }
0x1c9: {  	[tilespmem:s24], [sflag:$0x3] =	stream.linear.gather [hbm4b:s9+s4], $0x400, $0x38;
	[tilespmem:$0x1DB80] =	vst v63  }
0x1ca: {  	_ =	swait.ge [sflag:s11], $0x400  }
0x1cb: {  	[sflag:s11] =	ssyncset.done $0x0  }
0x1cc: {  	[sflag:s11] =	ssyncadd.s32 $0xFFFFFC00  }
0x1cd: {  	_ =	swait.ge [sflag:s26], $0x400  }
0x1ce: {  	[sflag:s26] =	ssyncset.done $0x0  }
0x1cf: {  	[sflag:s26] =	ssyncadd.s32 $0xFFFFFC00  }
0x1d0: {  	_ =	swait.ge [sflag:s26], $0x400  }
0x1d1: {  	[sflag:s26] =	ssyncset.done $0x0  }
0x1d2: {  	[sflag:s26] =	ssyncadd.s32 $0xFFFFFC00  }
0x1d3: {  	_ =	swait.ge [sflag:s26], $0x400  }
0x1d4: {  	[sflag:s26] =	ssyncset.done $0x0  }
0x1d5: {  	[sflag:s26] =	ssyncadd.s32 $0xFFFFFC00  }
0x1d6: {  	_ =	swait.ge [sflag:s26], $0x400  }
0x1d7: {  	[sflag:s26] =	ssyncset.done $0x0  }
0x1d8: {  	[sflag:s26] =	ssyncadd.s32 $0xFFFFFC00  }
0x1d9: {  	_ =	swait.ge [sflag:s26], $0x400  }
0x1da: {  	[sflag:s26] =	ssyncset.done $0x0  }
0x1db: {  	[sflag:s26] =	ssyncadd.s32 $0xFFFFFC00  }
0x1dc: {  	_ =	swait.ge [sflag:s26], $0x400  }
0x1dd: {  	[sflag:s26] =	ssyncset.done $0x0  }
0x1de: {  	[sflag:s26] =	ssyncadd.s32 $0xFFFFFC00  }
0x1df: {  	_ =	swait.ge [sflag:s26], $0x400  }
0x1e0: {  	[sflag:s26] =	ssyncset.done $0x0  }
0x1e1: {  	[sflag:s26] =	ssyncadd.s32 $0xFFFFFC00  }
0x1e2: {  	_ =	swait.ge [sflag:s26], $0x400  }
0x1e3: {  	[sflag:s26] =	ssyncset.done $0x0  }
0x1e4: {  	[sflag:s26] =	ssyncadd.s32 $0xFFFFFC00  }
0x1e5: {  	[spmem:s3] =	stream.indirect.scatter.add.f32 [tilespmem:s10], [sflag:$0x2], $0x8, s13, s15, $0xb8;
	[tilespmem:$0x1DB80] =	vst v63  }
0x1e6: {  	s12 =	rddreg [dreg:$0xf]  }
0x1e7: {  	[spmem:s3] =	stream.indirect.scatter.add.f32 [tilespmem:s17], [sflag:$0x2], $0x8, s12, s15, $0xb8;
	[tilespmem:$0x1DB80] =	vst v63  }
0x1e8: {  	s16 =	rddreg [dreg:$0x10]  }
0x1e9: {  	[spmem:s3] =	stream.indirect.scatter.add.f32 [tilespmem:s18], [sflag:$0x2], $0x8, s16, s15, $0xb8;
	[tilespmem:$0x1DB80] =	vst v63  }
0x1ea: {  	s9 =	rddreg [dreg:$0x11]  }
0x1eb: {  	[spmem:s3] =	stream.indirect.scatter.add.f32 [tilespmem:s19], [sflag:$0x2], $0x8, s9, s15, $0xb8;
	[tilespmem:$0x1DB80] =	vst v63  }
0x1ec: {  	s12 =	rddreg [dreg:$0x12]  }
0x1ed: {  	[spmem:s3] =	stream.indirect.scatter.add.f32 [tilespmem:s20], [sflag:$0x2], $0x8, s12, s15, $0xb8;
	[tilespmem:$0x1DB80] =	vst v63  }
0x1ee: {  	s13 =	rddreg [dreg:$0x13]  }
0x1ef: {  	[spmem:s3] =	stream.indirect.scatter.add.f32 [tilespmem:s21], [sflag:$0x2], $0x8, s13, s15, $0xb8;
	[tilespmem:$0x1DB80] =	vst v63  }
0x1f0: {  	s16 =	rddreg [dreg:$0x14]  }
0x1f1: {  	[spmem:s3] =	stream.indirect.scatter.add.f32 [tilespmem:s14], [sflag:$0x2], $0x8, s16, s15, $0xb8;
	[tilespmem:$0x1DB80] =	vst v63  }
0x1f2: {  	s9 =	rddreg [dreg:$0x15]  }
0x1f3: {  	[spmem:s3] =	stream.indirect.scatter.add.f32 [tilespmem:s22], [sflag:$0x2], $0x8, s9, s15, $0xb8;
	[tilespmem:$0x1DB80] =	vst v63  }
0x1f4: {  	_ = 	snop  }
0x1f5: {  	[tilespmem:s28], [sflag:$0x1] =	stream.indirect.gather [spmem:s2], $0x8, s23, s15, $0xb8;
	[tilespmem:$0x1DB80] =	vst v63  }
0x1f6: {  	s12 =	rddreg [dreg:$0x16]  }
0x1f7: {  	[tilespmem:s29], [sflag:$0x1] =	stream.indirect.gather [spmem:s2], $0x8, s12, s15, $0xb8;
	[tilespmem:$0x1DB80] =	vst v63  }
0x1f8: {  	s13 =	rddreg [dreg:$0x17]  }
0x1f9: {  	[tilespmem:s30], [sflag:$0x1] =	stream.indirect.gather [spmem:s2], $0x8, s13, s15, $0xb8;
	[tilespmem:$0x1DB80] =	vst v63  }
0x1fa: {  	s14 =	rddreg [dreg:$0x18]  }
0x1fb: {  	[tilespmem:s31], [sflag:$0x1] =	stream.indirect.gather [spmem:s2], $0x8, s14, s15, $0xb8;
	[tilespmem:$0x1DB80] =	vst v63  }
0x1fc: {  	s16 =	rddreg [dreg:$0x19]  }
0x1fd: {  	[tilespmem:s0], [sflag:$0x1] =	stream.indirect.gather [spmem:s2], $0x8, s16, s15, $0xb8;
	[tilespmem:$0x1DB80] =	vst v63  }
0x1fe: {  	s9 =	rddreg [dreg:$0x1a]  }
0x1ff: {  	[tilespmem:s1], [sflag:$0x1] =	stream.indirect.gather [spmem:s2], $0x8, s9, s15, $0xb8;
	[tilespmem:$0x1DB80] =	vst v63  }
0x200: {  	s12 =	rddreg [dreg:$0x1b]  }
0x201: {  	[tilespmem:s5], [sflag:$0x1] =	stream.indirect.gather [spmem:s2], $0x8, s12, s15, $0xb8;
	[tilespmem:$0x1DB80] =	vst v63  }
0x202: {  	s13 =	rddreg [dreg:$0x1c]  }
0x203: {  	[tilespmem:s6], [sflag:$0x1] =	stream.indirect.gather [spmem:s2], $0x8, s13, s15, $0xb8;
	[tilespmem:$0x1DB80] =	vst v63  }
0x204: {  	_ =	swait.ge [sflag:s26], $0x400  }
0x205: {  	[sflag:s26] =	ssyncset.done $0x0  }
0x206: {  	[sflag:s26] =	ssyncadd.s32 $0xFFFFFC00  }
0x207: {  	_ =	swait.ge [sflag:s26], $0x400  }
0x208: {  	[sflag:s26] =	ssyncset.done $0x0  }
0x209: {  	[sflag:s26] =	ssyncadd.s32 $0xFFFFFC00  }
0x20a: {  	_ =	swait.ge [sflag:s26], $0x400  }
0x20b: {  	[sflag:s26] =	ssyncset.done $0x0  }
0x20c: {  	[sflag:s26] =	ssyncadd.s32 $0xFFFFFC00  }
0x20d: {  	_ =	swait.ge [sflag:s26], $0x400  }
0x20e: {  	[sflag:s26] =	ssyncset.done $0x0  }
0x20f: {  	[sflag:s26] =	ssyncadd.s32 $0xFFFFFC00  }
0x210: {  	_ =	swait.ge [sflag:s26], $0x400  }
0x211: {  	[sflag:s26] =	ssyncset.done $0x0  }
0x212: {  	[sflag:s26] =	ssyncadd.s32 $0xFFFFFC00  }
0x213: {  	_ =	swait.ge [sflag:s26], $0x400  }
0x214: {  	[sflag:s26] =	ssyncset.done $0x0  }
0x215: {  	[sflag:s26] =	ssyncadd.s32 $0xFFFFFC00  }
0x216: {  	_ =	swait.ge [sflag:s26], $0x400  }
0x217: {  	[sflag:s26] =	ssyncset.done $0x0  }
0x218: {  	[sflag:s26] =	ssyncadd.s32 $0xFFFFFC00  }
0x219: {  	_ =	swait.ge [sflag:s26], $0x400  }
0x21a: {  	[sflag:s26] =	ssyncset.done $0x0  }
0x21b: {  	s14 =	rddreg [dreg:$0x1d];
	[sflag:s26] =	ssyncadd.s32 $0xFFFFFC00  }
0x21c: {  	[spmem:s3] =	stream.indirect.scatter.add.f32 [tilespmem:s28], [sflag:$0x2], $0x8, s24, s15, $0xb8;
	[tilespmem:$0x1DB80] =	vst v63  }
0x21d: {  	s16 =	rddreg [dreg:$0x1e]  }
0x21e: {  	[spmem:s3] =	stream.indirect.scatter.add.f32 [tilespmem:s29], [sflag:$0x2], $0x8, s14, s15, $0xb8;
	[tilespmem:$0x1DB80] =	vst v63  }
0x21f: {  	s9 =	rddreg [dreg:$0x1f]  }
0x220: {  	[spmem:s3] =	stream.indirect.scatter.add.f32 [tilespmem:s30], [sflag:$0x2], $0x8, s16, s15, $0xb8;
	[tilespmem:$0x1DB80] =	vst v63  }
0x221: {  	s12 =	sld [smem:$0x7F7]  }
0x222: {  	[spmem:s3] =	stream.indirect.scatter.add.f32 [tilespmem:s31], [sflag:$0x2], $0x8, s9, s15, $0xb8;
	[tilespmem:$0x1DB80] =	vst v63  }
0x223: {  	s13 =	sld [smem:$0x7F8]  }
0x224: {  	[spmem:s3] =	stream.indirect.scatter.add.f32 [tilespmem:s0], [sflag:$0x2], $0x8, s12, s15, $0xb8;
	[tilespmem:$0x1DB80] =	vst v63  }
0x225: {  	s14 =	sld [smem:$0x7F9]  }
0x226: {  	[spmem:s3] =	stream.indirect.scatter.add.f32 [tilespmem:s1], [sflag:$0x2], $0x8, s13, s15, $0xb8;
	[tilespmem:$0x1DB80] =	vst v63  }
0x227: {  	s16 =	sld [smem:$0x7FA]  }
0x228: {  	[spmem:s3] =	stream.indirect.scatter.add.f32 [tilespmem:s5], [sflag:$0x2], $0x8, s14, s15, $0xb8;
	[tilespmem:$0x1DB80] =	vst v63  }
0x229: {  	_ = 	snop  }
0x22a: {  	[spmem:s3] =	stream.indirect.scatter.add.f32 [tilespmem:s6], [sflag:$0x2], $0x8, s16, s15, $0xb8;
	[tilespmem:$0x1DB80] =	vst v63  }
0x22b: {  	_ =	swait.ge [sflag:s25], $0x400  }
0x22c: {  	[sflag:s25] =	ssyncset.done $0x0  }
0x22d: {  	[sflag:s25] =	ssyncadd.s32 $0xFFFFFC00  }
0x22e: {  	_ =	swait.ge [sflag:s25], $0x400  }
0x22f: {  	[sflag:s25] =	ssyncset.done $0x0  }
0x230: {  	[sflag:s25] =	ssyncadd.s32 $0xFFFFFC00  }
0x231: {  	_ =	swait.ge [sflag:s25], $0x400  }
0x232: {  	[sflag:s25] =	ssyncset.done $0x0  }
0x233: {  	[sflag:s25] =	ssyncadd.s32 $0xFFFFFC00  }
0x234: {  	_ =	swait.ge [sflag:s25], $0x400  }
0x235: {  	[sflag:s25] =	ssyncset.done $0x0  }
0x236: {  	[sflag:s25] =	ssyncadd.s32 $0xFFFFFC00  }
0x237: {  	_ =	swait.ge [sflag:s25], $0x400  }
0x238: {  	[sflag:s25] =	ssyncset.done $0x0  }
0x239: {  	[sflag:s25] =	ssyncadd.s32 $0xFFFFFC00  }
0x23a: {  	_ =	swait.ge [sflag:s25], $0x400  }
0x23b: {  	[sflag:s25] =	ssyncset.done $0x0  }
0x23c: {  	[sflag:s25] =	ssyncadd.s32 $0xFFFFFC00  }
0x23d: {  	_ =	swait.ge [sflag:s25], $0x400  }
0x23e: {  	[sflag:s25] =	ssyncset.done $0x0  }
0x23f: {  	[sflag:s25] =	ssyncadd.s32 $0xFFFFFC00  }
0x240: {  	_ =	swait.ge [sflag:s25], $0x400  }
0x241: {  	[sflag:s25] =	ssyncset.done $0x0  }
0x242: {  	[sflag:s25] =	ssyncadd.s32 $0xFFFFFC00  }
0x243: {  	_ =	swait.ge [sflag:s25], $0x400  }
0x244: {  	[sflag:s25] =	ssyncset.done $0x0  }
0x245: {  	[sflag:s25] =	ssyncadd.s32 $0xFFFFFC00  }
0x246: {  	_ =	swait.ge [sflag:s25], $0x400  }
0x247: {  	[sflag:s25] =	ssyncset.done $0x0  }
0x248: {  	[sflag:s25] =	ssyncadd.s32 $0xFFFFFC00  }
0x249: {  	_ =	swait.ge [sflag:s25], $0x400  }
0x24a: {  	[sflag:s25] =	ssyncset.done $0x0  }
0x24b: {  	[sflag:s25] =	ssyncadd.s32 $0xFFFFFC00  }
0x24c: {  	_ =	swait.ge [sflag:s25], $0x400  }
0x24d: {  	[sflag:s25] =	ssyncset.done $0x0  }
0x24e: {  	[sflag:s25] =	ssyncadd.s32 $0xFFFFFC00  }
0x24f: {  	_ =	swait.ge [sflag:s25], $0x400  }
0x250: {  	[sflag:s25] =	ssyncset.done $0x0  }
0x251: {  	[sflag:s25] =	ssyncadd.s32 $0xFFFFFC00  }
0x252: {  	_ =	swait.ge [sflag:s25], $0x400  }
0x253: {  	[sflag:s25] =	ssyncset.done $0x0  }
0x254: {  	[sflag:s25] =	ssyncadd.s32 $0xFFFFFC00  }
0x255: {  	_ =	swait.ge [sflag:s25], $0x400  }
0x256: {  	[sflag:s25] =	ssyncset.done $0x0  }
0x257: {  	[sflag:s25] =	ssyncadd.s32 $0xFFFFFC00  }
0x258: {  	_ =	swait.ge [sflag:s25], $0x400  }
0x259: {  	[sflag:s25] =	ssyncset.done $0x0  }
0x25a: {  	[sflag:s25] =	ssyncadd.s32 $0xFFFFFC00  }
0x25b: {  	[bflag:$0x0] =	sbarrier.arrive $0xFFFF  }
0x25c: {  	s12 =	sld [smem:$0x7F4]  }
0x25d: {  	s9 =	stileid.u32;
	s13 =	sld [smem:$0x7FB]  }
0x25e: {  	s7 =	sshll.u32 s9, $0x6  }
0x25f: {  	s7 =	sor.u32 $0x1C03, s7  }
0x260: {  	[hbm:s12], [sflag:s7] =	dma.local [spmem:s13], $0x1880  }
0x261: {  	_ =	swait.ge [sflag:s11], $0x1880  }
0x262: {  	s14 =	sld [smem:$0x7F3]  }
0x263: {  	s16 =	sld [smem:$0x7F5];
	_ =	sdelay $0x1  }
0x264: {  	s8 =	sadd.s32 $0x1, s14  }
0x265: {  	p0 =	sne.s32 s8, s16  }
.Ltmp3:
0x266: {  	_ = 	snop;
	(pc) =	sbr.rel @p0 .LBB2_1-.Ltmp3, $3  }
0x267: {  	_ =	sdelay $0x1  }
0x268: {  	[sflag:s11] =	ssyncset.done $0x0;
	s13 =	sld [smem:$0x7FC]  }
0x269: {  	s9 =	simm.s32 $0x1D800;
	[sflag:s11] =	ssyncadd.s32 $0xFFFFE780;
	s14 =	sld [smem:$0x7FD]  }
0x26a: {  	_ =	sfence.sel $0x180000  }
0x26b: {  	[bflag:$0x0] =	sbarrier.arrive $0xFFFF  }
0x26c: {  	_ =	strace $0x9000004A  }
0x26d: {  	s0 =	stileid.u32;
	[bflag:$0x2] =	sbarrier.arrive $0xFFFF  }
0x26e: {  	p0 =	sne.s32 s0, $0x0;
	s0 =	rddreg [dreg:$0x3]  }
0x26f: {  	s0 =	sadd.s32 @!p0 $0x100000, s0  }
0x270: {  	[sflag:s0] =	ssyncadd.tile.s32 @!p0 $0x1;
	_ =	shalt  }
.Lfunc_end2:
_tile_overlayer_lowered:
.L_overlay_start_2:
0x271: {  	(tag) =	ssettag $0x2  }
0x272: {  	s0 =	rddreg [dreg:$0x0];
	s2 =	stileid.u32  }
0x273: {  	s1 =	rddreg [dreg:$0x1];
	p0 =	sne.s32 s2, $0x0  }
0x274: {  	s3 =	rddreg [dreg:$0x2];
	[bflag:$0x3] =	sbarrier.arrive $0xFFFF;
	s2 =	simm.s32 @!p0 $0x1C03  }
0x275: {  	[timem:s3], [sflag:s2] =	dma.local @!p0 [hbm:s0], s1  }
0x276: {  	s0 =	simm.s32 @!p0 $0x3  }
0x277: {  	_ =	swait.ge @!p0 [sflag:s0], s1  }
0x278: {  	s1 =	ssub.s32 @!p0 $0x0, s1;
	[sflag:s0] =	ssyncset.done @!p0 $0x0  }
0x279: {  	[sflag:s0] =	ssyncadd.s32 @!p0 s1  }
0x27a: {  	[bflag:$0x3] =	sbarrier.arrive $0xFFFF  }
0x27b: {  	_ =	shalt  }

</sc_bundles>
